<compile_context>
chip_gen: v7x
topology: tpu7x:2x2x1
jax: 0.10.2.dev20260603
libtpu: 0.0.44.dev20260713+nightly
codegen_flags: <defaults>
</compile_context>

<pallas_src>
import jax
import jax.numpy as jnp
from jax import lax
from jax.experimental import pallas as pl
from jax.experimental.pallas import tpu as pltpu
from jax.experimental.pallas import tpu_sc as plsc

_N = 10000
_E = 320000
_D = 128

_NC = 2
_NS = 16
_NWK = _NC * _NS
_CH = 128
_NCHK = _E // _CH
_CREM = _NCHK % _NWK
_CBASE = _NCHK // _NWK
_CMAX = _CBASE + 1
_BLK = 4
_PCAP = 80 * _CH
_NP = 10240
_RPT = _NP // _NS
_BR = 2000
_DUMP = _N + 64
_CROWS = _NP // 16


def _sc_compact_body(src2d_hbm, dst2d_hbm, fr_hbm, iota_hbm, csrc_hbm,
                     cdst_hbm, nch_hbm, cnt_out_hbm, fbuf, sall, dall, osrc,
                     odst, cbuf, iotab, cvec, cnt2):
    cid = lax.axis_index("c")
    sid = lax.axis_index("s")
    wid = sid * _NC + cid
    c0 = wid * _CBASE + lax.min(wid, _CREM)
    cnt = _CBASE + jnp.where(wid < _CREM, 1, 0)
    r0c = sid * (_CROWS // _NS)

    pltpu.sync_copy(fr_hbm, fbuf)
    pltpu.sync_copy(iota_hbm, iotab)
    pltpu.sync_copy(src2d_hbm.at[pl.ds(c0, _CMAX)], sall)
    pltpu.sync_copy(dst2d_hbm.at[pl.ds(c0, _CMAX)], dall)

    zsv = jnp.zeros((16,), jnp.float32)

    def zero_cbuf(i, carry):
        cbuf[i] = zsv
        return carry

    lax.fori_loop(0, _CROWS, zero_cbuf, 0)
    pltpu.sync_copy(cbuf.at[pl.ds(0, _CROWS // _NS)],
                    cnt2.at[pl.ds(r0c, _CROWS // _NS)])

    lane = lax.iota(jnp.int32, 16)

    def prefill(i, carry):
        spread = (lane + i * 16) & 127
        osrc[pl.ds(i * 16, 16)] = spread
        odst[pl.ds(i * 16, 16)] = _N + spread
        return carry

    lax.fori_loop(0, _PCAP // 16, prefill, 0)
    plsc.subcore_barrier()

    onev = jnp.ones((16,), jnp.float32)

    def chunk(j, cur):
        for t in range(_CH // 16):
            sv = sall[j, pl.ds(t * 16, 16)]
            dv = dall[j, pl.ds(t * 16, 16)]
            plsc.addupdate_scatter(cbuf, [dv >> 4, dv & 15], onev)
            fv = plsc.load_gather(fbuf, [sv])
            m = fv == 0
            plsc.store_compressed(osrc.at[pl.ds(cur, 16)], sv, mask=m)
            plsc.store_compressed(odst.at[pl.ds(cur, 16)], dv, mask=m)
            cur = cur + jnp.max(plsc.all_reduce_population_count(m))
        return cur

    cur = lax.fori_loop(0, cnt, chunk, jnp.int32(0))
    nblk = (cur + _BLK * _CH - 1) // (_BLK * _CH)

    for k in range(_CROWS // _CH):
        pltpu.sync_copy(cbuf.at[pl.ds(k * _CH, _CH)], cnt2.at[iotab.at[k]],
                        add=True)

    pltpu.sync_copy(osrc, csrc_hbm.at[wid])
    pltpu.sync_copy(odst, cdst_hbm.at[wid])
    cvec[...] = jnp.broadcast_to(nblk, (16,))
    pltpu.sync_copy(cvec, nch_hbm.at[wid])

    plsc.subcore_barrier()
    pltpu.sync_copy(cnt2.at[pl.ds(r0c, _CROWS // _NS)],
                    cnt_out_hbm.at[cid, pl.ds(r0c, _CROWS // _NS)])


def _sc_scatter_body(x_hbm, csrc_hbm, cdst_hbm, nch_hbm, zeros_hbm,
                     acc_out_hbm, sblks, dblks, rows, cvec,
                     isems, gsems, ssems, acc):
    cid = lax.axis_index("c")
    sid = lax.axis_index("s")
    wid = sid * _NC + cid
    r0 = sid * _RPT
    pltpu.sync_copy(zeros_hbm.at[pl.ds(r0, _RPT)], acc.at[pl.ds(r0, _RPT)])
    pltpu.sync_copy(nch_hbm.at[wid], cvec)
    plsc.subcore_barrier()

    nblk = jnp.max(cvec[...])

    def fetch(b, p):
        o = pl.multiple_of(b * _BLK * _CH, 8)
        pltpu.async_copy(csrc_hbm.at[wid, pl.ds(o, _BLK * _CH)], sblks[p],
                         isems[2 * p])
        pltpu.async_copy(cdst_hbm.at[wid, pl.ds(o, _BLK * _CH)], dblks[p],
                         isems[2 * p + 1])

    def fwait(p):
        pltpu.make_async_copy(csrc_hbm.at[wid, pl.ds(0, _BLK * _CH)],
                              sblks[p], isems[2 * p]).wait()
        pltpu.make_async_copy(cdst_hbm.at[wid, pl.ds(0, _BLK * _CH)],
                              dblks[p], isems[2 * p + 1]).wait()

    def process(p):
        sblk, dblk = sblks[p], dblks[p]

        def gather(u, q):
            return pltpu.async_copy(x_hbm.at[sblk.at[pl.ds(u * _CH, _CH)]],
                                    rows[q], gsems[q])

        def scatter(u, q):
            return pltpu.async_copy(rows[q], acc.at[dblk.at[pl.ds(u * _CH, _CH)]],
                                    ssems[q], add=True)

        gd, sc = {}, {}
        gd[0] = gather(0, 0)
        gd[1] = gather(1, 1)
        for u in range(0, _BLK, 2):
            gd[u].wait()
            sc[u] = scatter(u, 0)
            gd[u + 1].wait()
            sc[u + 1] = scatter(u + 1, 1)
            if u + 3 < _BLK:
                sc[u].wait()
                gd[u + 2] = gather(u + 2, 0)
                sc[u + 1].wait()
                gd[u + 3] = gather(u + 3, 1)
        sc[_BLK - 2].wait()
        sc[_BLK - 1].wait()

    @pl.when(nblk > 0)
    def _():
        fetch(0, 0)

        def pair(i, carry):
            b0 = 2 * i
            b1 = b0 + 1
            fwait(0)
            fetch(lax.min(b1, nblk - 1), 1)
            process(0)
            fwait(1)
            fetch(lax.min(b0 + 2, nblk - 1), 0)

            @pl.when(b1 < nblk)
            def _():
                process(1)

            return carry

        lax.fori_loop(0, (nblk + 1) // 2, pair, 0)
        fwait(0)

    plsc.subcore_barrier()
    pltpu.sync_copy(acc.at[pl.ds(r0, _RPT)], acc_out_hbm.at[cid, pl.ds(r0, _RPT)])


def _combine_body(acc_ref, cnt_ref, x_ref, f_ref, agg_ref, wn_ref, b_ref,
                  wr_ref, ffull_ref, out_ref):
    summed = acc_ref[0] + acc_ref[1]
    count = cnt_ref[0] + cnt_ref[1]
    mean = summed / jnp.maximum(count, 1.0)
    f = f_ref[...]
    xz = x_ref[...] * (1.0 - f)
    agg = agg_ref[...]
    use_hybrid = jnp.max(ffull_ref[...]) > 0.0
    target = (jnp.sum(jnp.abs(agg), axis=1, keepdims=True) > 0.0) & use_hybrid
    neigh_in = jnp.where(target, agg, mean)
    root_in = jnp.where(target, 0.0, xz)
    out_ref[...] = (
        jnp.dot(neigh_in, wn_ref[...], preferred_element_type=jnp.float32)
        + b_ref[...]
        + jnp.dot(root_in, wr_ref[...], preferred_element_type=jnp.float32))


def kernel(x, edge_index, frontier_mask, aggregated_neighbors,
           W_neigh, b_neigh, W_root):
    f = frontier_mask.astype(jnp.float32).reshape(_N, 1)
    fr_i = frontier_mask.astype(jnp.int32)
    src2d = jnp.pad(edge_index[0].reshape(_NCHK, _CH), ((0, 1), (0, 0)))
    dst2d = jnp.pad(edge_index[1].reshape(_NCHK, _CH), ((0, 1), (0, 0)))
    zeros = jnp.zeros((_NP, _D), jnp.float32)
    b2 = b_neigh.reshape(1, _D)

    mesh = plsc.VectorSubcoreMesh(core_axis_name="c", subcore_axis_name="s")
    params = pltpu.CompilerParams(use_tc_tiling_on_sc=False,
                                  needs_layout_passes=False)
    sc_compact = pl.kernel(
        _sc_compact_body,
        mesh=mesh,
        compiler_params=params,
        out_type=[jax.ShapeDtypeStruct((_NWK, _PCAP), jnp.int32),
                  jax.ShapeDtypeStruct((_NWK, _PCAP), jnp.int32),
                  jax.ShapeDtypeStruct((_NWK, 16), jnp.int32),
                  jax.ShapeDtypeStruct((_NC, _CROWS, 16), jnp.float32)],
        scratch_types=[
            pltpu.VMEM((_N,), jnp.int32),
            pltpu.VMEM((_CMAX, _CH), jnp.int32),
            pltpu.VMEM((_CMAX, _CH), jnp.int32),
            pltpu.VMEM((_PCAP,), jnp.int32),
            pltpu.VMEM((_PCAP,), jnp.int32),
            pltpu.VMEM((_CROWS, 16), jnp.float32),
            pltpu.VMEM((_CROWS // _CH, _CH), jnp.int32),
            pltpu.VMEM((16,), jnp.int32),
            pltpu.VMEM_SHARED((_CROWS, 16), jnp.float32),
        ],
    )
    iota_rows = jnp.arange(_CROWS, dtype=jnp.int32).reshape(_CROWS // _CH, _CH)
    csrc, cdst, nch, cnt2 = sc_compact(src2d, dst2d, fr_i, iota_rows)

    sc_scatter = pl.kernel(
        _sc_scatter_body,
        mesh=mesh,
        compiler_params=params,
        out_type=jax.ShapeDtypeStruct((_NC, _NP, _D), jnp.float32),
        scratch_types=[
            [pltpu.VMEM((_BLK * _CH,), jnp.int32) for _ in range(2)],
            [pltpu.VMEM((_BLK * _CH,), jnp.int32) for _ in range(2)],
            [pltpu.VMEM((_CH, _D), jnp.float32) for _ in range(2)],
            pltpu.VMEM((16,), jnp.int32),
            [pltpu.SemaphoreType.DMA for _ in range(4)],
            [pltpu.SemaphoreType.DMA for _ in range(2)],
            [pltpu.SemaphoreType.DMA for _ in range(2)],
            pltpu.VMEM_SHARED((_NP, _D), jnp.float32),
        ],
    )
    acc = sc_scatter(x, csrc, cdst, nch, zeros)

    cnt3 = cnt2.reshape(_NC, _NP, 1)
    out = pl.pallas_call(
        _combine_body,
        grid=(_N // _BR,),
        in_specs=[
            pl.BlockSpec((_NC, _BR, _D), lambda i: (0, i, 0)),
            pl.BlockSpec((_NC, _BR, 1), lambda i: (0, i, 0)),
            pl.BlockSpec((_BR, _D), lambda i: (i, 0)),
            pl.BlockSpec((_BR, 1), lambda i: (i, 0)),
            pl.BlockSpec((_BR, _D), lambda i: (i, 0)),
            pl.BlockSpec((_D, _D), lambda i: (0, 0)),
            pl.BlockSpec((1, _D), lambda i: (0, 0)),
            pl.BlockSpec((_D, _D), lambda i: (0, 0)),
            pl.BlockSpec((_N, 1), lambda i: (0, 0)),
        ],
        out_specs=pl.BlockSpec((_BR, _D), lambda i: (i, 0)),
        out_shape=jax.ShapeDtypeStruct((_N, _D), jnp.float32),
    )(acc, cnt3, x, f, aggregated_neighbors, W_neigh, b2, W_root, f)
    return out

# --- scband reference (transcript-rebuilt; emitter-appended) ---
"""Pipeline reference for scband-hybrid-last-hop-wrapper-34325378630263 (READ-ONLY COPY).

The authoritative reference and input builder live on the scoring server;
editing this copy changes nothing except your own understanding.
"""

import jax, jax.numpy as jnp
import numpy as np

N = 10000
E = 320000
D = 128

def setup_inputs(seed: int = 0) -> dict:
    key = jax.random.key(seed)
    ks = jax.random.split(key, 8)
    x = jax.random.normal(ks[0], (N, D), dtype=jnp.float32)
    edge_index = jax.random.randint(ks[1], (2, E), 0, N, dtype=jnp.int32)
    frontier_mask = jax.random.randint(ks[2], (N,), 0, 2, dtype=jnp.int32).astype(bool)
    aggregated_neighbors = jax.random.normal(ks[3], (N, D), dtype=jnp.float32)
    # Learned params of the inner model's first (and only) MP layer: SAGEConv(mean)
    scale = 1.0 / np.sqrt(D)
    W_neigh = jax.random.normal(ks[4], (D, D), dtype=jnp.float32) * scale  # lin_l (neighbor transform)
    b_neigh = jax.random.normal(ks[5], (D,), dtype=jnp.float32) * 0.01
    W_root = jax.random.normal(ks[6], (D, D), dtype=jnp.float32) * scale   # lin_r (root transform)
    return {"x": x, "edge_index": edge_index, "frontier_mask": frontier_mask,
            "aggregated_neighbors": aggregated_neighbors,
            "W_neigh": W_neigh, "b_neigh": b_neigh, "W_root": W_root}


def _sage_layer(x_in, edge_index, W_neigh, b_neigh, W_root):
    # SAGEConv with mean aggregation: out = mean_{j in N(i)} x_j @ W_neigh + b + x_i @ W_root
    src = edge_index[0]
    dst = edge_index[1]
    msg = jnp.take(x_in, src, axis=0)                      # gather source features per edge
    summed = jax.ops.segment_sum(msg, dst, num_segments=N)  # scatter-add to dst nodes
    count = jax.ops.segment_sum(jnp.ones((msg.shape[0],), dtype=x_in.dtype), dst, num_segments=N)
    mean = summed / jnp.maximum(count, 1.0)[:, None]
    return mean @ W_neigh + b_neigh + x_in @ W_root


def _apply_preagg(preagg, W_neigh, b_neigh):
    # PreAggAdapter.apply_preagg: layer's learnable neighbor transform on pre-aggregated tensor
    return preagg @ W_neigh + b_neigh


def reference(x, edge_index, frontier_mask, aggregated_neighbors, W_neigh, b_neigh, W_root):
    # use_hybrid = frontier_mask is not None and aggregated_neighbors is not None
    #              and frontier_mask.numel() > 0 and frontier_mask.any()
    use_hybrid = jnp.any(frontier_mask)

    # Plain path: inner(x, edge_index) with no hooks
    out_plain = _sage_layer(x, edge_index, W_neigh, b_neigh, W_root)

    # Hybrid path:
    # pre-hook _zero_frontier: zero features of frontier nodes before the first MP layer
    x_zeroed = jnp.where(frontier_mask[:, None], 0.0, x)
    out_hybrid = _sage_layer(x_zeroed, edge_index, W_neigh, b_neigh, W_root)
    # post-hook _patch_targets: overwrite outputs of target nodes with apply_preagg(preagg)
    target_mask = jnp.abs(aggregated_neighbors).sum(axis=1) > 0
    preagg_out = _apply_preagg(aggregated_neighbors, W_neigh, b_neigh)
    out_hybrid = jnp.where(target_mask[:, None], preagg_out, out_hybrid)

    return jnp.where(use_hybrid, out_hybrid, out_plain)

if __name__ == "__main__":
    import jax
    _d = setup_inputs()
    print(jax.jit(kernel)(*tuple(_d.values())))

</pallas_src>

<mosaic_0001>
#map = affine_map<(d0, d1) -> (0, 0)>
#map1 = affine_map<(d0, d1) -> (0, 0, 0)>
module attributes {stable_mosaic.version = 14 : i64} {
  func.func @_sc_scatter_body(%arg0: i32, %arg1: i32, %arg2: memref<10000x128xf32, #tpu.memory_space<hbm>>, %arg3: memref<32x10240xi32, #tpu.memory_space<hbm>>, %arg4: memref<32x10240xi32, #tpu.memory_space<hbm>>, %arg5: memref<32x16xi32, #tpu.memory_space<hbm>>, %arg6: memref<10240x128xf32, #tpu.memory_space<hbm>>, %arg7: memref<2x10240x128xf32, #tpu.memory_space<hbm>>, %arg8: memref<512xi32, #tpu.memory_space<vmem>>, %arg9: memref<512xi32, #tpu.memory_space<vmem>>, %arg10: memref<512xi32, #tpu.memory_space<vmem>>, %arg11: memref<512xi32, #tpu.memory_space<vmem>>, %arg12: memref<128x128xf32, #tpu.memory_space<vmem>>, %arg13: memref<128x128xf32, #tpu.memory_space<vmem>>, %arg14: memref<16xi32, #tpu.memory_space<vmem>>, %arg15: memref<!tpu.dma_semaphore, #tpu.memory_space<semaphore_mem>>, %arg16: memref<!tpu.dma_semaphore, #tpu.memory_space<semaphore_mem>>, %arg17: memref<!tpu.dma_semaphore, #tpu.memory_space<semaphore_mem>>, %arg18: memref<!tpu.dma_semaphore, #tpu.memory_space<semaphore_mem>>, %arg19: memref<!tpu.dma_semaphore, #tpu.memory_space<semaphore_mem>>, %arg20: memref<!tpu.dma_semaphore, #tpu.memory_space<semaphore_mem>>, %arg21: memref<!tpu.dma_semaphore, #tpu.memory_space<semaphore_mem>>, %arg22: memref<!tpu.dma_semaphore, #tpu.memory_space<semaphore_mem>>, %arg23: memref<10240x128xf32, #tpu.memory_space<vmem_shared>>) attributes {dimension_semantics = [#tpu.dimension_semantics<core_parallel>, #tpu.dimension_semantics<subcore_parallel>], iteration_bounds = array<i64: 2, 16>, scalar_prefetch = 0 : i64, scratch_operands = 16 : i64, tpu.core_type = #tpu.core_type<sc_vector_subcore>, window_params = [{transform_indices = #map}, {transform_indices = #map}, {transform_indices = #map}, {transform_indices = #map}, {transform_indices = #map}, {transform_indices = #map1}]} {
    %mul3A = arith.constant 2 : i32
    %mul3A_0 = arith.muli %arg1, %mul3A : i32
    %add3A = arith.addi %mul3A_0, %arg0 : i32
    %mul3A_1 = arith.constant 640 : i32
    %mul3A_2 = arith.muli %arg1, %mul3A_1 : i32
    "tpu.region"() ({
      %run_scoped3A = tpu.sem_alloc : memref<!tpu.dma_semaphore, #tpu.memory_space<semaphore_mem>>
      %dma_start3A = arith.constant 0 : i32
      %dma_start3A_14 = tpu.memref_slice %arg23[%mul3A_2, %dma_start3A] : memref<10240x128xf32, #tpu.memory_space<vmem_shared>> -> memref<640x128xf32, #tpu.memory_space<vmem_shared>>
      %dma_start3A_15 = arith.constant 0 : i32
      %dma_start3A_16 = tpu.memref_slice %arg6[%mul3A_2, %dma_start3A_15] : memref<10240x128xf32, #tpu.memory_space<hbm>> -> memref<640x128xf32, #tpu.memory_space<hbm>>
      tpu.enqueue_dma source(%dma_start3A_16 : memref<640x128xf32, #tpu.memory_space<hbm>>) target(%dma_start3A_14 : memref<640x128xf32, #tpu.memory_space<vmem_shared>>) target_semaphore(%run_scoped3A : memref<!tpu.dma_semaphore, #tpu.memory_space<semaphore_mem>>)
      %dma_wait3A = arith.constant 0 : i32
      %dma_wait3A_17 = tpu.memref_slice %arg23[%mul3A_2, %dma_wait3A] : memref<10240x128xf32, #tpu.memory_space<vmem_shared>> -> memref<640x128xf32, #tpu.memory_space<vmem_shared>>
      %dma_wait3A_18 = arith.constant 0 : i32
      %dma_wait3A_19 = tpu.memref_slice %arg6[%mul3A_2, %dma_wait3A_18] : memref<10240x128xf32, #tpu.memory_space<hbm>> -> memref<640x128xf32, #tpu.memory_space<hbm>>
      tpu.wait_dma2 semaphore(%run_scoped3A : memref<!tpu.dma_semaphore, #tpu.memory_space<semaphore_mem>>) src(%dma_wait3A_19 : memref<640x128xf32, #tpu.memory_space<hbm>>) dst(%dma_wait3A_17 : memref<640x128xf32, #tpu.memory_space<vmem_shared>>)
      tpu.yield
    }) : () -> ()
    "tpu.region"() ({
      %run_scoped3A = tpu.sem_alloc : memref<!tpu.dma_semaphore, #tpu.memory_space<semaphore_mem>>
      %dma_start3A = arith.constant 0 : i32
      %dma_start3A_14 = tpu.memref_slice %arg5[%add3A, %dma_start3A] : memref<32x16xi32, #tpu.memory_space<hbm>> -> memref<1x16xi32, #tpu.memory_space<hbm>>
      %dma_start3A_15 = tpu.memref_squeeze %dma_start3A_14 : memref<1x16xi32, #tpu.memory_space<hbm>> -> memref<16xi32, #tpu.memory_space<hbm>>
      %dma_start3A_16 = arith.constant 0 : i32
      %dma_start3A_17 = tpu.memref_slice %arg5[%add3A, %dma_start3A_16] : memref<32x16xi32, #tpu.memory_space<hbm>> -> memref<1x16xi32, #tpu.memory_space<hbm>>
      %dma_start3A_18 = tpu.memref_squeeze %dma_start3A_17 : memref<1x16xi32, #tpu.memory_space<hbm>> -> memref<16xi32, #tpu.memory_space<hbm>>
      tpu.enqueue_dma source(%dma_start3A_18 : memref<16xi32, #tpu.memory_space<hbm>>) target(%arg14 : memref<16xi32, #tpu.memory_space<vmem>>) target_semaphore(%run_scoped3A : memref<!tpu.dma_semaphore, #tpu.memory_space<semaphore_mem>>)
      %dma_wait3A = arith.constant 0 : i32
      %dma_wait3A_19 = tpu.memref_slice %arg5[%add3A, %dma_wait3A] : memref<32x16xi32, #tpu.memory_space<hbm>> -> memref<1x16xi32, #tpu.memory_space<hbm>>
      %dma_wait3A_20 = tpu.memref_squeeze %dma_wait3A_19 : memref<1x16xi32, #tpu.memory_space<hbm>> -> memref<16xi32, #tpu.memory_space<hbm>>
      %dma_wait3A_21 = arith.constant 0 : i32
      %dma_wait3A_22 = tpu.memref_slice %arg5[%add3A, %dma_wait3A_21] : memref<32x16xi32, #tpu.memory_space<hbm>> -> memref<1x16xi32, #tpu.memory_space<hbm>>
      %dma_wait3A_23 = tpu.memref_squeeze %dma_wait3A_22 : memref<1x16xi32, #tpu.memory_space<hbm>> -> memref<16xi32, #tpu.memory_space<hbm>>
      tpu.wait_dma2 semaphore(%run_scoped3A : memref<!tpu.dma_semaphore, #tpu.memory_space<semaphore_mem>>) src(%dma_wait3A_23 : memref<16xi32, #tpu.memory_space<hbm>>) dst(%arg14 : memref<16xi32, #tpu.memory_space<vmem>>)
      tpu.yield
    }) : () -> ()
    %barrier3A = arith.constant 0 : index
    tpu.barrier barrier_id(%barrier3A)
    %get3A = arith.constant 0 : index
    %get3A_3 = tpu.vector_load %arg14[%get3A] {strides = array<i32>} : memref<16xi32, #tpu.memory_space<vmem>>, vector<16xi32>,
    %reduce_max3A = arith.constant true
    %reduce_max3A_4 = vector.broadcast %reduce_max3A : i1 to vector<16xi1>
    %reduce_max3A_5 = arith.constant -2147483648 : i32
    %reduce_max3A_6 = vector.broadcast %reduce_max3A_5 : i32 to vector<16xi32>
    %reduce_max3A_7 = arith.xori %get3A_3, %reduce_max3A_6 : vector<16xi32>
    %reduce_max3A_8 = tpu.scan <max>, %reduce_max3A_7 masked %reduce_max3A_4 : vector<16xi32>, vector<16xi1> -> vector<16xi32>
    %reduce_max3A_9 = arith.xori %reduce_max3A_8, %reduce_max3A_6 : vector<16xi32>
    %reduce_max3A_10 = vector.extract %reduce_max3A_9[15] : i32 from vector<16xi32>
    %gt3A = arith.constant 0 : i32
    %gt3A_11 = arith.cmpi sgt, %reduce_max3A_10, %gt3A : i32
    %convert_element_type3A = arith.extui %gt3A_11 : i1 to i32
    %cond3A = arith.constant 0 : i32
    %cond3A_12 = arith.cmpi ne, %convert_element_type3A, %cond3A : i32
    scf.if %cond3A_12 {
      %multiple_of3A = arith.constant 0 : i32
      %multiple_of3A_14 = tpu.assume_multiple %multiple_of3A, 8 : i32
      %dma_start3A = tpu.memref_slice %arg3[%add3A, %multiple_of3A_14] : memref<32x10240xi32, #tpu.memory_space<hbm>> -> memref<1x512xi32, #tpu.memory_space<hbm>>
      %dma_start3A_15 = tpu.memref_squeeze %dma_start3A : memref<1x512xi32, #tpu.memory_space<hbm>> -> memref<512xi32, #tpu.memory_space<hbm>>
      %dma_start3A_16 = tpu.memref_slice %arg3[%add3A, %multiple_of3A_14] : memref<32x10240xi32, #tpu.memory_space<hbm>> -> memref<1x512xi32, #tpu.memory_space<hbm>>
      %dma_start3A_17 = tpu.memref_squeeze %dma_start3A_16 : memref<1x512xi32, #tpu.memory_space<hbm>> -> memref<512xi32, #tpu.memory_space<hbm>>
      tpu.enqueue_dma source(%dma_start3A_17 : memref<512xi32, #tpu.memory_space<hbm>>) target(%arg8 : memref<512xi32, #tpu.memory_space<vmem>>) target_semaphore(%arg15 : memref<!tpu.dma_semaphore, #tpu.memory_space<semaphore_mem>>)
      %dma_start3A_18 = tpu.memref_slice %arg4[%add3A, %multiple_of3A_14] : memref<32x10240xi32, #tpu.memory_space<hbm>> -> memref<1x512xi32, #tpu.memory_space<hbm>>
      %dma_start3A_19 = tpu.memref_squeeze %dma_start3A_18 : memref<1x512xi32, #tpu.memory_space<hbm>> -> memref<512xi32, #tpu.memory_space<hbm>>
      %dma_start3A_20 = tpu.memref_slice %arg4[%add3A, %multiple_of3A_14] : memref<32x10240xi32, #tpu.memory_space<hbm>> -> memref<1x512xi32, #tpu.memory_space<hbm>>
      %dma_start3A_21 = tpu.memref_squeeze %dma_start3A_20 : memref<1x512xi32, #tpu.memory_space<hbm>> -> memref<512xi32, #tpu.memory_space<hbm>>
      tpu.enqueue_dma source(%dma_start3A_21 : memref<512xi32, #tpu.memory_space<hbm>>) target(%arg10 : memref<512xi32, #tpu.memory_space<vmem>>) target_semaphore(%arg16 : memref<!tpu.dma_semaphore, #tpu.memory_space<semaphore_mem>>)
      %add3A_22 = arith.constant 1 : i32
      %add3A_23 = arith.addi %reduce_max3A_10, %add3A_22 : i32
      %jit3A = arith.constant 2 : i32
      %div3A = arith.divsi %add3A_23, %jit3A : i32
      %sign3A = arith.constant 0 : i32
      %sign3A_24 = arith.cmpi sgt, %add3A_23, %sign3A : i32
      %sign3A_25 = arith.extui %sign3A_24 : i1 to i32
      %sign3A_26 = arith.constant 0 : i32
      %sign3A_27 = arith.cmpi slt, %add3A_23, %sign3A_26 : i32
      %sign3A_28 = arith.extui %sign3A_27 : i1 to i32
      %sign3A_29 = arith.subi %sign3A_25, %sign3A_28 : i32
      %sign3A_30 = arith.constant 0 : i32
      %sign3A_31 = arith.cmpi sgt, %jit3A, %sign3A_30 : i32
      %sign3A_32 = arith.extui %sign3A_31 : i1 to i32
      %sign3A_33 = arith.constant 0 : i32
      %sign3A_34 = arith.cmpi slt, %jit3A, %sign3A_33 : i32
      %sign3A_35 = arith.extui %sign3A_34 : i1 to i32
      %sign3A_36 = arith.subi %sign3A_32, %sign3A_35 : i32
      %ne3A = arith.cmpi ne, %sign3A_29, %sign3A_36 : i32
      %rem3A = arith.remsi %add3A_23, %jit3A : i32
      %ne3A_37 = arith.constant 0 : i32
      %ne3A_38 = arith.cmpi ne, %rem3A, %ne3A_37 : i32
      %and3A = arith.andi %ne3A, %ne3A_38 : i1
      %sub3A = arith.constant 1 : i32
      %sub3A_39 = arith.subi %div3A, %sub3A : i32
      %select_n3A = arith.select %and3A, %sub3A_39, %div3A : i32
      %while3A = arith.constant 0 : i32
      %while3A_40 = arith.constant 0 : i32
      %while3A_41 = arith.subi %select_n3A, %while3A_40 : i32
      %while3A_42 = arith.addi %while3A_40, %while3A_41 : i32
      %while3A_43 = arith.constant 1 : i32
      %while3A_44 = arith.divsi %while3A_41, %while3A_43 : i32
      %while3A_45 = arith.muli %while3A_44, %while3A_43 : i32
      %while3A_46 = arith.addi %while3A_40, %while3A_45 : i32
      %while3A_47 = arith.constant 1 : i32
      scf.for %while3A_60 = %while3A_40 to %while3A_46 step %while3A_47  : i32 {
        %mul3A_61 = arith.constant 2 : i32
        %mul3A_62 = arith.muli %mul3A_61, %while3A_60 : i32
        %add3A_63 = arith.constant 1 : i32
        %add3A_64 = arith.addi %mul3A_62, %add3A_63 : i32
        %dma_wait3A_65 = arith.constant 0 : i32
        %dma_wait3A_66 = tpu.memref_slice %arg3[%add3A, %dma_wait3A_65] : memref<32x10240xi32, #tpu.memory_space<hbm>> -> memref<1x512xi32, #tpu.memory_space<hbm>>
        %dma_wait3A_67 = tpu.memref_squeeze %dma_wait3A_66 : memref<1x512xi32, #tpu.memory_space<hbm>> -> memref<512xi32, #tpu.memory_space<hbm>>
        %dma_wait3A_68 = arith.constant 0 : i32
        %dma_wait3A_69 = tpu.memref_slice %arg3[%add3A, %dma_wait3A_68] : memref<32x10240xi32, #tpu.memory_space<hbm>> -> memref<1x512xi32, #tpu.memory_space<hbm>>
        %dma_wait3A_70 = tpu.memref_squeeze %dma_wait3A_69 : memref<1x512xi32, #tpu.memory_space<hbm>> -> memref<512xi32, #tpu.memory_space<hbm>>
        tpu.wait_dma2 semaphore(%arg15 : memref<!tpu.dma_semaphore, #tpu.memory_space<semaphore_mem>>) src(%dma_wait3A_70 : memref<512xi32, #tpu.memory_space<hbm>>) dst(%arg8 : memref<512xi32, #tpu.memory_space<vmem>>)
        %dma_wait3A_71 = arith.constant 0 : i32
        %dma_wait3A_72 = tpu.memref_slice %arg4[%add3A, %dma_wait3A_71] : memref<32x10240xi32, #tpu.memory_space<hbm>> -> memref<1x512xi32, #tpu.memory_space<hbm>>
        %dma_wait3A_73 = tpu.memref_squeeze %dma_wait3A_72 : memref<1x512xi32, #tpu.memory_space<hbm>> -> memref<512xi32, #tpu.memory_space<hbm>>
        %dma_wait3A_74 = arith.constant 0 : i32
        %dma_wait3A_75 = tpu.memref_slice %arg4[%add3A, %dma_wait3A_74] : memref<32x10240xi32, #tpu.memory_space<hbm>> -> memref<1x512xi32, #tpu.memory_space<hbm>>
        %dma_wait3A_76 = tpu.memref_squeeze %dma_wait3A_75 : memref<1x512xi32, #tpu.memory_space<hbm>> -> memref<512xi32, #tpu.memory_space<hbm>>
        tpu.wait_dma2 semaphore(%arg16 : memref<!tpu.dma_semaphore, #tpu.memory_space<semaphore_mem>>) src(%dma_wait3A_76 : memref<512xi32, #tpu.memory_space<hbm>>) dst(%arg10 : memref<512xi32, #tpu.memory_space<vmem>>)
        %sub3A_77 = arith.constant 1 : i32
        %sub3A_78 = arith.subi %reduce_max3A_10, %sub3A_77 : i32
        %min3A = arith.minsi %add3A_64, %sub3A_78 : i32
        %mul3A_79 = arith.constant 4 : i32
        %mul3A_80 = arith.muli %min3A, %mul3A_79 : i32
        %mul3A_81 = arith.constant 128 : i32
        %mul3A_82 = arith.muli %mul3A_80, %mul3A_81 : i32
        %multiple_of3A_83 = tpu.assume_multiple %mul3A_82, 8 : i32
        %dma_start3A_84 = tpu.memref_slice %arg3[%add3A, %multiple_of3A_83] : memref<32x10240xi32, #tpu.memory_space<hbm>> -> memref<1x512xi32, #tpu.memory_space<hbm>>
        %dma_start3A_85 = tpu.memref_squeeze %dma_start3A_84 : memref<1x512xi32, #tpu.memory_space<hbm>> -> memref<512xi32, #tpu.memory_space<hbm>>
        %dma_start3A_86 = tpu.memref_slice %arg3[%add3A, %multiple_of3A_83] : memref<32x10240xi32, #tpu.memory_space<hbm>> -> memref<1x512xi32, #tpu.memory_space<hbm>>
        %dma_start3A_87 = tpu.memref_squeeze %dma_start3A_86 : memref<1x512xi32, #tpu.memory_space<hbm>> -> memref<512xi32, #tpu.memory_space<hbm>>
        tpu.enqueue_dma source(%dma_start3A_87 : memref<512xi32, #tpu.memory_space<hbm>>) target(%arg9 : memref<512xi32, #tpu.memory_space<vmem>>) target_semaphore(%arg17 : memref<!tpu.dma_semaphore, #tpu.memory_space<semaphore_mem>>)
        %dma_start3A_88 = tpu.memref_slice %arg4[%add3A, %multiple_of3A_83] : memref<32x10240xi32, #tpu.memory_space<hbm>> -> memref<1x512xi32, #tpu.memory_space<hbm>>
        %dma_start3A_89 = tpu.memref_squeeze %dma_start3A_88 : memref<1x512xi32, #tpu.memory_space<hbm>> -> memref<512xi32, #tpu.memory_space<hbm>>
        %dma_start3A_90 = tpu.memref_slice %arg4[%add3A, %multiple_of3A_83] : memref<32x10240xi32, #tpu.memory_space<hbm>> -> memref<1x512xi32, #tpu.memory_space<hbm>>
        %dma_start3A_91 = tpu.memref_squeeze %dma_start3A_90 : memref<1x512xi32, #tpu.memory_space<hbm>> -> memref<512xi32, #tpu.memory_space<hbm>>
        tpu.enqueue_dma source(%dma_start3A_91 : memref<512xi32, #tpu.memory_space<hbm>>) target(%arg11 : memref<512xi32, #tpu.memory_space<vmem>>) target_semaphore(%arg18 : memref<!tpu.dma_semaphore, #tpu.memory_space<semaphore_mem>>)
        %dma_start3A_92 = arith.constant 0 : i32
        %dma_start3A_93 = tpu.memref_slice %arg8[%dma_start3A_92] : memref<512xi32, #tpu.memory_space<vmem>> -> memref<128xi32, #tpu.memory_space<vmem>>
        %dma_start3A_94 = arith.constant 0 : i32
        %dma_start3A_95 = arith.constant 0 : i32
        %dma_start3A_96 = tpu.memref_slice %arg2[%dma_start3A_94, %dma_start3A_95] : memref<10000x128xf32, #tpu.memory_space<hbm>> -> memref<10000x128xf32, #tpu.memory_space<hbm>>
        tpu.enqueue_indirect_dma source(%dma_start3A_96 : memref<10000x128xf32, #tpu.memory_space<hbm>>) target(%arg12 : memref<128x128xf32, #tpu.memory_space<vmem>>) offsets(%dma_start3A_93 : memref<128xi32, #tpu.memory_space<vmem>>) semaphore(%arg19 : memref<!tpu.dma_semaphore, #tpu.memory_space<semaphore_mem>>)
        %dma_start3A_97 = arith.constant 128 : i32
        %dma_start3A_98 = tpu.memref_slice %arg8[%dma_start3A_97] : memref<512xi32, #tpu.memory_space<vmem>> -> memref<128xi32, #tpu.memory_space<vmem>>
        %dma_start3A_99 = arith.constant 0 : i32
        %dma_start3A_100 = arith.constant 0 : i32
        %dma_start3A_101 = tpu.memref_slice %arg2[%dma_start3A_99, %dma_start3A_100] : memref<10000x128xf32, #tpu.memory_space<hbm>> -> memref<10000x128xf32, #tpu.memory_space<hbm>>
        tpu.enqueue_indirect_dma source(%dma_start3A_101 : memref<10000x128xf32, #tpu.memory_space<hbm>>) target(%arg13 : memref<128x128xf32, #tpu.memory_space<vmem>>) offsets(%dma_start3A_98 : memref<128xi32, #tpu.memory_space<vmem>>) semaphore(%arg20 : memref<!tpu.dma_semaphore, #tpu.memory_space<semaphore_mem>>)
        %dma_wait3A_102 = arith.constant 0 : i32
        %dma_wait3A_103 = tpu.memref_slice %arg8[%dma_wait3A_102] : memref<512xi32, #tpu.memory_space<vmem>> -> memref<128xi32, #tpu.memory_space<vmem>>
        %dma_wait3A_104 = arith.constant 0 : i32
        %dma_wait3A_105 = arith.constant 0 : i32
        %dma_wait3A_106 = tpu.memref_slice %arg2[%dma_wait3A_104, %dma_wait3A_105] : memref<10000x128xf32, #tpu.memory_space<hbm>> -> memref<10000x128xf32, #tpu.memory_space<hbm>>
        tpu.wait_indirect_dma semaphore(%arg19 : memref<!tpu.dma_semaphore, #tpu.memory_space<semaphore_mem>>) src(%dma_wait3A_106 : memref<10000x128xf32, #tpu.memory_space<hbm>>) dst(%arg12 : memref<128x128xf32, #tpu.memory_space<vmem>>)
        %dma_start3A_107 = arith.constant 0 : i32
        %dma_start3A_108 = tpu.memref_slice %arg10[%dma_start3A_107] : memref<512xi32, #tpu.memory_space<vmem>> -> memref<128xi32, #tpu.memory_space<vmem>>
        %dma_start3A_109 = arith.constant 0 : i32
        %dma_start3A_110 = arith.constant 0 : i32
        %dma_start3A_111 = tpu.memref_slice %arg23[%dma_start3A_109, %dma_start3A_110] : memref<10240x128xf32, #tpu.memory_space<vmem_shared>> -> memref<10240x128xf32, #tpu.memory_space<vmem_shared>>
        tpu.enqueue_indirect_dma source(%arg12 : memref<128x128xf32, #tpu.memory_space<vmem>>) target(%dma_start3A_111 : memref<10240x128xf32, #tpu.memory_space<vmem_shared>>) offsets(%dma_start3A_108 : memref<128xi32, #tpu.memory_space<vmem>>) semaphore(%arg21 : memref<!tpu.dma_semaphore, #tpu.memory_space<semaphore_mem>>) {add = true}
        %dma_wait3A_112 = arith.constant 128 : i32
        %dma_wait3A_113 = tpu.memref_slice %arg8[%dma_wait3A_112] : memref<512xi32, #tpu.memory_space<vmem>> -> memref<128xi32, #tpu.memory_space<vmem>>
        %dma_wait3A_114 = arith.constant 0 : i32
        %dma_wait3A_115 = arith.constant 0 : i32
        %dma_wait3A_116 = tpu.memref_slice %arg2[%dma_wait3A_114, %dma_wait3A_115] : memref<10000x128xf32, #tpu.memory_space<hbm>> -> memref<10000x128xf32, #tpu.memory_space<hbm>>
        tpu.wait_indirect_dma semaphore(%arg20 : memref<!tpu.dma_semaphore, #tpu.memory_space<semaphore_mem>>) src(%dma_wait3A_116 : memref<10000x128xf32, #tpu.memory_space<hbm>>) dst(%arg13 : memref<128x128xf32, #tpu.memory_space<vmem>>)
        %dma_start3A_117 = arith.constant 128 : i32
        %dma_start3A_118 = tpu.memref_slice %arg10[%dma_start3A_117] : memref<512xi32, #tpu.memory_space<vmem>> -> memref<128xi32, #tpu.memory_space<vmem>>
        %dma_start3A_119 = arith.constant 0 : i32
        %dma_start3A_120 = arith.constant 0 : i32
        %dma_start3A_121 = tpu.memref_slice %arg23[%dma_start3A_119, %dma_start3A_120] : memref<10240x128xf32, #tpu.memory_space<vmem_shared>> -> memref<10240x128xf32, #tpu.memory_space<vmem_shared>>
        tpu.enqueue_indirect_dma source(%arg13 : memref<128x128xf32, #tpu.memory_space<vmem>>) target(%dma_start3A_121 : memref<10240x128xf32, #tpu.memory_space<vmem_shared>>) offsets(%dma_start3A_118 : memref<128xi32, #tpu.memory_space<vmem>>) semaphore(%arg22 : memref<!tpu.dma_semaphore, #tpu.memory_space<semaphore_mem>>) {add = true}
        %dma_wait3A_122 = arith.constant 0 : i32
        %dma_wait3A_123 = tpu.memref_slice %arg10[%dma_wait3A_122] : memref<512xi32, #tpu.memory_space<vmem>> -> memref<128xi32, #tpu.memory_space<vmem>>
        %dma_wait3A_124 = arith.constant 0 : i32
        %dma_wait3A_125 = arith.constant 0 : i32
        %dma_wait3A_126 = tpu.memref_slice %arg23[%dma_wait3A_124, %dma_wait3A_125] : memref<10240x128xf32, #tpu.memory_space<vmem_shared>> -> memref<10240x128xf32, #tpu.memory_space<vmem_shared>>
        tpu.wait_indirect_dma semaphore(%arg21 : memref<!tpu.dma_semaphore, #tpu.memory_space<semaphore_mem>>) src(%arg12 : memref<128x128xf32, #tpu.memory_space<vmem>>) dst(%dma_wait3A_126 : memref<10240x128xf32, #tpu.memory_space<vmem_shared>>)
        %dma_start3A_127 = arith.constant 256 : i32
        %dma_start3A_128 = tpu.memref_slice %arg8[%dma_start3A_127] : memref<512xi32, #tpu.memory_space<vmem>> -> memref<128xi32, #tpu.memory_space<vmem>>
        %dma_start3A_129 = arith.constant 0 : i32
        %dma_start3A_130 = arith.constant 0 : i32
        %dma_start3A_131 = tpu.memref_slice %arg2[%dma_start3A_129, %dma_start3A_130] : memref<10000x128xf32, #tpu.memory_space<hbm>> -> memref<10000x128xf32, #tpu.memory_space<hbm>>
        tpu.enqueue_indirect_dma source(%dma_start3A_131 : memref<10000x128xf32, #tpu.memory_space<hbm>>) target(%arg12 : memref<128x128xf32, #tpu.memory_space<vmem>>) offsets(%dma_start3A_128 : memref<128xi32, #tpu.memory_space<vmem>>) semaphore(%arg19 : memref<!tpu.dma_semaphore, #tpu.memory_space<semaphore_mem>>)
        %dma_wait3A_132 = arith.constant 128 : i32
        %dma_wait3A_133 = tpu.memref_slice %arg10[%dma_wait3A_132] : memref<512xi32, #tpu.memory_space<vmem>> -> memref<128xi32, #tpu.memory_space<vmem>>
        %dma_wait3A_134 = arith.constant 0 : i32
        %dma_wait3A_135 = arith.constant 0 : i32
        %dma_wait3A_136 = tpu.memref_slice %arg23[%dma_wait3A_134, %dma_wait3A_135] : memref<10240x128xf32, #tpu.memory_space<vmem_shared>> -> memref<10240x128xf32, #tpu.memory_space<vmem_shared>>
        tpu.wait_indirect_dma semaphore(%arg22 : memref<!tpu.dma_semaphore, #tpu.memory_space<semaphore_mem>>) src(%arg13 : memref<128x128xf32, #tpu.memory_space<vmem>>) dst(%dma_wait3A_136 : memref<10240x128xf32, #tpu.memory_space<vmem_shared>>)
        %dma_start3A_137 = arith.constant 384 : i32
        %dma_start3A_138 = tpu.memref_slice %arg8[%dma_start3A_137] : memref<512xi32, #tpu.memory_space<vmem>> -> memref<128xi32, #tpu.memory_space<vmem>>
        %dma_start3A_139 = arith.constant 0 : i32
        %dma_start3A_140 = arith.constant 0 : i32
        %dma_start3A_141 = tpu.memref_slice %arg2[%dma_start3A_139, %dma_start3A_140] : memref<10000x128xf32, #tpu.memory_space<hbm>> -> memref<10000x128xf32, #tpu.memory_space<hbm>>
        tpu.enqueue_indirect_dma source(%dma_start3A_141 : memref<10000x128xf32, #tpu.memory_space<hbm>>) target(%arg13 : memref<128x128xf32, #tpu.memory_space<vmem>>) offsets(%dma_start3A_138 : memref<128xi32, #tpu.memory_space<vmem>>) semaphore(%arg20 : memref<!tpu.dma_semaphore, #tpu.memory_space<semaphore_mem>>)
        %dma_wait3A_142 = arith.constant 256 : i32
        %dma_wait3A_143 = tpu.memref_slice %arg8[%dma_wait3A_142] : memref<512xi32, #tpu.memory_space<vmem>> -> memref<128xi32, #tpu.memory_space<vmem>>
        %dma_wait3A_144 = arith.constant 0 : i32
        %dma_wait3A_145 = arith.constant 0 : i32
        %dma_wait3A_146 = tpu.memref_slice %arg2[%dma_wait3A_144, %dma_wait3A_145] : memref<10000x128xf32, #tpu.memory_space<hbm>> -> memref<10000x128xf32, #tpu.memory_space<hbm>>
        tpu.wait_indirect_dma semaphore(%arg19 : memref<!tpu.dma_semaphore, #tpu.memory_space<semaphore_mem>>) src(%dma_wait3A_146 : memref<10000x128xf32, #tpu.memory_space<hbm>>) dst(%arg12 : memref<128x128xf32, #tpu.memory_space<vmem>>)
        %dma_start3A_147 = arith.constant 256 : i32
        %dma_start3A_148 = tpu.memref_slice %arg10[%dma_start3A_147] : memref<512xi32, #tpu.memory_space<vmem>> -> memref<128xi32, #tpu.memory_space<vmem>>
        %dma_start3A_149 = arith.constant 0 : i32
        %dma_start3A_150 = arith.constant 0 : i32
        %dma_start3A_151 = tpu.memref_slice %arg23[%dma_start3A_149, %dma_start3A_150] : memref<10240x128xf32, #tpu.memory_space<vmem_shared>> -> memref<10240x128xf32, #tpu.memory_space<vmem_shared>>
        tpu.enqueue_indirect_dma source(%arg12 : memref<128x128xf32, #tpu.memory_space<vmem>>) target(%dma_start3A_151 : memref<10240x128xf32, #tpu.memory_space<vmem_shared>>) offsets(%dma_start3A_148 : memref<128xi32, #tpu.memory_space<vmem>>) semaphore(%arg21 : memref<!tpu.dma_semaphore, #tpu.memory_space<semaphore_mem>>) {add = true}
        %dma_wait3A_152 = arith.constant 384 : i32
        %dma_wait3A_153 = tpu.memref_slice %arg8[%dma_wait3A_152] : memref<512xi32, #tpu.memory_space<vmem>> -> memref<128xi32, #tpu.memory_space<vmem>>
        %dma_wait3A_154 = arith.constant 0 : i32
        %dma_wait3A_155 = arith.constant 0 : i32
        %dma_wait3A_156 = tpu.memref_slice %arg2[%dma_wait3A_154, %dma_wait3A_155] : memref<10000x128xf32, #tpu.memory_space<hbm>> -> memref<10000x128xf32, #tpu.memory_space<hbm>>
        tpu.wait_indirect_dma semaphore(%arg20 : memref<!tpu.dma_semaphore, #tpu.memory_space<semaphore_mem>>) src(%dma_wait3A_156 : memref<10000x128xf32, #tpu.memory_space<hbm>>) dst(%arg13 : memref<128x128xf32, #tpu.memory_space<vmem>>)
        %dma_start3A_157 = arith.constant 384 : i32
        %dma_start3A_158 = tpu.memref_slice %arg10[%dma_start3A_157] : memref<512xi32, #tpu.memory_space<vmem>> -> memref<128xi32, #tpu.memory_space<vmem>>
        %dma_start3A_159 = arith.constant 0 : i32
        %dma_start3A_160 = arith.constant 0 : i32
        %dma_start3A_161 = tpu.memref_slice %arg23[%dma_start3A_159, %dma_start3A_160] : memref<10240x128xf32, #tpu.memory_space<vmem_shared>> -> memref<10240x128xf32, #tpu.memory_space<vmem_shared>>
        tpu.enqueue_indirect_dma source(%arg13 : memref<128x128xf32, #tpu.memory_space<vmem>>) target(%dma_start3A_161 : memref<10240x128xf32, #tpu.memory_space<vmem_shared>>) offsets(%dma_start3A_158 : memref<128xi32, #tpu.memory_space<vmem>>) semaphore(%arg22 : memref<!tpu.dma_semaphore, #tpu.memory_space<semaphore_mem>>) {add = true}
        %dma_wait3A_162 = arith.constant 256 : i32
        %dma_wait3A_163 = tpu.memref_slice %arg10[%dma_wait3A_162] : memref<512xi32, #tpu.memory_space<vmem>> -> memref<128xi32, #tpu.memory_space<vmem>>
        %dma_wait3A_164 = arith.constant 0 : i32
        %dma_wait3A_165 = arith.constant 0 : i32
        %dma_wait3A_166 = tpu.memref_slice %arg23[%dma_wait3A_164, %dma_wait3A_165] : memref<10240x128xf32, #tpu.memory_space<vmem_shared>> -> memref<10240x128xf32, #tpu.memory_space<vmem_shared>>
        tpu.wait_indirect_dma semaphore(%arg21 : memref<!tpu.dma_semaphore, #tpu.memory_space<semaphore_mem>>) src(%arg12 : memref<128x128xf32, #tpu.memory_space<vmem>>) dst(%dma_wait3A_166 : memref<10240x128xf32, #tpu.memory_space<vmem_shared>>)
        %dma_wait3A_167 = arith.constant 384 : i32
        %dma_wait3A_168 = tpu.memref_slice %arg10[%dma_wait3A_167] : memref<512xi32, #tpu.memory_space<vmem>> -> memref<128xi32, #tpu.memory_space<vmem>>
        %dma_wait3A_169 = arith.constant 0 : i32
        %dma_wait3A_170 = arith.constant 0 : i32
        %dma_wait3A_171 = tpu.memref_slice %arg23[%dma_wait3A_169, %dma_wait3A_170] : memref<10240x128xf32, #tpu.memory_space<vmem_shared>> -> memref<10240x128xf32, #tpu.memory_space<vmem_shared>>
        tpu.wait_indirect_dma semaphore(%arg22 : memref<!tpu.dma_semaphore, #tpu.memory_space<semaphore_mem>>) src(%arg13 : memref<128x128xf32, #tpu.memory_space<vmem>>) dst(%dma_wait3A_171 : memref<10240x128xf32, #tpu.memory_space<vmem_shared>>)
        %dma_wait3A_172 = arith.constant 0 : i32
        %dma_wait3A_173 = tpu.memref_slice %arg3[%add3A, %dma_wait3A_172] : memref<32x10240xi32, #tpu.memory_space<hbm>> -> memref<1x512xi32, #tpu.memory_space<hbm>>
        %dma_wait3A_174 = tpu.memref_squeeze %dma_wait3A_173 : memref<1x512xi32, #tpu.memory_space<hbm>> -> memref<512xi32, #tpu.memory_space<hbm>>
        %dma_wait3A_175 = arith.constant 0 : i32
        %dma_wait3A_176 = tpu.memref_slice %arg3[%add3A, %dma_wait3A_175] : memref<32x10240xi32, #tpu.memory_space<hbm>> -> memref<1x512xi32, #tpu.memory_space<hbm>>
        %dma_wait3A_177 = tpu.memref_squeeze %dma_wait3A_176 : memref<1x512xi32, #tpu.memory_space<hbm>> -> memref<512xi32, #tpu.memory_space<hbm>>
        tpu.wait_dma2 semaphore(%arg17 : memref<!tpu.dma_semaphore, #tpu.memory_space<semaphore_mem>>) src(%dma_wait3A_177 : memref<512xi32, #tpu.memory_space<hbm>>) dst(%arg9 : memref<512xi32, #tpu.memory_space<vmem>>)
        %dma_wait3A_178 = arith.constant 0 : i32
        %dma_wait3A_179 = tpu.memref_slice %arg4[%add3A, %dma_wait3A_178] : memref<32x10240xi32, #tpu.memory_space<hbm>> -> memref<1x512xi32, #tpu.memory_space<hbm>>
        %dma_wait3A_180 = tpu.memref_squeeze %dma_wait3A_179 : memref<1x512xi32, #tpu.memory_space<hbm>> -> memref<512xi32, #tpu.memory_space<hbm>>
        %dma_wait3A_181 = arith.constant 0 : i32
        %dma_wait3A_182 = tpu.memref_slice %arg4[%add3A, %dma_wait3A_181] : memref<32x10240xi32, #tpu.memory_space<hbm>> -> memref<1x512xi32, #tpu.memory_space<hbm>>
        %dma_wait3A_183 = tpu.memref_squeeze %dma_wait3A_182 : memref<1x512xi32, #tpu.memory_space<hbm>> -> memref<512xi32, #tpu.memory_space<hbm>>
        tpu.wait_dma2 semaphore(%arg18 : memref<!tpu.dma_semaphore, #tpu.memory_space<semaphore_mem>>) src(%dma_wait3A_183 : memref<512xi32, #tpu.memory_space<hbm>>) dst(%arg11 : memref<512xi32, #tpu.memory_space<vmem>>)
        %add3A_184 = arith.constant 2 : i32
        %add3A_185 = arith.addi %mul3A_62, %add3A_184 : i32
        %sub3A_186 = arith.constant 1 : i32
        %sub3A_187 = arith.subi %reduce_max3A_10, %sub3A_186 : i32
        %min3A_188 = arith.minsi %add3A_185, %sub3A_187 : i32
        %mul3A_189 = arith.constant 4 : i32
        %mul3A_190 = arith.muli %min3A_188, %mul3A_189 : i32
        %mul3A_191 = arith.constant 128 : i32
        %mul3A_192 = arith.muli %mul3A_190, %mul3A_191 : i32
        %multiple_of3A_193 = tpu.assume_multiple %mul3A_192, 8 : i32
        %dma_start3A_194 = tpu.memref_slice %arg3[%add3A, %multiple_of3A_193] : memref<32x10240xi32, #tpu.memory_space<hbm>> -> memref<1x512xi32, #tpu.memory_space<hbm>>
        %dma_start3A_195 = tpu.memref_squeeze %dma_start3A_194 : memref<1x512xi32, #tpu.memory_space<hbm>> -> memref<512xi32, #tpu.memory_space<hbm>>
        %dma_start3A_196 = tpu.memref_slice %arg3[%add3A, %multiple_of3A_193] : memref<32x10240xi32, #tpu.memory_space<hbm>> -> memref<1x512xi32, #tpu.memory_space<hbm>>
        %dma_start3A_197 = tpu.memref_squeeze %dma_start3A_196 : memref<1x512xi32, #tpu.memory_space<hbm>> -> memref<512xi32, #tpu.memory_space<hbm>>
        tpu.enqueue_dma source(%dma_start3A_197 : memref<512xi32, #tpu.memory_space<hbm>>) target(%arg8 : memref<512xi32, #tpu.memory_space<vmem>>) target_semaphore(%arg15 : memref<!tpu.dma_semaphore, #tpu.memory_space<semaphore_mem>>)
        %dma_start3A_198 = tpu.memref_slice %arg4[%add3A, %multiple_of3A_193] : memref<32x10240xi32, #tpu.memory_space<hbm>> -> memref<1x512xi32, #tpu.memory_space<hbm>>
        %dma_start3A_199 = tpu.memref_squeeze %dma_start3A_198 : memref<1x512xi32, #tpu.memory_space<hbm>> -> memref<512xi32, #tpu.memory_space<hbm>>
        %dma_start3A_200 = tpu.memref_slice %arg4[%add3A, %multiple_of3A_193] : memref<32x10240xi32, #tpu.memory_space<hbm>> -> memref<1x512xi32, #tpu.memory_space<hbm>>
        %dma_start3A_201 = tpu.memref_squeeze %dma_start3A_200 : memref<1x512xi32, #tpu.memory_space<hbm>> -> memref<512xi32, #tpu.memory_space<hbm>>
        tpu.enqueue_dma source(%dma_start3A_201 : memref<512xi32, #tpu.memory_space<hbm>>) target(%arg10 : memref<512xi32, #tpu.memory_space<vmem>>) target_semaphore(%arg16 : memref<!tpu.dma_semaphore, #tpu.memory_space<semaphore_mem>>)
        %lt3A = arith.cmpi slt, %add3A_64, %reduce_max3A_10 : i32
        %convert_element_type3A_202 = arith.extui %lt3A : i1 to i32
        %cond3A_203 = arith.constant 0 : i32
        %cond3A_204 = arith.cmpi ne, %convert_element_type3A_202, %cond3A_203 : i32
        scf.if %cond3A_204 {
          %dma_start3A_205 = arith.constant 0 : i32
          %dma_start3A_206 = tpu.memref_slice %arg9[%dma_start3A_205] : memref<512xi32, #tpu.memory_space<vmem>> -> memref<128xi32, #tpu.memory_space<vmem>>
          %dma_start3A_207 = arith.constant 0 : i32
          %dma_start3A_208 = arith.constant 0 : i32
          %dma_start3A_209 = tpu.memref_slice %arg2[%dma_start3A_207, %dma_start3A_208] : memref<10000x128xf32, #tpu.memory_space<hbm>> -> memref<10000x128xf32, #tpu.memory_space<hbm>>
          tpu.enqueue_indirect_dma source(%dma_start3A_209 : memref<10000x128xf32, #tpu.memory_space<hbm>>) target(%arg12 : memref<128x128xf32, #tpu.memory_space<vmem>>) offsets(%dma_start3A_206 : memref<128xi32, #tpu.memory_space<vmem>>) semaphore(%arg19 : memref<!tpu.dma_semaphore, #tpu.memory_space<semaphore_mem>>)
          %dma_start3A_210 = arith.constant 128 : i32
          %dma_start3A_211 = tpu.memref_slice %arg9[%dma_start3A_210] : memref<512xi32, #tpu.memory_space<vmem>> -> memref<128xi32, #tpu.memory_space<vmem>>
          %dma_start3A_212 = arith.constant 0 : i32
          %dma_start3A_213 = arith.constant 0 : i32
          %dma_start3A_214 = tpu.memref_slice %arg2[%dma_start3A_212, %dma_start3A_213] : memref<10000x128xf32, #tpu.memory_space<hbm>> -> memref<10000x128xf32, #tpu.memory_space<hbm>>
          tpu.enqueue_indirect_dma source(%dma_start3A_214 : memref<10000x128xf32, #tpu.memory_space<hbm>>) target(%arg13 : memref<128x128xf32, #tpu.memory_space<vmem>>) offsets(%dma_start3A_211 : memref<128xi32, #tpu.memory_space<vmem>>) semaphore(%arg20 : memref<!tpu.dma_semaphore, #tpu.memory_space<semaphore_mem>>)
          %dma_wait3A_215 = arith.constant 0 : i32
          %dma_wait3A_216 = tpu.memref_slice %arg9[%dma_wait3A_215] : memref<512xi32, #tpu.memory_space<vmem>> -> memref<128xi32, #tpu.memory_space<vmem>>
          %dma_wait3A_217 = arith.constant 0 : i32
          %dma_wait3A_218 = arith.constant 0 : i32
          %dma_wait3A_219 = tpu.memref_slice %arg2[%dma_wait3A_217, %dma_wait3A_218] : memref<10000x128xf32, #tpu.memory_space<hbm>> -> memref<10000x128xf32, #tpu.memory_space<hbm>>
          tpu.wait_indirect_dma semaphore(%arg19 : memref<!tpu.dma_semaphore, #tpu.memory_space<semaphore_mem>>) src(%dma_wait3A_219 : memref<10000x128xf32, #tpu.memory_space<hbm>>) dst(%arg12 : memref<128x128xf32, #tpu.memory_space<vmem>>)
          %dma_start3A_220 = arith.constant 0 : i32
          %dma_start3A_221 = tpu.memref_slice %arg11[%dma_start3A_220] : memref<512xi32, #tpu.memory_space<vmem>> -> memref<128xi32, #tpu.memory_space<vmem>>
          %dma_start3A_222 = arith.constant 0 : i32
          %dma_start3A_223 = arith.constant 0 : i32
          %dma_start3A_224 = tpu.memref_slice %arg23[%dma_start3A_222, %dma_start3A_223] : memref<10240x128xf32, #tpu.memory_space<vmem_shared>> -> memref<10240x128xf32, #tpu.memory_space<vmem_shared>>
          tpu.enqueue_indirect_dma source(%arg12 : memref<128x128xf32, #tpu.memory_space<vmem>>) target(%dma_start3A_224 : memref<10240x128xf32, #tpu.memory_space<vmem_shared>>) offsets(%dma_start3A_221 : memref<128xi32, #tpu.memory_space<vmem>>) semaphore(%arg21 : memref<!tpu.dma_semaphore, #tpu.memory_space<semaphore_mem>>) {add = true}
          %dma_wait3A_225 = arith.constant 128 : i32
          %dma_wait3A_226 = tpu.memref_slice %arg9[%dma_wait3A_225] : memref<512xi32, #tpu.memory_space<vmem>> -> memref<128xi32, #tpu.memory_space<vmem>>
          %dma_wait3A_227 = arith.constant 0 : i32
          %dma_wait3A_228 = arith.constant 0 : i32
          %dma_wait3A_229 = tpu.memref_slice %arg2[%dma_wait3A_227, %dma_wait3A_228] : memref<10000x128xf32, #tpu.memory_space<hbm>> -> memref<10000x128xf32, #tpu.memory_space<hbm>>
          tpu.wait_indirect_dma semaphore(%arg20 : memref<!tpu.dma_semaphore, #tpu.memory_space<semaphore_mem>>) src(%dma_wait3A_229 : memref<10000x128xf32, #tpu.memory_space<hbm>>) dst(%arg13 : memref<128x128xf32, #tpu.memory_space<vmem>>)
          %dma_start3A_230 = arith.constant 128 : i32
          %dma_start3A_231 = tpu.memref_slice %arg11[%dma_start3A_230] : memref<512xi32, #tpu.memory_space<vmem>> -> memref<128xi32, #tpu.memory_space<vmem>>
          %dma_start3A_232 = arith.constant 0 : i32
          %dma_start3A_233 = arith.constant 0 : i32
          %dma_start3A_234 = tpu.memref_slice %arg23[%dma_start3A_232, %dma_start3A_233] : memref<10240x128xf32, #tpu.memory_space<vmem_shared>> -> memref<10240x128xf32, #tpu.memory_space<vmem_shared>>
          tpu.enqueue_indirect_dma source(%arg13 : memref<128x128xf32, #tpu.memory_space<vmem>>) target(%dma_start3A_234 : memref<10240x128xf32, #tpu.memory_space<vmem_shared>>) offsets(%dma_start3A_231 : memref<128xi32, #tpu.memory_space<vmem>>) semaphore(%arg22 : memref<!tpu.dma_semaphore, #tpu.memory_space<semaphore_mem>>) {add = true}
          %dma_wait3A_235 = arith.constant 0 : i32
          %dma_wait3A_236 = tpu.memref_slice %arg11[%dma_wait3A_235] : memref<512xi32, #tpu.memory_space<vmem>> -> memref<128xi32, #tpu.memory_space<vmem>>
          %dma_wait3A_237 = arith.constant 0 : i32
          %dma_wait3A_238 = arith.constant 0 : i32
          %dma_wait3A_239 = tpu.memref_slice %arg23[%dma_wait3A_237, %dma_wait3A_238] : memref<10240x128xf32, #tpu.memory_space<vmem_shared>> -> memref<10240x128xf32, #tpu.memory_space<vmem_shared>>
          tpu.wait_indirect_dma semaphore(%arg21 : memref<!tpu.dma_semaphore, #tpu.memory_space<semaphore_mem>>) src(%arg12 : memref<128x128xf32, #tpu.memory_space<vmem>>) dst(%dma_wait3A_239 : memref<10240x128xf32, #tpu.memory_space<vmem_shared>>)
          %dma_start3A_240 = arith.constant 256 : i32
          %dma_start3A_241 = tpu.memref_slice %arg9[%dma_start3A_240] : memref<512xi32, #tpu.memory_space<vmem>> -> memref<128xi32, #tpu.memory_space<vmem>>
          %dma_start3A_242 = arith.constant 0 : i32
          %dma_start3A_243 = arith.constant 0 : i32
          %dma_start3A_244 = tpu.memref_slice %arg2[%dma_start3A_242, %dma_start3A_243] : memref<10000x128xf32, #tpu.memory_space<hbm>> -> memref<10000x128xf32, #tpu.memory_space<hbm>>
          tpu.enqueue_indirect_dma source(%dma_start3A_244 : memref<10000x128xf32, #tpu.memory_space<hbm>>) target(%arg12 : memref<128x128xf32, #tpu.memory_space<vmem>>) offsets(%dma_start3A_241 : memref<128xi32, #tpu.memory_space<vmem>>) semaphore(%arg19 : memref<!tpu.dma_semaphore, #tpu.memory_space<semaphore_mem>>)
          %dma_wait3A_245 = arith.constant 128 : i32
          %dma_wait3A_246 = tpu.memref_slice %arg11[%dma_wait3A_245] : memref<512xi32, #tpu.memory_space<vmem>> -> memref<128xi32, #tpu.memory_space<vmem>>
          %dma_wait3A_247 = arith.constant 0 : i32
          %dma_wait3A_248 = arith.constant 0 : i32
          %dma_wait3A_249 = tpu.memref_slice %arg23[%dma_wait3A_247, %dma_wait3A_248] : memref<10240x128xf32, #tpu.memory_space<vmem_shared>> -> memref<10240x128xf32, #tpu.memory_space<vmem_shared>>
          tpu.wait_indirect_dma semaphore(%arg22 : memref<!tpu.dma_semaphore, #tpu.memory_space<semaphore_mem>>) src(%arg13 : memref<128x128xf32, #tpu.memory_space<vmem>>) dst(%dma_wait3A_249 : memref<10240x128xf32, #tpu.memory_space<vmem_shared>>)
          %dma_start3A_250 = arith.constant 384 : i32
          %dma_start3A_251 = tpu.memref_slice %arg9[%dma_start3A_250] : memref<512xi32, #tpu.memory_space<vmem>> -> memref<128xi32, #tpu.memory_space<vmem>>
          %dma_start3A_252 = arith.constant 0 : i32
          %dma_start3A_253 = arith.constant 0 : i32
          %dma_start3A_254 = tpu.memref_slice %arg2[%dma_start3A_252, %dma_start3A_253] : memref<10000x128xf32, #tpu.memory_space<hbm>> -> memref<10000x128xf32, #tpu.memory_space<hbm>>
          tpu.enqueue_indirect_dma source(%dma_start3A_254 : memref<10000x128xf32, #tpu.memory_space<hbm>>) target(%arg13 : memref<128x128xf32, #tpu.memory_space<vmem>>) offsets(%dma_start3A_251 : memref<128xi32, #tpu.memory_space<vmem>>) semaphore(%arg20 : memref<!tpu.dma_semaphore, #tpu.memory_space<semaphore_mem>>)
          %dma_wait3A_255 = arith.constant 256 : i32
          %dma_wait3A_256 = tpu.memref_slice %arg9[%dma_wait3A_255] : memref<512xi32, #tpu.memory_space<vmem>> -> memref<128xi32, #tpu.memory_space<vmem>>
          %dma_wait3A_257 = arith.constant 0 : i32
          %dma_wait3A_258 = arith.constant 0 : i32
          %dma_wait3A_259 = tpu.memref_slice %arg2[%dma_wait3A_257, %dma_wait3A_258] : memref<10000x128xf32, #tpu.memory_space<hbm>> -> memref<10000x128xf32, #tpu.memory_space<hbm>>
          tpu.wait_indirect_dma semaphore(%arg19 : memref<!tpu.dma_semaphore, #tpu.memory_space<semaphore_mem>>) src(%dma_wait3A_259 : memref<10000x128xf32, #tpu.memory_space<hbm>>) dst(%arg12 : memref<128x128xf32, #tpu.memory_space<vmem>>)
          %dma_start3A_260 = arith.constant 256 : i32
          %dma_start3A_261 = tpu.memref_slice %arg11[%dma_start3A_260] : memref<512xi32, #tpu.memory_space<vmem>> -> memref<128xi32, #tpu.memory_space<vmem>>
          %dma_start3A_262 = arith.constant 0 : i32
          %dma_start3A_263 = arith.constant 0 : i32
          %dma_start3A_264 = tpu.memref_slice %arg23[%dma_start3A_262, %dma_start3A_263] : memref<10240x128xf32, #tpu.memory_space<vmem_shared>> -> memref<10240x128xf32, #tpu.memory_space<vmem_shared>>
          tpu.enqueue_indirect_dma source(%arg12 : memref<128x128xf32, #tpu.memory_space<vmem>>) target(%dma_start3A_264 : memref<10240x128xf32, #tpu.memory_space<vmem_shared>>) offsets(%dma_start3A_261 : memref<128xi32, #tpu.memory_space<vmem>>) semaphore(%arg21 : memref<!tpu.dma_semaphore, #tpu.memory_space<semaphore_mem>>) {add = true}
          %dma_wait3A_265 = arith.constant 384 : i32
          %dma_wait3A_266 = tpu.memref_slice %arg9[%dma_wait3A_265] : memref<512xi32, #tpu.memory_space<vmem>> -> memref<128xi32, #tpu.memory_space<vmem>>
          %dma_wait3A_267 = arith.constant 0 : i32
          %dma_wait3A_268 = arith.constant 0 : i32
          %dma_wait3A_269 = tpu.memref_slice %arg2[%dma_wait3A_267, %dma_wait3A_268] : memref<10000x128xf32, #tpu.memory_space<hbm>> -> memref<10000x128xf32, #tpu.memory_space<hbm>>
          tpu.wait_indirect_dma semaphore(%arg20 : memref<!tpu.dma_semaphore, #tpu.memory_space<semaphore_mem>>) src(%dma_wait3A_269 : memref<10000x128xf32, #tpu.memory_space<hbm>>) dst(%arg13 : memref<128x128xf32, #tpu.memory_space<vmem>>)
          %dma_start3A_270 = arith.constant 384 : i32
          %dma_start3A_271 = tpu.memref_slice %arg11[%dma_start3A_270] : memref<512xi32, #tpu.memory_space<vmem>> -> memref<128xi32, #tpu.memory_space<vmem>>
          %dma_start3A_272 = arith.constant 0 : i32
          %dma_start3A_273 = arith.constant 0 : i32
          %dma_start3A_274 = tpu.memref_slice %arg23[%dma_start3A_272, %dma_start3A_273] : memref<10240x128xf32, #tpu.memory_space<vmem_shared>> -> memref<10240x128xf32, #tpu.memory_space<vmem_shared>>
          tpu.enqueue_indirect_dma source(%arg13 : memref<128x128xf32, #tpu.memory_space<vmem>>) target(%dma_start3A_274 : memref<10240x128xf32, #tpu.memory_space<vmem_shared>>) offsets(%dma_start3A_271 : memref<128xi32, #tpu.memory_space<vmem>>) semaphore(%arg22 : memref<!tpu.dma_semaphore, #tpu.memory_space<semaphore_mem>>) {add = true}
          %dma_wait3A_275 = arith.constant 256 : i32
          %dma_wait3A_276 = tpu.memref_slice %arg11[%dma_wait3A_275] : memref<512xi32, #tpu.memory_space<vmem>> -> memref<128xi32, #tpu.memory_space<vmem>>
          %dma_wait3A_277 = arith.constant 0 : i32
          %dma_wait3A_278 = arith.constant 0 : i32
          %dma_wait3A_279 = tpu.memref_slice %arg23[%dma_wait3A_277, %dma_wait3A_278] : memref<10240x128xf32, #tpu.memory_space<vmem_shared>> -> memref<10240x128xf32, #tpu.memory_space<vmem_shared>>
          tpu.wait_indirect_dma semaphore(%arg21 : memref<!tpu.dma_semaphore, #tpu.memory_space<semaphore_mem>>) src(%arg12 : memref<128x128xf32, #tpu.memory_space<vmem>>) dst(%dma_wait3A_279 : memref<10240x128xf32, #tpu.memory_space<vmem_shared>>)
          %dma_wait3A_280 = arith.constant 384 : i32
          %dma_wait3A_281 = tpu.memref_slice %arg11[%dma_wait3A_280] : memref<512xi32, #tpu.memory_space<vmem>> -> memref<128xi32, #tpu.memory_space<vmem>>
          %dma_wait3A_282 = arith.constant 0 : i32
          %dma_wait3A_283 = arith.constant 0 : i32
          %dma_wait3A_284 = tpu.memref_slice %arg23[%dma_wait3A_282, %dma_wait3A_283] : memref<10240x128xf32, #tpu.memory_space<vmem_shared>> -> memref<10240x128xf32, #tpu.memory_space<vmem_shared>>
          tpu.wait_indirect_dma semaphore(%arg22 : memref<!tpu.dma_semaphore, #tpu.memory_space<semaphore_mem>>) src(%arg13 : memref<128x128xf32, #tpu.memory_space<vmem>>) dst(%dma_wait3A_284 : memref<10240x128xf32, #tpu.memory_space<vmem_shared>>)
        } else {
        }
      }
      %while3A_48 = arith.constant 1 : i32
      scf.for %while3A_60 = %while3A_46 to %while3A_42 step %while3A_48  : i32 {
        %mul3A_61 = arith.constant 2 : i32
        %mul3A_62 = arith.muli %mul3A_61, %while3A_60 : i32
        %add3A_63 = arith.constant 1 : i32
        %add3A_64 = arith.addi %mul3A_62, %add3A_63 : i32
        %dma_wait3A_65 = arith.constant 0 : i32
        %dma_wait3A_66 = tpu.memref_slice %arg3[%add3A, %dma_wait3A_65] : memref<32x10240xi32, #tpu.memory_space<hbm>> -> memref<1x512xi32, #tpu.memory_space<hbm>>
        %dma_wait3A_67 = tpu.memref_squeeze %dma_wait3A_66 : memref<1x512xi32, #tpu.memory_space<hbm>> -> memref<512xi32, #tpu.memory_space<hbm>>
        %dma_wait3A_68 = arith.constant 0 : i32
        %dma_wait3A_69 = tpu.memref_slice %arg3[%add3A, %dma_wait3A_68] : memref<32x10240xi32, #tpu.memory_space<hbm>> -> memref<1x512xi32, #tpu.memory_space<hbm>>
        %dma_wait3A_70 = tpu.memref_squeeze %dma_wait3A_69 : memref<1x512xi32, #tpu.memory_space<hbm>> -> memref<512xi32, #tpu.memory_space<hbm>>
        tpu.wait_dma2 semaphore(%arg15 : memref<!tpu.dma_semaphore, #tpu.memory_space<semaphore_mem>>) src(%dma_wait3A_70 : memref<512xi32, #tpu.memory_space<hbm>>) dst(%arg8 : memref<512xi32, #tpu.memory_space<vmem>>)
        %dma_wait3A_71 = arith.constant 0 : i32
        %dma_wait3A_72 = tpu.memref_slice %arg4[%add3A, %dma_wait3A_71] : memref<32x10240xi32, #tpu.memory_space<hbm>> -> memref<1x512xi32, #tpu.memory_space<hbm>>
        %dma_wait3A_73 = tpu.memref_squeeze %dma_wait3A_72 : memref<1x512xi32, #tpu.memory_space<hbm>> -> memref<512xi32, #tpu.memory_space<hbm>>
        %dma_wait3A_74 = arith.constant 0 : i32
        %dma_wait3A_75 = tpu.memref_slice %arg4[%add3A, %dma_wait3A_74] : memref<32x10240xi32, #tpu.memory_space<hbm>> -> memref<1x512xi32, #tpu.memory_space<hbm>>
        %dma_wait3A_76 = tpu.memref_squeeze %dma_wait3A_75 : memref<1x512xi32, #tpu.memory_space<hbm>> -> memref<512xi32, #tpu.memory_space<hbm>>
        tpu.wait_dma2 semaphore(%arg16 : memref<!tpu.dma_semaphore, #tpu.memory_space<semaphore_mem>>) src(%dma_wait3A_76 : memref<512xi32, #tpu.memory_space<hbm>>) dst(%arg10 : memref<512xi32, #tpu.memory_space<vmem>>)
        %sub3A_77 = arith.constant 1 : i32
        %sub3A_78 = arith.subi %reduce_max3A_10, %sub3A_77 : i32
        %min3A = arith.minsi %add3A_64, %sub3A_78 : i32
        %mul3A_79 = arith.constant 4 : i32
        %mul3A_80 = arith.muli %min3A, %mul3A_79 : i32
        %mul3A_81 = arith.constant 128 : i32
        %mul3A_82 = arith.muli %mul3A_80, %mul3A_81 : i32
        %multiple_of3A_83 = tpu.assume_multiple %mul3A_82, 8 : i32
        %dma_start3A_84 = tpu.memref_slice %arg3[%add3A, %multiple_of3A_83] : memref<32x10240xi32, #tpu.memory_space<hbm>> -> memref<1x512xi32, #tpu.memory_space<hbm>>
        %dma_start3A_85 = tpu.memref_squeeze %dma_start3A_84 : memref<1x512xi32, #tpu.memory_space<hbm>> -> memref<512xi32, #tpu.memory_space<hbm>>
        %dma_start3A_86 = tpu.memref_slice %arg3[%add3A, %multiple_of3A_83] : memref<32x10240xi32, #tpu.memory_space<hbm>> -> memref<1x512xi32, #tpu.memory_space<hbm>>
        %dma_start3A_87 = tpu.memref_squeeze %dma_start3A_86 : memref<1x512xi32, #tpu.memory_space<hbm>> -> memref<512xi32, #tpu.memory_space<hbm>>
        tpu.enqueue_dma source(%dma_start3A_87 : memref<512xi32, #tpu.memory_space<hbm>>) target(%arg9 : memref<512xi32, #tpu.memory_space<vmem>>) target_semaphore(%arg17 : memref<!tpu.dma_semaphore, #tpu.memory_space<semaphore_mem>>)
        %dma_start3A_88 = tpu.memref_slice %arg4[%add3A, %multiple_of3A_83] : memref<32x10240xi32, #tpu.memory_space<hbm>> -> memref<1x512xi32, #tpu.memory_space<hbm>>
        %dma_start3A_89 = tpu.memref_squeeze %dma_start3A_88 : memref<1x512xi32, #tpu.memory_space<hbm>> -> memref<512xi32, #tpu.memory_space<hbm>>
        %dma_start3A_90 = tpu.memref_slice %arg4[%add3A, %multiple_of3A_83] : memref<32x10240xi32, #tpu.memory_space<hbm>> -> memref<1x512xi32, #tpu.memory_space<hbm>>
        %dma_start3A_91 = tpu.memref_squeeze %dma_start3A_90 : memref<1x512xi32, #tpu.memory_space<hbm>> -> memref<512xi32, #tpu.memory_space<hbm>>
        tpu.enqueue_dma source(%dma_start3A_91 : memref<512xi32, #tpu.memory_space<hbm>>) target(%arg11 : memref<512xi32, #tpu.memory_space<vmem>>) target_semaphore(%arg18 : memref<!tpu.dma_semaphore, #tpu.memory_space<semaphore_mem>>)
        %dma_start3A_92 = arith.constant 0 : i32
        %dma_start3A_93 = tpu.memref_slice %arg8[%dma_start3A_92] : memref<512xi32, #tpu.memory_space<vmem>> -> memref<128xi32, #tpu.memory_space<vmem>>
        %dma_start3A_94 = arith.constant 0 : i32
        %dma_start3A_95 = arith.constant 0 : i32
        %dma_start3A_96 = tpu.memref_slice %arg2[%dma_start3A_94, %dma_start3A_95] : memref<10000x128xf32, #tpu.memory_space<hbm>> -> memref<10000x128xf32, #tpu.memory_space<hbm>>
        tpu.enqueue_indirect_dma source(%dma_start3A_96 : memref<10000x128xf32, #tpu.memory_space<hbm>>) target(%arg12 : memref<128x128xf32, #tpu.memory_space<vmem>>) offsets(%dma_start3A_93 : memref<128xi32, #tpu.memory_space<vmem>>) semaphore(%arg19 : memref<!tpu.dma_semaphore, #tpu.memory_space<semaphore_mem>>)
        %dma_start3A_97 = arith.constant 128 : i32
        %dma_start3A_98 = tpu.memref_slice %arg8[%dma_start3A_97] : memref<512xi32, #tpu.memory_space<vmem>> -> memref<128xi32, #tpu.memory_space<vmem>>
        %dma_start3A_99 = arith.constant 0 : i32
        %dma_start3A_100 = arith.constant 0 : i32
        %dma_start3A_101 = tpu.memref_slice %arg2[%dma_start3A_99, %dma_start3A_100] : memref<10000x128xf32, #tpu.memory_space<hbm>> -> memref<10000x128xf32, #tpu.memory_space<hbm>>
        tpu.enqueue_indirect_dma source(%dma_start3A_101 : memref<10000x128xf32, #tpu.memory_space<hbm>>) target(%arg13 : memref<128x128xf32, #tpu.memory_space<vmem>>) offsets(%dma_start3A_98 : memref<128xi32, #tpu.memory_space<vmem>>) semaphore(%arg20 : memref<!tpu.dma_semaphore, #tpu.memory_space<semaphore_mem>>)
        %dma_wait3A_102 = arith.constant 0 : i32
        %dma_wait3A_103 = tpu.memref_slice %arg8[%dma_wait3A_102] : memref<512xi32, #tpu.memory_space<vmem>> -> memref<128xi32, #tpu.memory_space<vmem>>
        %dma_wait3A_104 = arith.constant 0 : i32
        %dma_wait3A_105 = arith.constant 0 : i32
        %dma_wait3A_106 = tpu.memref_slice %arg2[%dma_wait3A_104, %dma_wait3A_105] : memref<10000x128xf32, #tpu.memory_space<hbm>> -> memref<10000x128xf32, #tpu.memory_space<hbm>>
        tpu.wait_indirect_dma semaphore(%arg19 : memref<!tpu.dma_semaphore, #tpu.memory_space<semaphore_mem>>) src(%dma_wait3A_106 : memref<10000x128xf32, #tpu.memory_space<hbm>>) dst(%arg12 : memref<128x128xf32, #tpu.memory_space<vmem>>)
        %dma_start3A_107 = arith.constant 0 : i32
        %dma_start3A_108 = tpu.memref_slice %arg10[%dma_start3A_107] : memref<512xi32, #tpu.memory_space<vmem>> -> memref<128xi32, #tpu.memory_space<vmem>>
        %dma_start3A_109 = arith.constant 0 : i32
        %dma_start3A_110 = arith.constant 0 : i32
        %dma_start3A_111 = tpu.memref_slice %arg23[%dma_start3A_109, %dma_start3A_110] : memref<10240x128xf32, #tpu.memory_space<vmem_shared>> -> memref<10240x128xf32, #tpu.memory_space<vmem_shared>>
        tpu.enqueue_indirect_dma source(%arg12 : memref<128x128xf32, #tpu.memory_space<vmem>>) target(%dma_start3A_111 : memref<10240x128xf32, #tpu.memory_space<vmem_shared>>) offsets(%dma_start3A_108 : memref<128xi32, #tpu.memory_space<vmem>>) semaphore(%arg21 : memref<!tpu.dma_semaphore, #tpu.memory_space<semaphore_mem>>) {add = true}
        %dma_wait3A_112 = arith.constant 128 : i32
        %dma_wait3A_113 = tpu.memref_slice %arg8[%dma_wait3A_112] : memref<512xi32, #tpu.memory_space<vmem>> -> memref<128xi32, #tpu.memory_space<vmem>>
        %dma_wait3A_114 = arith.constant 0 : i32
        %dma_wait3A_115 = arith.constant 0 : i32
        %dma_wait3A_116 = tpu.memref_slice %arg2[%dma_wait3A_114, %dma_wait3A_115] : memref<10000x128xf32, #tpu.memory_space<hbm>> -> memref<10000x128xf32, #tpu.memory_space<hbm>>
        tpu.wait_indirect_dma semaphore(%arg20 : memref<!tpu.dma_semaphore, #tpu.memory_space<semaphore_mem>>) src(%dma_wait3A_116 : memref<10000x128xf32, #tpu.memory_space<hbm>>) dst(%arg13 : memref<128x128xf32, #tpu.memory_space<vmem>>)
        %dma_start3A_117 = arith.constant 128 : i32
        %dma_start3A_118 = tpu.memref_slice %arg10[%dma_start3A_117] : memref<512xi32, #tpu.memory_space<vmem>> -> memref<128xi32, #tpu.memory_space<vmem>>
        %dma_start3A_119 = arith.constant 0 : i32
        %dma_start3A_120 = arith.constant 0 : i32
        %dma_start3A_121 = tpu.memref_slice %arg23[%dma_start3A_119, %dma_start3A_120] : memref<10240x128xf32, #tpu.memory_space<vmem_shared>> -> memref<10240x128xf32, #tpu.memory_space<vmem_shared>>
        tpu.enqueue_indirect_dma source(%arg13 : memref<128x128xf32, #tpu.memory_space<vmem>>) target(%dma_start3A_121 : memref<10240x128xf32, #tpu.memory_space<vmem_shared>>) offsets(%dma_start3A_118 : memref<128xi32, #tpu.memory_space<vmem>>) semaphore(%arg22 : memref<!tpu.dma_semaphore, #tpu.memory_space<semaphore_mem>>) {add = true}
        %dma_wait3A_122 = arith.constant 0 : i32
        %dma_wait3A_123 = tpu.memref_slice %arg10[%dma_wait3A_122] : memref<512xi32, #tpu.memory_space<vmem>> -> memref<128xi32, #tpu.memory_space<vmem>>
        %dma_wait3A_124 = arith.constant 0 : i32
        %dma_wait3A_125 = arith.constant 0 : i32
        %dma_wait3A_126 = tpu.memref_slice %arg23[%dma_wait3A_124, %dma_wait3A_125] : memref<10240x128xf32, #tpu.memory_space<vmem_shared>> -> memref<10240x128xf32, #tpu.memory_space<vmem_shared>>
        tpu.wait_indirect_dma semaphore(%arg21 : memref<!tpu.dma_semaphore, #tpu.memory_space<semaphore_mem>>) src(%arg12 : memref<128x128xf32, #tpu.memory_space<vmem>>) dst(%dma_wait3A_126 : memref<10240x128xf32, #tpu.memory_space<vmem_shared>>)
        %dma_start3A_127 = arith.constant 256 : i32
        %dma_start3A_128 = tpu.memref_slice %arg8[%dma_start3A_127] : memref<512xi32, #tpu.memory_space<vmem>> -> memref<128xi32, #tpu.memory_space<vmem>>
        %dma_start3A_129 = arith.constant 0 : i32
        %dma_start3A_130 = arith.constant 0 : i32
        %dma_start3A_131 = tpu.memref_slice %arg2[%dma_start3A_129, %dma_start3A_130] : memref<10000x128xf32, #tpu.memory_space<hbm>> -> memref<10000x128xf32, #tpu.memory_space<hbm>>
        tpu.enqueue_indirect_dma source(%dma_start3A_131 : memref<10000x128xf32, #tpu.memory_space<hbm>>) target(%arg12 : memref<128x128xf32, #tpu.memory_space<vmem>>) offsets(%dma_start3A_128 : memref<128xi32, #tpu.memory_space<vmem>>) semaphore(%arg19 : memref<!tpu.dma_semaphore, #tpu.memory_space<semaphore_mem>>)
        %dma_wait3A_132 = arith.constant 128 : i32
        %dma_wait3A_133 = tpu.memref_slice %arg10[%dma_wait3A_132] : memref<512xi32, #tpu.memory_space<vmem>> -> memref<128xi32, #tpu.memory_space<vmem>>
        %dma_wait3A_134 = arith.constant 0 : i32
        %dma_wait3A_135 = arith.constant 0 : i32
        %dma_wait3A_136 = tpu.memref_slice %arg23[%dma_wait3A_134, %dma_wait3A_135] : memref<10240x128xf32, #tpu.memory_space<vmem_shared>> -> memref<10240x128xf32, #tpu.memory_space<vmem_shared>>
        tpu.wait_indirect_dma semaphore(%arg22 : memref<!tpu.dma_semaphore, #tpu.memory_space<semaphore_mem>>) src(%arg13 : memref<128x128xf32, #tpu.memory_space<vmem>>) dst(%dma_wait3A_136 : memref<10240x128xf32, #tpu.memory_space<vmem_shared>>)
        %dma_start3A_137 = arith.constant 384 : i32
        %dma_start3A_138 = tpu.memref_slice %arg8[%dma_start3A_137] : memref<512xi32, #tpu.memory_space<vmem>> -> memref<128xi32, #tpu.memory_space<vmem>>
        %dma_start3A_139 = arith.constant 0 : i32
        %dma_start3A_140 = arith.constant 0 : i32
        %dma_start3A_141 = tpu.memref_slice %arg2[%dma_start3A_139, %dma_start3A_140] : memref<10000x128xf32, #tpu.memory_space<hbm>> -> memref<10000x128xf32, #tpu.memory_space<hbm>>
        tpu.enqueue_indirect_dma source(%dma_start3A_141 : memref<10000x128xf32, #tpu.memory_space<hbm>>) target(%arg13 : memref<128x128xf32, #tpu.memory_space<vmem>>) offsets(%dma_start3A_138 : memref<128xi32, #tpu.memory_space<vmem>>) semaphore(%arg20 : memref<!tpu.dma_semaphore, #tpu.memory_space<semaphore_mem>>)
        %dma_wait3A_142 = arith.constant 256 : i32
        %dma_wait3A_143 = tpu.memref_slice %arg8[%dma_wait3A_142] : memref<512xi32, #tpu.memory_space<vmem>> -> memref<128xi32, #tpu.memory_space<vmem>>
        %dma_wait3A_144 = arith.constant 0 : i32
        %dma_wait3A_145 = arith.constant 0 : i32
        %dma_wait3A_146 = tpu.memref_slice %arg2[%dma_wait3A_144, %dma_wait3A_145] : memref<10000x128xf32, #tpu.memory_space<hbm>> -> memref<10000x128xf32, #tpu.memory_space<hbm>>
        tpu.wait_indirect_dma semaphore(%arg19 : memref<!tpu.dma_semaphore, #tpu.memory_space<semaphore_mem>>) src(%dma_wait3A_146 : memref<10000x128xf32, #tpu.memory_space<hbm>>) dst(%arg12 : memref<128x128xf32, #tpu.memory_space<vmem>>)
        %dma_start3A_147 = arith.constant 256 : i32
        %dma_start3A_148 = tpu.memref_slice %arg10[%dma_start3A_147] : memref<512xi32, #tpu.memory_space<vmem>> -> memref<128xi32, #tpu.memory_space<vmem>>
        %dma_start3A_149 = arith.constant 0 : i32
        %dma_start3A_150 = arith.constant 0 : i32
        %dma_start3A_151 = tpu.memref_slice %arg23[%dma_start3A_149, %dma_start3A_150] : memref<10240x128xf32, #tpu.memory_space<vmem_shared>> -> memref<10240x128xf32, #tpu.memory_space<vmem_shared>>
        tpu.enqueue_indirect_dma source(%arg12 : memref<128x128xf32, #tpu.memory_space<vmem>>) target(%dma_start3A_151 : memref<10240x128xf32, #tpu.memory_space<vmem_shared>>) offsets(%dma_start3A_148 : memref<128xi32, #tpu.memory_space<vmem>>) semaphore(%arg21 : memref<!tpu.dma_semaphore, #tpu.memory_space<semaphore_mem>>) {add = true}
        %dma_wait3A_152 = arith.constant 384 : i32
        %dma_wait3A_153 = tpu.memref_slice %arg8[%dma_wait3A_152] : memref<512xi32, #tpu.memory_space<vmem>> -> memref<128xi32, #tpu.memory_space<vmem>>
        %dma_wait3A_154 = arith.constant 0 : i32
        %dma_wait3A_155 = arith.constant 0 : i32
        %dma_wait3A_156 = tpu.memref_slice %arg2[%dma_wait3A_154, %dma_wait3A_155] : memref<10000x128xf32, #tpu.memory_space<hbm>> -> memref<10000x128xf32, #tpu.memory_space<hbm>>
        tpu.wait_indirect_dma semaphore(%arg20 : memref<!tpu.dma_semaphore, #tpu.memory_space<semaphore_mem>>) src(%dma_wait3A_156 : memref<10000x128xf32, #tpu.memory_space<hbm>>) dst(%arg13 : memref<128x128xf32, #tpu.memory_space<vmem>>)
        %dma_start3A_157 = arith.constant 384 : i32
        %dma_start3A_158 = tpu.memref_slice %arg10[%dma_start3A_157] : memref<512xi32, #tpu.memory_space<vmem>> -> memref<128xi32, #tpu.memory_space<vmem>>
        %dma_start3A_159 = arith.constant 0 : i32
        %dma_start3A_160 = arith.constant 0 : i32
        %dma_start3A_161 = tpu.memref_slice %arg23[%dma_start3A_159, %dma_start3A_160] : memref<10240x128xf32, #tpu.memory_space<vmem_shared>> -> memref<10240x128xf32, #tpu.memory_space<vmem_shared>>
        tpu.enqueue_indirect_dma source(%arg13 : memref<128x128xf32, #tpu.memory_space<vmem>>) target(%dma_start3A_161 : memref<10240x128xf32, #tpu.memory_space<vmem_shared>>) offsets(%dma_start3A_158 : memref<128xi32, #tpu.memory_space<vmem>>) semaphore(%arg22 : memref<!tpu.dma_semaphore, #tpu.memory_space<semaphore_mem>>) {add = true}
        %dma_wait3A_162 = arith.constant 256 : i32
        %dma_wait3A_163 = tpu.memref_slice %arg10[%dma_wait3A_162] : memref<512xi32, #tpu.memory_space<vmem>> -> memref<128xi32, #tpu.memory_space<vmem>>
        %dma_wait3A_164 = arith.constant 0 : i32
        %dma_wait3A_165 = arith.constant 0 : i32
        %dma_wait3A_166 = tpu.memref_slice %arg23[%dma_wait3A_164, %dma_wait3A_165] : memref<10240x128xf32, #tpu.memory_space<vmem_shared>> -> memref<10240x128xf32, #tpu.memory_space<vmem_shared>>
        tpu.wait_indirect_dma semaphore(%arg21 : memref<!tpu.dma_semaphore, #tpu.memory_space<semaphore_mem>>) src(%arg12 : memref<128x128xf32, #tpu.memory_space<vmem>>) dst(%dma_wait3A_166 : memref<10240x128xf32, #tpu.memory_space<vmem_shared>>)
        %dma_wait3A_167 = arith.constant 384 : i32
        %dma_wait3A_168 = tpu.memref_slice %arg10[%dma_wait3A_167] : memref<512xi32, #tpu.memory_space<vmem>> -> memref<128xi32, #tpu.memory_space<vmem>>
        %dma_wait3A_169 = arith.constant 0 : i32
        %dma_wait3A_170 = arith.constant 0 : i32
        %dma_wait3A_171 = tpu.memref_slice %arg23[%dma_wait3A_169, %dma_wait3A_170] : memref<10240x128xf32, #tpu.memory_space<vmem_shared>> -> memref<10240x128xf32, #tpu.memory_space<vmem_shared>>
        tpu.wait_indirect_dma semaphore(%arg22 : memref<!tpu.dma_semaphore, #tpu.memory_space<semaphore_mem>>) src(%arg13 : memref<128x128xf32, #tpu.memory_space<vmem>>) dst(%dma_wait3A_171 : memref<10240x128xf32, #tpu.memory_space<vmem_shared>>)
        %dma_wait3A_172 = arith.constant 0 : i32
        %dma_wait3A_173 = tpu.memref_slice %arg3[%add3A, %dma_wait3A_172] : memref<32x10240xi32, #tpu.memory_space<hbm>> -> memref<1x512xi32, #tpu.memory_space<hbm>>
        %dma_wait3A_174 = tpu.memref_squeeze %dma_wait3A_173 : memref<1x512xi32, #tpu.memory_space<hbm>> -> memref<512xi32, #tpu.memory_space<hbm>>
        %dma_wait3A_175 = arith.constant 0 : i32
        %dma_wait3A_176 = tpu.memref_slice %arg3[%add3A, %dma_wait3A_175] : memref<32x10240xi32, #tpu.memory_space<hbm>> -> memref<1x512xi32, #tpu.memory_space<hbm>>
        %dma_wait3A_177 = tpu.memref_squeeze %dma_wait3A_176 : memref<1x512xi32, #tpu.memory_space<hbm>> -> memref<512xi32, #tpu.memory_space<hbm>>
        tpu.wait_dma2 semaphore(%arg17 : memref<!tpu.dma_semaphore, #tpu.memory_space<semaphore_mem>>) src(%dma_wait3A_177 : memref<512xi32, #tpu.memory_space<hbm>>) dst(%arg9 : memref<512xi32, #tpu.memory_space<vmem>>)
        %dma_wait3A_178 = arith.constant 0 : i32
        %dma_wait3A_179 = tpu.memref_slice %arg4[%add3A, %dma_wait3A_178] : memref<32x10240xi32, #tpu.memory_space<hbm>> -> memref<1x512xi32, #tpu.memory_space<hbm>>
        %dma_wait3A_180 = tpu.memref_squeeze %dma_wait3A_179 : memref<1x512xi32, #tpu.memory_space<hbm>> -> memref<512xi32, #tpu.memory_space<hbm>>
        %dma_wait3A_181 = arith.constant 0 : i32
        %dma_wait3A_182 = tpu.memref_slice %arg4[%add3A, %dma_wait3A_181] : memref<32x10240xi32, #tpu.memory_space<hbm>> -> memref<1x512xi32, #tpu.memory_space<hbm>>
        %dma_wait3A_183 = tpu.memref_squeeze %dma_wait3A_182 : memref<1x512xi32, #tpu.memory_space<hbm>> -> memref<512xi32, #tpu.memory_space<hbm>>
        tpu.wait_dma2 semaphore(%arg18 : memref<!tpu.dma_semaphore, #tpu.memory_space<semaphore_mem>>) src(%dma_wait3A_183 : memref<512xi32, #tpu.memory_space<hbm>>) dst(%arg11 : memref<512xi32, #tpu.memory_space<vmem>>)
        %add3A_184 = arith.constant 2 : i32
        %add3A_185 = arith.addi %mul3A_62, %add3A_184 : i32
        %sub3A_186 = arith.constant 1 : i32
        %sub3A_187 = arith.subi %reduce_max3A_10, %sub3A_186 : i32
        %min3A_188 = arith.minsi %add3A_185, %sub3A_187 : i32
        %mul3A_189 = arith.constant 4 : i32
        %mul3A_190 = arith.muli %min3A_188, %mul3A_189 : i32
        %mul3A_191 = arith.constant 128 : i32
        %mul3A_192 = arith.muli %mul3A_190, %mul3A_191 : i32
        %multiple_of3A_193 = tpu.assume_multiple %mul3A_192, 8 : i32
        %dma_start3A_194 = tpu.memref_slice %arg3[%add3A, %multiple_of3A_193] : memref<32x10240xi32, #tpu.memory_space<hbm>> -> memref<1x512xi32, #tpu.memory_space<hbm>>
        %dma_start3A_195 = tpu.memref_squeeze %dma_start3A_194 : memref<1x512xi32, #tpu.memory_space<hbm>> -> memref<512xi32, #tpu.memory_space<hbm>>
        %dma_start3A_196 = tpu.memref_slice %arg3[%add3A, %multiple_of3A_193] : memref<32x10240xi32, #tpu.memory_space<hbm>> -> memref<1x512xi32, #tpu.memory_space<hbm>>
        %dma_start3A_197 = tpu.memref_squeeze %dma_start3A_196 : memref<1x512xi32, #tpu.memory_space<hbm>> -> memref<512xi32, #tpu.memory_space<hbm>>
        tpu.enqueue_dma source(%dma_start3A_197 : memref<512xi32, #tpu.memory_space<hbm>>) target(%arg8 : memref<512xi32, #tpu.memory_space<vmem>>) target_semaphore(%arg15 : memref<!tpu.dma_semaphore, #tpu.memory_space<semaphore_mem>>)
        %dma_start3A_198 = tpu.memref_slice %arg4[%add3A, %multiple_of3A_193] : memref<32x10240xi32, #tpu.memory_space<hbm>> -> memref<1x512xi32, #tpu.memory_space<hbm>>
        %dma_start3A_199 = tpu.memref_squeeze %dma_start3A_198 : memref<1x512xi32, #tpu.memory_space<hbm>> -> memref<512xi32, #tpu.memory_space<hbm>>
        %dma_start3A_200 = tpu.memref_slice %arg4[%add3A, %multiple_of3A_193] : memref<32x10240xi32, #tpu.memory_space<hbm>> -> memref<1x512xi32, #tpu.memory_space<hbm>>
        %dma_start3A_201 = tpu.memref_squeeze %dma_start3A_200 : memref<1x512xi32, #tpu.memory_space<hbm>> -> memref<512xi32, #tpu.memory_space<hbm>>
        tpu.enqueue_dma source(%dma_start3A_201 : memref<512xi32, #tpu.memory_space<hbm>>) target(%arg10 : memref<512xi32, #tpu.memory_space<vmem>>) target_semaphore(%arg16 : memref<!tpu.dma_semaphore, #tpu.memory_space<semaphore_mem>>)
        %lt3A = arith.cmpi slt, %add3A_64, %reduce_max3A_10 : i32
        %convert_element_type3A_202 = arith.extui %lt3A : i1 to i32
        %cond3A_203 = arith.constant 0 : i32
        %cond3A_204 = arith.cmpi ne, %convert_element_type3A_202, %cond3A_203 : i32
        scf.if %cond3A_204 {
          %dma_start3A_205 = arith.constant 0 : i32
          %dma_start3A_206 = tpu.memref_slice %arg9[%dma_start3A_205] : memref<512xi32, #tpu.memory_space<vmem>> -> memref<128xi32, #tpu.memory_space<vmem>>
          %dma_start3A_207 = arith.constant 0 : i32
          %dma_start3A_208 = arith.constant 0 : i32
          %dma_start3A_209 = tpu.memref_slice %arg2[%dma_start3A_207, %dma_start3A_208] : memref<10000x128xf32, #tpu.memory_space<hbm>> -> memref<10000x128xf32, #tpu.memory_space<hbm>>
          tpu.enqueue_indirect_dma source(%dma_start3A_209 : memref<10000x128xf32, #tpu.memory_space<hbm>>) target(%arg12 : memref<128x128xf32, #tpu.memory_space<vmem>>) offsets(%dma_start3A_206 : memref<128xi32, #tpu.memory_space<vmem>>) semaphore(%arg19 : memref<!tpu.dma_semaphore, #tpu.memory_space<semaphore_mem>>)
          %dma_start3A_210 = arith.constant 128 : i32
          %dma_start3A_211 = tpu.memref_slice %arg9[%dma_start3A_210] : memref<512xi32, #tpu.memory_space<vmem>> -> memref<128xi32, #tpu.memory_space<vmem>>
          %dma_start3A_212 = arith.constant 0 : i32
          %dma_start3A_213 = arith.constant 0 : i32
          %dma_start3A_214 = tpu.memref_slice %arg2[%dma_start3A_212, %dma_start3A_213] : memref<10000x128xf32, #tpu.memory_space<hbm>> -> memref<10000x128xf32, #tpu.memory_space<hbm>>
          tpu.enqueue_indirect_dma source(%dma_start3A_214 : memref<10000x128xf32, #tpu.memory_space<hbm>>) target(%arg13 : memref<128x128xf32, #tpu.memory_space<vmem>>) offsets(%dma_start3A_211 : memref<128xi32, #tpu.memory_space<vmem>>) semaphore(%arg20 : memref<!tpu.dma_semaphore, #tpu.memory_space<semaphore_mem>>)
          %dma_wait3A_215 = arith.constant 0 : i32
          %dma_wait3A_216 = tpu.memref_slice %arg9[%dma_wait3A_215] : memref<512xi32, #tpu.memory_space<vmem>> -> memref<128xi32, #tpu.memory_space<vmem>>
          %dma_wait3A_217 = arith.constant 0 : i32
          %dma_wait3A_218 = arith.constant 0 : i32
          %dma_wait3A_219 = tpu.memref_slice %arg2[%dma_wait3A_217, %dma_wait3A_218] : memref<10000x128xf32, #tpu.memory_space<hbm>> -> memref<10000x128xf32, #tpu.memory_space<hbm>>
          tpu.wait_indirect_dma semaphore(%arg19 : memref<!tpu.dma_semaphore, #tpu.memory_space<semaphore_mem>>) src(%dma_wait3A_219 : memref<10000x128xf32, #tpu.memory_space<hbm>>) dst(%arg12 : memref<128x128xf32, #tpu.memory_space<vmem>>)
          %dma_start3A_220 = arith.constant 0 : i32
          %dma_start3A_221 = tpu.memref_slice %arg11[%dma_start3A_220] : memref<512xi32, #tpu.memory_space<vmem>> -> memref<128xi32, #tpu.memory_space<vmem>>
          %dma_start3A_222 = arith.constant 0 : i32
          %dma_start3A_223 = arith.constant 0 : i32
          %dma_start3A_224 = tpu.memref_slice %arg23[%dma_start3A_222, %dma_start3A_223] : memref<10240x128xf32, #tpu.memory_space<vmem_shared>> -> memref<10240x128xf32, #tpu.memory_space<vmem_shared>>
          tpu.enqueue_indirect_dma source(%arg12 : memref<128x128xf32, #tpu.memory_space<vmem>>) target(%dma_start3A_224 : memref<10240x128xf32, #tpu.memory_space<vmem_shared>>) offsets(%dma_start3A_221 : memref<128xi32, #tpu.memory_space<vmem>>) semaphore(%arg21 : memref<!tpu.dma_semaphore, #tpu.memory_space<semaphore_mem>>) {add = true}
          %dma_wait3A_225 = arith.constant 128 : i32
          %dma_wait3A_226 = tpu.memref_slice %arg9[%dma_wait3A_225] : memref<512xi32, #tpu.memory_space<vmem>> -> memref<128xi32, #tpu.memory_space<vmem>>
          %dma_wait3A_227 = arith.constant 0 : i32
          %dma_wait3A_228 = arith.constant 0 : i32
          %dma_wait3A_229 = tpu.memref_slice %arg2[%dma_wait3A_227, %dma_wait3A_228] : memref<10000x128xf32, #tpu.memory_space<hbm>> -> memref<10000x128xf32, #tpu.memory_space<hbm>>
          tpu.wait_indirect_dma semaphore(%arg20 : memref<!tpu.dma_semaphore, #tpu.memory_space<semaphore_mem>>) src(%dma_wait3A_229 : memref<10000x128xf32, #tpu.memory_space<hbm>>) dst(%arg13 : memref<128x128xf32, #tpu.memory_space<vmem>>)
          %dma_start3A_230 = arith.constant 128 : i32
          %dma_start3A_231 = tpu.memref_slice %arg11[%dma_start3A_230] : memref<512xi32, #tpu.memory_space<vmem>> -> memref<128xi32, #tpu.memory_space<vmem>>
          %dma_start3A_232 = arith.constant 0 : i32
          %dma_start3A_233 = arith.constant 0 : i32
          %dma_start3A_234 = tpu.memref_slice %arg23[%dma_start3A_232, %dma_start3A_233] : memref<10240x128xf32, #tpu.memory_space<vmem_shared>> -> memref<10240x128xf32, #tpu.memory_space<vmem_shared>>
          tpu.enqueue_indirect_dma source(%arg13 : memref<128x128xf32, #tpu.memory_space<vmem>>) target(%dma_start3A_234 : memref<10240x128xf32, #tpu.memory_space<vmem_shared>>) offsets(%dma_start3A_231 : memref<128xi32, #tpu.memory_space<vmem>>) semaphore(%arg22 : memref<!tpu.dma_semaphore, #tpu.memory_space<semaphore_mem>>) {add = true}
          %dma_wait3A_235 = arith.constant 0 : i32
          %dma_wait3A_236 = tpu.memref_slice %arg11[%dma_wait3A_235] : memref<512xi32, #tpu.memory_space<vmem>> -> memref<128xi32, #tpu.memory_space<vmem>>
          %dma_wait3A_237 = arith.constant 0 : i32
          %dma_wait3A_238 = arith.constant 0 : i32
          %dma_wait3A_239 = tpu.memref_slice %arg23[%dma_wait3A_237, %dma_wait3A_238] : memref<10240x128xf32, #tpu.memory_space<vmem_shared>> -> memref<10240x128xf32, #tpu.memory_space<vmem_shared>>
          tpu.wait_indirect_dma semaphore(%arg21 : memref<!tpu.dma_semaphore, #tpu.memory_space<semaphore_mem>>) src(%arg12 : memref<128x128xf32, #tpu.memory_space<vmem>>) dst(%dma_wait3A_239 : memref<10240x128xf32, #tpu.memory_space<vmem_shared>>)
          %dma_start3A_240 = arith.constant 256 : i32
          %dma_start3A_241 = tpu.memref_slice %arg9[%dma_start3A_240] : memref<512xi32, #tpu.memory_space<vmem>> -> memref<128xi32, #tpu.memory_space<vmem>>
          %dma_start3A_242 = arith.constant 0 : i32
          %dma_start3A_243 = arith.constant 0 : i32
          %dma_start3A_244 = tpu.memref_slice %arg2[%dma_start3A_242, %dma_start3A_243] : memref<10000x128xf32, #tpu.memory_space<hbm>> -> memref<10000x128xf32, #tpu.memory_space<hbm>>
          tpu.enqueue_indirect_dma source(%dma_start3A_244 : memref<10000x128xf32, #tpu.memory_space<hbm>>) target(%arg12 : memref<128x128xf32, #tpu.memory_space<vmem>>) offsets(%dma_start3A_241 : memref<128xi32, #tpu.memory_space<vmem>>) semaphore(%arg19 : memref<!tpu.dma_semaphore, #tpu.memory_space<semaphore_mem>>)
          %dma_wait3A_245 = arith.constant 128 : i32
          %dma_wait3A_246 = tpu.memref_slice %arg11[%dma_wait3A_245] : memref<512xi32, #tpu.memory_space<vmem>> -> memref<128xi32, #tpu.memory_space<vmem>>
          %dma_wait3A_247 = arith.constant 0 : i32
          %dma_wait3A_248 = arith.constant 0 : i32
          %dma_wait3A_249 = tpu.memref_slice %arg23[%dma_wait3A_247, %dma_wait3A_248] : memref<10240x128xf32, #tpu.memory_space<vmem_shared>> -> memref<10240x128xf32, #tpu.memory_space<vmem_shared>>
          tpu.wait_indirect_dma semaphore(%arg22 : memref<!tpu.dma_semaphore, #tpu.memory_space<semaphore_mem>>) src(%arg13 : memref<128x128xf32, #tpu.memory_space<vmem>>) dst(%dma_wait3A_249 : memref<10240x128xf32, #tpu.memory_space<vmem_shared>>)
          %dma_start3A_250 = arith.constant 384 : i32
          %dma_start3A_251 = tpu.memref_slice %arg9[%dma_start3A_250] : memref<512xi32, #tpu.memory_space<vmem>> -> memref<128xi32, #tpu.memory_space<vmem>>
          %dma_start3A_252 = arith.constant 0 : i32
          %dma_start3A_253 = arith.constant 0 : i32
          %dma_start3A_254 = tpu.memref_slice %arg2[%dma_start3A_252, %dma_start3A_253] : memref<10000x128xf32, #tpu.memory_space<hbm>> -> memref<10000x128xf32, #tpu.memory_space<hbm>>
          tpu.enqueue_indirect_dma source(%dma_start3A_254 : memref<10000x128xf32, #tpu.memory_space<hbm>>) target(%arg13 : memref<128x128xf32, #tpu.memory_space<vmem>>) offsets(%dma_start3A_251 : memref<128xi32, #tpu.memory_space<vmem>>) semaphore(%arg20 : memref<!tpu.dma_semaphore, #tpu.memory_space<semaphore_mem>>)
          %dma_wait3A_255 = arith.constant 256 : i32
          %dma_wait3A_256 = tpu.memref_slice %arg9[%dma_wait3A_255] : memref<512xi32, #tpu.memory_space<vmem>> -> memref<128xi32, #tpu.memory_space<vmem>>
          %dma_wait3A_257 = arith.constant 0 : i32
          %dma_wait3A_258 = arith.constant 0 : i32
          %dma_wait3A_259 = tpu.memref_slice %arg2[%dma_wait3A_257, %dma_wait3A_258] : memref<10000x128xf32, #tpu.memory_space<hbm>> -> memref<10000x128xf32, #tpu.memory_space<hbm>>
          tpu.wait_indirect_dma semaphore(%arg19 : memref<!tpu.dma_semaphore, #tpu.memory_space<semaphore_mem>>) src(%dma_wait3A_259 : memref<10000x128xf32, #tpu.memory_space<hbm>>) dst(%arg12 : memref<128x128xf32, #tpu.memory_space<vmem>>)
          %dma_start3A_260 = arith.constant 256 : i32
          %dma_start3A_261 = tpu.memref_slice %arg11[%dma_start3A_260] : memref<512xi32, #tpu.memory_space<vmem>> -> memref<128xi32, #tpu.memory_space<vmem>>
          %dma_start3A_262 = arith.constant 0 : i32
          %dma_start3A_263 = arith.constant 0 : i32
          %dma_start3A_264 = tpu.memref_slice %arg23[%dma_start3A_262, %dma_start3A_263] : memref<10240x128xf32, #tpu.memory_space<vmem_shared>> -> memref<10240x128xf32, #tpu.memory_space<vmem_shared>>
          tpu.enqueue_indirect_dma source(%arg12 : memref<128x128xf32, #tpu.memory_space<vmem>>) target(%dma_start3A_264 : memref<10240x128xf32, #tpu.memory_space<vmem_shared>>) offsets(%dma_start3A_261 : memref<128xi32, #tpu.memory_space<vmem>>) semaphore(%arg21 : memref<!tpu.dma_semaphore, #tpu.memory_space<semaphore_mem>>) {add = true}
          %dma_wait3A_265 = arith.constant 384 : i32
          %dma_wait3A_266 = tpu.memref_slice %arg9[%dma_wait3A_265] : memref<512xi32, #tpu.memory_space<vmem>> -> memref<128xi32, #tpu.memory_space<vmem>>
          %dma_wait3A_267 = arith.constant 0 : i32
          %dma_wait3A_268 = arith.constant 0 : i32
          %dma_wait3A_269 = tpu.memref_slice %arg2[%dma_wait3A_267, %dma_wait3A_268] : memref<10000x128xf32, #tpu.memory_space<hbm>> -> memref<10000x128xf32, #tpu.memory_space<hbm>>
          tpu.wait_indirect_dma semaphore(%arg20 : memref<!tpu.dma_semaphore, #tpu.memory_space<semaphore_mem>>) src(%dma_wait3A_269 : memref<10000x128xf32, #tpu.memory_space<hbm>>) dst(%arg13 : memref<128x128xf32, #tpu.memory_space<vmem>>)
          %dma_start3A_270 = arith.constant 384 : i32
          %dma_start3A_271 = tpu.memref_slice %arg11[%dma_start3A_270] : memref<512xi32, #tpu.memory_space<vmem>> -> memref<128xi32, #tpu.memory_space<vmem>>
          %dma_start3A_272 = arith.constant 0 : i32
          %dma_start3A_273 = arith.constant 0 : i32
          %dma_start3A_274 = tpu.memref_slice %arg23[%dma_start3A_272, %dma_start3A_273] : memref<10240x128xf32, #tpu.memory_space<vmem_shared>> -> memref<10240x128xf32, #tpu.memory_space<vmem_shared>>
          tpu.enqueue_indirect_dma source(%arg13 : memref<128x128xf32, #tpu.memory_space<vmem>>) target(%dma_start3A_274 : memref<10240x128xf32, #tpu.memory_space<vmem_shared>>) offsets(%dma_start3A_271 : memref<128xi32, #tpu.memory_space<vmem>>) semaphore(%arg22 : memref<!tpu.dma_semaphore, #tpu.memory_space<semaphore_mem>>) {add = true}
          %dma_wait3A_275 = arith.constant 256 : i32
          %dma_wait3A_276 = tpu.memref_slice %arg11[%dma_wait3A_275] : memref<512xi32, #tpu.memory_space<vmem>> -> memref<128xi32, #tpu.memory_space<vmem>>
          %dma_wait3A_277 = arith.constant 0 : i32
          %dma_wait3A_278 = arith.constant 0 : i32
          %dma_wait3A_279 = tpu.memref_slice %arg23[%dma_wait3A_277, %dma_wait3A_278] : memref<10240x128xf32, #tpu.memory_space<vmem_shared>> -> memref<10240x128xf32, #tpu.memory_space<vmem_shared>>
          tpu.wait_indirect_dma semaphore(%arg21 : memref<!tpu.dma_semaphore, #tpu.memory_space<semaphore_mem>>) src(%arg12 : memref<128x128xf32, #tpu.memory_space<vmem>>) dst(%dma_wait3A_279 : memref<10240x128xf32, #tpu.memory_space<vmem_shared>>)
          %dma_wait3A_280 = arith.constant 384 : i32
          %dma_wait3A_281 = tpu.memref_slice %arg11[%dma_wait3A_280] : memref<512xi32, #tpu.memory_space<vmem>> -> memref<128xi32, #tpu.memory_space<vmem>>
          %dma_wait3A_282 = arith.constant 0 : i32
          %dma_wait3A_283 = arith.constant 0 : i32
          %dma_wait3A_284 = tpu.memref_slice %arg23[%dma_wait3A_282, %dma_wait3A_283] : memref<10240x128xf32, #tpu.memory_space<vmem_shared>> -> memref<10240x128xf32, #tpu.memory_space<vmem_shared>>
          tpu.wait_indirect_dma semaphore(%arg22 : memref<!tpu.dma_semaphore, #tpu.memory_space<semaphore_mem>>) src(%arg13 : memref<128x128xf32, #tpu.memory_space<vmem>>) dst(%dma_wait3A_284 : memref<10240x128xf32, #tpu.memory_space<vmem_shared>>)
        } else {
        }
      }
      %dma_wait3A = arith.constant 0 : i32
      %dma_wait3A_49 = tpu.memref_slice %arg3[%add3A, %dma_wait3A] : memref<32x10240xi32, #tpu.memory_space<hbm>> -> memref<1x512xi32, #tpu.memory_space<hbm>>
      %dma_wait3A_50 = tpu.memref_squeeze %dma_wait3A_49 : memref<1x512xi32, #tpu.memory_space<hbm>> -> memref<512xi32, #tpu.memory_space<hbm>>
      %dma_wait3A_51 = arith.constant 0 : i32
      %dma_wait3A_52 = tpu.memref_slice %arg3[%add3A, %dma_wait3A_51] : memref<32x10240xi32, #tpu.memory_space<hbm>> -> memref<1x512xi32, #tpu.memory_space<hbm>>
      %dma_wait3A_53 = tpu.memref_squeeze %dma_wait3A_52 : memref<1x512xi32, #tpu.memory_space<hbm>> -> memref<512xi32, #tpu.memory_space<hbm>>
      tpu.wait_dma2 semaphore(%arg15 : memref<!tpu.dma_semaphore, #tpu.memory_space<semaphore_mem>>) src(%dma_wait3A_53 : memref<512xi32, #tpu.memory_space<hbm>>) dst(%arg8 : memref<512xi32, #tpu.memory_space<vmem>>)
      %dma_wait3A_54 = arith.constant 0 : i32
      %dma_wait3A_55 = tpu.memref_slice %arg4[%add3A, %dma_wait3A_54] : memref<32x10240xi32, #tpu.memory_space<hbm>> -> memref<1x512xi32, #tpu.memory_space<hbm>>
      %dma_wait3A_56 = tpu.memref_squeeze %dma_wait3A_55 : memref<1x512xi32, #tpu.memory_space<hbm>> -> memref<512xi32, #tpu.memory_space<hbm>>
      %dma_wait3A_57 = arith.constant 0 : i32
      %dma_wait3A_58 = tpu.memref_slice %arg4[%add3A, %dma_wait3A_57] : memref<32x10240xi32, #tpu.memory_space<hbm>> -> memref<1x512xi32, #tpu.memory_space<hbm>>
      %dma_wait3A_59 = tpu.memref_squeeze %dma_wait3A_58 : memref<1x512xi32, #tpu.memory_space<hbm>> -> memref<512xi32, #tpu.memory_space<hbm>>
      tpu.wait_dma2 semaphore(%arg16 : memref<!tpu.dma_semaphore, #tpu.memory_space<semaphore_mem>>) src(%dma_wait3A_59 : memref<512xi32, #tpu.memory_space<hbm>>) dst(%arg10 : memref<512xi32, #tpu.memory_space<vmem>>)
    } else {
    }
    %barrier3A_13 = arith.constant 0 : index
    tpu.barrier barrier_id(%barrier3A_13)
    "tpu.region"() ({
      %run_scoped3A = tpu.sem_alloc : memref<!tpu.dma_semaphore, #tpu.memory_space<semaphore_mem>>
      %dma_start3A = arith.constant 0 : i32
      %dma_start3A_14 = tpu.memref_slice %arg7[%arg0, %mul3A_2, %dma_start3A] : memref<2x10240x128xf32, #tpu.memory_space<hbm>> -> memref<1x640x128xf32, #tpu.memory_space<hbm>>
      %dma_start3A_15 = tpu.memref_squeeze %dma_start3A_14 : memref<1x640x128xf32, #tpu.memory_space<hbm>> -> memref<640x128xf32, #tpu.memory_space<hbm>>
      %dma_start3A_16 = arith.constant 0 : i32
      %dma_start3A_17 = tpu.memref_slice %arg23[%mul3A_2, %dma_start3A_16] : memref<10240x128xf32, #tpu.memory_space<vmem_shared>> -> memref<640x128xf32, #tpu.memory_space<vmem_shared>>
      tpu.enqueue_dma source(%dma_start3A_17 : memref<640x128xf32, #tpu.memory_space<vmem_shared>>) target(%dma_start3A_15 : memref<640x128xf32, #tpu.memory_space<hbm>>) target_semaphore(%run_scoped3A : memref<!tpu.dma_semaphore, #tpu.memory_space<semaphore_mem>>)
      %dma_wait3A = arith.constant 0 : i32
      %dma_wait3A_18 = tpu.memref_slice %arg7[%arg0, %mul3A_2, %dma_wait3A] : memref<2x10240x128xf32, #tpu.memory_space<hbm>> -> memref<1x640x128xf32, #tpu.memory_space<hbm>>
      %dma_wait3A_19 = tpu.memref_squeeze %dma_wait3A_18 : memref<1x640x128xf32, #tpu.memory_space<hbm>> -> memref<640x128xf32, #tpu.memory_space<hbm>>
      %dma_wait3A_20 = arith.constant 0 : i32
      %dma_wait3A_21 = tpu.memref_slice %arg23[%mul3A_2, %dma_wait3A_20] : memref<10240x128xf32, #tpu.memory_space<vmem_shared>> -> memref<640x128xf32, #tpu.memory_space<vmem_shared>>
      tpu.wait_dma2 semaphore(%run_scoped3A : memref<!tpu.dma_semaphore, #tpu.memory_space<semaphore_mem>>) src(%dma_wait3A_21 : memref<640x128xf32, #tpu.memory_space<vmem_shared>>) dst(%dma_wait3A_19 : memref<640x128xf32, #tpu.memory_space<hbm>>)
      tpu.yield
    }) : () -> ()
    return
  }
}

#map = affine_map<(d0, d1) -> (0, 0)>
#map1 = affine_map<(d0, d1) -> (0)>
#map2 = affine_map<(d0, d1) -> (0, 0, 0)>
module attributes {stable_mosaic.version = 14 : i64} {
  func.func @_sc_compact_body(%arg0: i32, %arg1: i32, %arg2: memref<2501x128xi32, #tpu.memory_space<hbm>>, %arg3: memref<2501x128xi32, #tpu.memory_space<hbm>>, %arg4: memref<10000xi32, #tpu.memory_space<hbm>>, %arg5: memref<5x128xi32, #tpu.memory_space<hbm>>, %arg6: memref<32x10240xi32, #tpu.memory_space<hbm>>, %arg7: memref<32x10240xi32, #tpu.memory_space<hbm>>, %arg8: memref<32x16xi32, #tpu.memory_space<hbm>>, %arg9: memref<2x640x16xf32, #tpu.memory_space<hbm>>, %arg10: memref<10000xi32, #tpu.memory_space<vmem>>, %arg11: memref<79x128xi32, #tpu.memory_space<vmem>>, %arg12: memref<79x128xi32, #tpu.memory_space<vmem>>, %arg13: memref<10240xi32, #tpu.memory_space<vmem>>, %arg14: memref<10240xi32, #tpu.memory_space<vmem>>, %arg15: memref<640x16xf32, #tpu.memory_space<vmem>>, %arg16: memref<5x128xi32, #tpu.memory_space<vmem>>, %arg17: memref<16xi32, #tpu.memory_space<vmem>>, %arg18: memref<640x16xf32, #tpu.memory_space<vmem_shared>>) attributes {dimension_semantics = [#tpu.dimension_semantics<core_parallel>, #tpu.dimension_semantics<subcore_parallel>], iteration_bounds = array<i64: 2, 16>, scalar_prefetch = 0 : i64, scratch_operands = 9 : i64, tpu.core_type = #tpu.core_type<sc_vector_subcore>, window_params = [{transform_indices = #map}, {transform_indices = #map}, {transform_indices = #map1}, {transform_indices = #map}, {transform_indices = #map}, {transform_indices = #map}, {transform_indices = #map}, {transform_indices = #map2}]} {
    %mul3A = arith.constant 2 : i32
    %mul3A_0 = arith.muli %arg1, %mul3A : i32
    %add3A = arith.addi %mul3A_0, %arg0 : i32
    %mul3A_1 = arith.constant 78 : i32
    %mul3A_2 = arith.muli %add3A, %mul3A_1 : i32
    %min3A = arith.constant 4 : i32
    %min3A_3 = arith.minsi %add3A, %min3A : i32
    %add3A_4 = arith.addi %mul3A_2, %min3A_3 : i32
    %lt3A = arith.constant 4 : i32
    %lt3A_5 = arith.cmpi slt, %add3A, %lt3A : i32
    %jit3A = arith.constant 1 : i32
    %jit3A_6 = arith.constant 0 : i32
    %select_n3A = arith.select %lt3A_5, %jit3A, %jit3A_6 : i32
    %add3A_7 = arith.constant 78 : i32
    %add3A_8 = arith.addi %add3A_7, %select_n3A : i32
    %mul3A_9 = arith.constant 40 : i32
    %mul3A_10 = arith.muli %arg1, %mul3A_9 : i32
    "tpu.region"() ({
      %run_scoped3A_65 = tpu.sem_alloc : memref<!tpu.dma_semaphore, #tpu.memory_space<semaphore_mem>>
      tpu.enqueue_dma source(%arg4 : memref<10000xi32, #tpu.memory_space<hbm>>) target(%arg10 : memref<10000xi32, #tpu.memory_space<vmem>>) target_semaphore(%run_scoped3A_65 : memref<!tpu.dma_semaphore, #tpu.memory_space<semaphore_mem>>)
      tpu.wait_dma2 semaphore(%run_scoped3A_65 : memref<!tpu.dma_semaphore, #tpu.memory_space<semaphore_mem>>) src(%arg4 : memref<10000xi32, #tpu.memory_space<hbm>>) dst(%arg10 : memref<10000xi32, #tpu.memory_space<vmem>>)
      tpu.yield
    }) : () -> ()
    "tpu.region"() ({
      %run_scoped3A_65 = tpu.sem_alloc : memref<!tpu.dma_semaphore, #tpu.memory_space<semaphore_mem>>
      tpu.enqueue_dma source(%arg5 : memref<5x128xi32, #tpu.memory_space<hbm>>) target(%arg16 : memref<5x128xi32, #tpu.memory_space<vmem>>) target_semaphore(%run_scoped3A_65 : memref<!tpu.dma_semaphore, #tpu.memory_space<semaphore_mem>>)
      tpu.wait_dma2 semaphore(%run_scoped3A_65 : memref<!tpu.dma_semaphore, #tpu.memory_space<semaphore_mem>>) src(%arg5 : memref<5x128xi32, #tpu.memory_space<hbm>>) dst(%arg16 : memref<5x128xi32, #tpu.memory_space<vmem>>)
      tpu.yield
    }) : () -> ()
    "tpu.region"() ({
      %run_scoped3A_65 = tpu.sem_alloc : memref<!tpu.dma_semaphore, #tpu.memory_space<semaphore_mem>>
      %dma_start3A = arith.constant 0 : i32
      %dma_start3A_66 = tpu.memref_slice %arg2[%add3A_4, %dma_start3A] : memref<2501x128xi32, #tpu.memory_space<hbm>> -> memref<79x128xi32, #tpu.memory_space<hbm>>
      %dma_start3A_67 = arith.constant 0 : i32
      %dma_start3A_68 = tpu.memref_slice %arg2[%add3A_4, %dma_start3A_67] : memref<2501x128xi32, #tpu.memory_space<hbm>> -> memref<79x128xi32, #tpu.memory_space<hbm>>
      tpu.enqueue_dma source(%dma_start3A_68 : memref<79x128xi32, #tpu.memory_space<hbm>>) target(%arg11 : memref<79x128xi32, #tpu.memory_space<vmem>>) target_semaphore(%run_scoped3A_65 : memref<!tpu.dma_semaphore, #tpu.memory_space<semaphore_mem>>)
      %dma_wait3A = arith.constant 0 : i32
      %dma_wait3A_69 = tpu.memref_slice %arg2[%add3A_4, %dma_wait3A] : memref<2501x128xi32, #tpu.memory_space<hbm>> -> memref<79x128xi32, #tpu.memory_space<hbm>>
      %dma_wait3A_70 = arith.constant 0 : i32
      %dma_wait3A_71 = tpu.memref_slice %arg2[%add3A_4, %dma_wait3A_70] : memref<2501x128xi32, #tpu.memory_space<hbm>> -> memref<79x128xi32, #tpu.memory_space<hbm>>
      tpu.wait_dma2 semaphore(%run_scoped3A_65 : memref<!tpu.dma_semaphore, #tpu.memory_space<semaphore_mem>>) src(%dma_wait3A_71 : memref<79x128xi32, #tpu.memory_space<hbm>>) dst(%arg11 : memref<79x128xi32, #tpu.memory_space<vmem>>)
      tpu.yield
    }) : () -> ()
    "tpu.region"() ({
      %run_scoped3A_65 = tpu.sem_alloc : memref<!tpu.dma_semaphore, #tpu.memory_space<semaphore_mem>>
      %dma_start3A = arith.constant 0 : i32
      %dma_start3A_66 = tpu.memref_slice %arg3[%add3A_4, %dma_start3A] : memref<2501x128xi32, #tpu.memory_space<hbm>> -> memref<79x128xi32, #tpu.memory_space<hbm>>
      %dma_start3A_67 = arith.constant 0 : i32
      %dma_start3A_68 = tpu.memref_slice %arg3[%add3A_4, %dma_start3A_67] : memref<2501x128xi32, #tpu.memory_space<hbm>> -> memref<79x128xi32, #tpu.memory_space<hbm>>
      tpu.enqueue_dma source(%dma_start3A_68 : memref<79x128xi32, #tpu.memory_space<hbm>>) target(%arg12 : memref<79x128xi32, #tpu.memory_space<vmem>>) target_semaphore(%run_scoped3A_65 : memref<!tpu.dma_semaphore, #tpu.memory_space<semaphore_mem>>)
      %dma_wait3A = arith.constant 0 : i32
      %dma_wait3A_69 = tpu.memref_slice %arg3[%add3A_4, %dma_wait3A] : memref<2501x128xi32, #tpu.memory_space<hbm>> -> memref<79x128xi32, #tpu.memory_space<hbm>>
      %dma_wait3A_70 = arith.constant 0 : i32
      %dma_wait3A_71 = tpu.memref_slice %arg3[%add3A_4, %dma_wait3A_70] : memref<2501x128xi32, #tpu.memory_space<hbm>> -> memref<79x128xi32, #tpu.memory_space<hbm>>
      tpu.wait_dma2 semaphore(%run_scoped3A_65 : memref<!tpu.dma_semaphore, #tpu.memory_space<semaphore_mem>>) src(%dma_wait3A_71 : memref<79x128xi32, #tpu.memory_space<hbm>>) dst(%arg12 : memref<79x128xi32, #tpu.memory_space<vmem>>)
      tpu.yield
    }) : () -> ()
    %broadcast_in_dim3A = arith.constant 0.000000e+00 : f32
    %broadcast_in_dim3A_11 = vector.broadcast %broadcast_in_dim3A : f32 to vector<16xf32>
    %scan3A = arith.constant 0 : i32
    %scan3A_12 = arith.constant 0 : i32
    %scan3A_13 = arith.constant 640 : i32
    %scan3A_14 = arith.addi %scan3A_12, %scan3A_13 : i32
    %scan3A_15 = arith.constant 1 : i32
    scf.for %scan3A_65 = %scan3A_12 to %scan3A_14 step %scan3A_15  : i32 {
      %swap3A_66 = arith.index_cast %scan3A_65 : i32 to index
      %swap3A_67 = arith.constant 0 : index
      %swap3A_68 = tpu.vector_load %arg15[%swap3A_66, %swap3A_67] {strides = array<i32>} : memref<640x16xf32, #tpu.memory_space<vmem>>, vector<16xf32>,
      tpu.vector_store %arg15[%swap3A_66, %swap3A_67], %broadcast_in_dim3A_11 {strides = array<i32>} : memref<640x16xf32, #tpu.memory_space<vmem>>, vector<16xf32>,
    }
    %scan3A_16 = arith.constant 640 : i32
    "tpu.region"() ({
      %run_scoped3A_65 = tpu.sem_alloc : memref<!tpu.dma_semaphore, #tpu.memory_space<semaphore_mem>>
      %dma_start3A = arith.constant 0 : i32
      %dma_start3A_66 = arith.constant 0 : i32
      %dma_start3A_67 = tpu.memref_slice %arg15[%dma_start3A, %dma_start3A_66] : memref<640x16xf32, #tpu.memory_space<vmem>> -> memref<40x16xf32, #tpu.memory_space<vmem>>
      %dma_start3A_68 = arith.constant 0 : i32
      %dma_start3A_69 = tpu.memref_slice %arg18[%mul3A_10, %dma_start3A_68] : memref<640x16xf32, #tpu.memory_space<vmem_shared>> -> memref<40x16xf32, #tpu.memory_space<vmem_shared>>
      %dma_start3A_70 = arith.constant 0 : i32
      %dma_start3A_71 = tpu.memref_slice %arg18[%mul3A_10, %dma_start3A_70] : memref<640x16xf32, #tpu.memory_space<vmem_shared>> -> memref<40x16xf32, #tpu.memory_space<vmem_shared>>
      %dma_start3A_72 = arith.constant 0 : i32
      %dma_start3A_73 = arith.constant 0 : i32
      %dma_start3A_74 = tpu.memref_slice %arg15[%dma_start3A_72, %dma_start3A_73] : memref<640x16xf32, #tpu.memory_space<vmem>> -> memref<40x16xf32, #tpu.memory_space<vmem>>
      tpu.enqueue_dma source(%dma_start3A_74 : memref<40x16xf32, #tpu.memory_space<vmem>>) target(%dma_start3A_71 : memref<40x16xf32, #tpu.memory_space<vmem_shared>>) target_semaphore(%run_scoped3A_65 : memref<!tpu.dma_semaphore, #tpu.memory_space<semaphore_mem>>)
      %dma_wait3A = arith.constant 0 : i32
      %dma_wait3A_75 = arith.constant 0 : i32
      %dma_wait3A_76 = tpu.memref_slice %arg15[%dma_wait3A, %dma_wait3A_75] : memref<640x16xf32, #tpu.memory_space<vmem>> -> memref<40x16xf32, #tpu.memory_space<vmem>>
      %dma_wait3A_77 = arith.constant 0 : i32
      %dma_wait3A_78 = tpu.memref_slice %arg18[%mul3A_10, %dma_wait3A_77] : memref<640x16xf32, #tpu.memory_space<vmem_shared>> -> memref<40x16xf32, #tpu.memory_space<vmem_shared>>
      %dma_wait3A_79 = arith.constant 0 : i32
      %dma_wait3A_80 = tpu.memref_slice %arg18[%mul3A_10, %dma_wait3A_79] : memref<640x16xf32, #tpu.memory_space<vmem_shared>> -> memref<40x16xf32, #tpu.memory_space<vmem_shared>>
      %dma_wait3A_81 = arith.constant 0 : i32
      %dma_wait3A_82 = arith.constant 0 : i32
      %dma_wait3A_83 = tpu.memref_slice %arg15[%dma_wait3A_81, %dma_wait3A_82] : memref<640x16xf32, #tpu.memory_space<vmem>> -> memref<40x16xf32, #tpu.memory_space<vmem>>
      tpu.wait_dma2 semaphore(%run_scoped3A_65 : memref<!tpu.dma_semaphore, #tpu.memory_space<semaphore_mem>>) src(%dma_wait3A_83 : memref<40x16xf32, #tpu.memory_space<vmem>>) dst(%dma_wait3A_80 : memref<40x16xf32, #tpu.memory_space<vmem_shared>>)
      tpu.yield
    }) : () -> ()
    %iota3A = tpu.iota {dimensions = array<i32: 0>} : vector<16xi32>
    %scan3A_17 = arith.constant 0 : i32
    %scan3A_18 = arith.constant 0 : i32
    %scan3A_19 = arith.constant 640 : i32
    %scan3A_20 = arith.addi %scan3A_18, %scan3A_19 : i32
    %scan3A_21 = arith.constant 1 : i32
    scf.for %scan3A_65 = %scan3A_18 to %scan3A_20 step %scan3A_21  : i32 {
      %mul3A_66 = arith.constant 16 : i32
      %mul3A_67 = arith.muli %scan3A_65, %mul3A_66 : i32
      %add3A_68 = vector.broadcast %mul3A_67 : i32 to vector<16xi32>
      %add3A_69 = arith.addi %iota3A, %add3A_68 : vector<16xi32>
      %and3A_70 = arith.constant 127 : i32
      %and3A_71 = vector.broadcast %and3A_70 : i32 to vector<16xi32>
      %and3A_72 = arith.andi %add3A_69, %and3A_71 : vector<16xi32>
      %mul3A_73 = arith.constant 16 : i32
      %mul3A_74 = arith.muli %scan3A_65, %mul3A_73 : i32
      %swap3A_75 = arith.index_cast %mul3A_74 : i32 to index
      %swap3A_76 = tpu.vector_load %arg13[%swap3A_75] {strides = array<i32>} : memref<10240xi32, #tpu.memory_space<vmem>>, vector<16xi32>,
      tpu.vector_store %arg13[%swap3A_75], %and3A_72 {strides = array<i32>} : memref<10240xi32, #tpu.memory_space<vmem>>, vector<16xi32>,
      %add3A_77 = arith.constant 10000 : i32
      %add3A_78 = vector.broadcast %add3A_77 : i32 to vector<16xi32>
      %add3A_79 = arith.addi %add3A_78, %and3A_72 : vector<16xi32>
      %mul3A_80 = arith.constant 16 : i32
      %mul3A_81 = arith.muli %scan3A_65, %mul3A_80 : i32
      %swap3A_82 = arith.index_cast %mul3A_81 : i32 to index
      %swap3A_83 = tpu.vector_load %arg14[%swap3A_82] {strides = array<i32>} : memref<10240xi32, #tpu.memory_space<vmem>>, vector<16xi32>,
      tpu.vector_store %arg14[%swap3A_82], %add3A_79 {strides = array<i32>} : memref<10240xi32, #tpu.memory_space<vmem>>, vector<16xi32>,
    }
    %scan3A_22 = arith.constant 640 : i32
    %barrier3A = arith.constant 0 : index
    tpu.barrier barrier_id(%barrier3A)
    %broadcast_in_dim3A_23 = arith.constant 1.000000e+00 : f32
    %broadcast_in_dim3A_24 = vector.broadcast %broadcast_in_dim3A_23 : f32 to vector<16xf32>
    %while3A = arith.constant 0 : i32
    %while3A_25 = arith.constant 0 : i32
    %while3A_26 = arith.subi %add3A_8, %while3A : i32
    %while3A_27 = arith.addi %while3A, %while3A_26 : i32
    %while3A_28 = arith.constant 1 : i32
    %while3A_29 = arith.divsi %while3A_26, %while3A_28 : i32
    %while3A_30 = arith.muli %while3A_29, %while3A_28 : i32
    %while3A_31 = arith.addi %while3A, %while3A_30 : i32
    %while3A_32 = arith.constant 1 : i32
    %while3A_33 = scf.for %while3A_65 = %while3A to %while3A_31 step %while3A_32 iter_args(%while3A_66 = %while3A_25) -> (i32)  : i32 {
      %get3A = arith.index_cast %while3A_65 : i32 to index
      %get3A_67 = arith.constant 0 : index
      %get3A_68 = tpu.vector_load %arg11[%get3A, %get3A_67] {strides = array<i32>} : memref<79x128xi32, #tpu.memory_space<vmem>>, vector<16xi32>,
      %get3A_69 = arith.index_cast %while3A_65 : i32 to index
      %get3A_70 = arith.constant 0 : index
      %get3A_71 = tpu.vector_load %arg12[%get3A_69, %get3A_70] {strides = array<i32>} : memref<79x128xi32, #tpu.memory_space<vmem>>, vector<16xi32>,
      %shift_right_arithmetic3A = arith.constant 4 : i32
      %shift_right_arithmetic3A_72 = vector.broadcast %shift_right_arithmetic3A : i32 to vector<16xi32>
      %shift_right_arithmetic3A_73 = arith.shrsi %get3A_71, %shift_right_arithmetic3A_72 : vector<16xi32>
      %and3A_74 = arith.constant 15 : i32
      %and3A_75 = vector.broadcast %and3A_74 : i32 to vector<16xi32>
      %and3A_76 = arith.andi %get3A_71, %and3A_75 : vector<16xi32>
      tpu.vector_store_idx %arg15[%shift_right_arithmetic3A_73, %and3A_76], %broadcast_in_dim3A_24 {add = true} : memref<640x16xf32, #tpu.memory_space<vmem>>[vector<16xi32>, vector<16xi32>], vector<16xf32>,
      %gather3A = tpu.vector_load_idx %arg10[%get3A_68] : memref<10000xi32, #tpu.memory_space<vmem>>[vector<16xi32>], vector<16xi32>,
      %eq3A = arith.constant 0 : i32
      %eq3A_77 = vector.broadcast %eq3A : i32 to vector<16xi32>
      %eq3A_78 = arith.cmpi eq, %gather3A, %eq3A_77 : vector<16xi32>
      %swap3A_79 = arith.index_cast %while3A_66 : i32 to index
      %swap3A_80 = tpu.vector_load %arg13[%swap3A_79] masked %eq3A_78 {strides = array<i32>} : memref<10240xi32, #tpu.memory_space<vmem>>, vector<16xi32>, vector<16xi1>
      tpu.vector_store %arg13[%swap3A_79], %get3A_68 masked %eq3A_78 {strides = array<i32>} : memref<10240xi32, #tpu.memory_space<vmem>>, vector<16xi32>, vector<16xi1>
      %swap3A_81 = arith.index_cast %while3A_66 : i32 to index
      %swap3A_82 = tpu.vector_load %arg14[%swap3A_81] masked %eq3A_78 {strides = array<i32>} : memref<10240xi32, #tpu.memory_space<vmem>>, vector<16xi32>, vector<16xi1>
      tpu.vector_store %arg14[%swap3A_81], %get3A_71 masked %eq3A_78 {strides = array<i32>} : memref<10240xi32, #tpu.memory_space<vmem>>, vector<16xi32>, vector<16xi1>
      %all_reduce_population_count3A = tpu.all_reduce %eq3A_78 {dim = 0 : i64, kind = #tpu.reduction_kind<sum>} : vector<16xi1> -> vector<16xi32>
      %reduce_max3A = arith.constant true
      %reduce_max3A_83 = vector.broadcast %reduce_max3A : i1 to vector<16xi1>
      %reduce_max3A_84 = arith.constant -2147483648 : i32
      %reduce_max3A_85 = vector.broadcast %reduce_max3A_84 : i32 to vector<16xi32>
      %reduce_max3A_86 = arith.xori %all_reduce_population_count3A, %reduce_max3A_85 : vector<16xi32>
      %reduce_max3A_87 = tpu.scan <max>, %reduce_max3A_86 masked %reduce_max3A_83 : vector<16xi32>, vector<16xi1> -> vector<16xi32>
      %reduce_max3A_88 = arith.xori %reduce_max3A_87, %reduce_max3A_85 : vector<16xi32>
      %reduce_max3A_89 = vector.extract %reduce_max3A_88[15] : i32 from vector<16xi32>
      %add3A_90 = arith.addi %while3A_66, %reduce_max3A_89 : i32
      %get3A_91 = arith.index_cast %while3A_65 : i32 to index
      %get3A_92 = arith.constant 16 : index
      %get3A_93 = tpu.vector_load %arg11[%get3A_91, %get3A_92] {strides = array<i32>} : memref<79x128xi32, #tpu.memory_space<vmem>>, vector<16xi32>,
      %get3A_94 = arith.index_cast %while3A_65 : i32 to index
      %get3A_95 = arith.constant 16 : index
      %get3A_96 = tpu.vector_load %arg12[%get3A_94, %get3A_95] {strides = array<i32>} : memref<79x128xi32, #tpu.memory_space<vmem>>, vector<16xi32>,
      %shift_right_arithmetic3A_97 = arith.constant 4 : i32
      %shift_right_arithmetic3A_98 = vector.broadcast %shift_right_arithmetic3A_97 : i32 to vector<16xi32>
      %shift_right_arithmetic3A_99 = arith.shrsi %get3A_96, %shift_right_arithmetic3A_98 : vector<16xi32>
      %and3A_100 = arith.constant 15 : i32
      %and3A_101 = vector.broadcast %and3A_100 : i32 to vector<16xi32>
      %and3A_102 = arith.andi %get3A_96, %and3A_101 : vector<16xi32>
      tpu.vector_store_idx %arg15[%shift_right_arithmetic3A_99, %and3A_102], %broadcast_in_dim3A_24 {add = true} : memref<640x16xf32, #tpu.memory_space<vmem>>[vector<16xi32>, vector<16xi32>], vector<16xf32>,
      %gather3A_103 = tpu.vector_load_idx %arg10[%get3A_93] : memref<10000xi32, #tpu.memory_space<vmem>>[vector<16xi32>], vector<16xi32>,
      %eq3A_104 = arith.constant 0 : i32
      %eq3A_105 = vector.broadcast %eq3A_104 : i32 to vector<16xi32>
      %eq3A_106 = arith.cmpi eq, %gather3A_103, %eq3A_105 : vector<16xi32>
      %swap3A_107 = arith.index_cast %add3A_90 : i32 to index
      %swap3A_108 = tpu.vector_load %arg13[%swap3A_107] masked %eq3A_106 {strides = array<i32>} : memref<10240xi32, #tpu.memory_space<vmem>>, vector<16xi32>, vector<16xi1>
      tpu.vector_store %arg13[%swap3A_107], %get3A_93 masked %eq3A_106 {strides = array<i32>} : memref<10240xi32, #tpu.memory_space<vmem>>, vector<16xi32>, vector<16xi1>
      %swap3A_109 = arith.index_cast %add3A_90 : i32 to index
      %swap3A_110 = tpu.vector_load %arg14[%swap3A_109] masked %eq3A_106 {strides = array<i32>} : memref<10240xi32, #tpu.memory_space<vmem>>, vector<16xi32>, vector<16xi1>
      tpu.vector_store %arg14[%swap3A_109], %get3A_96 masked %eq3A_106 {strides = array<i32>} : memref<10240xi32, #tpu.memory_space<vmem>>, vector<16xi32>, vector<16xi1>
      %all_reduce_population_count3A_111 = tpu.all_reduce %eq3A_106 {dim = 0 : i64, kind = #tpu.reduction_kind<sum>} : vector<16xi1> -> vector<16xi32>
      %reduce_max3A_112 = arith.constant true
      %reduce_max3A_113 = vector.broadcast %reduce_max3A_112 : i1 to vector<16xi1>
      %reduce_max3A_114 = arith.constant -2147483648 : i32
      %reduce_max3A_115 = vector.broadcast %reduce_max3A_114 : i32 to vector<16xi32>
      %reduce_max3A_116 = arith.xori %all_reduce_population_count3A_111, %reduce_max3A_115 : vector<16xi32>
      %reduce_max3A_117 = tpu.scan <max>, %reduce_max3A_116 masked %reduce_max3A_113 : vector<16xi32>, vector<16xi1> -> vector<16xi32>
      %reduce_max3A_118 = arith.xori %reduce_max3A_117, %reduce_max3A_115 : vector<16xi32>
      %reduce_max3A_119 = vector.extract %reduce_max3A_118[15] : i32 from vector<16xi32>
      %add3A_120 = arith.addi %add3A_90, %reduce_max3A_119 : i32
      %get3A_121 = arith.index_cast %while3A_65 : i32 to index
      %get3A_122 = arith.constant 32 : index
      %get3A_123 = tpu.vector_load %arg11[%get3A_121, %get3A_122] {strides = array<i32>} : memref<79x128xi32, #tpu.memory_space<vmem>>, vector<16xi32>,
      %get3A_124 = arith.index_cast %while3A_65 : i32 to index
      %get3A_125 = arith.constant 32 : index
      %get3A_126 = tpu.vector_load %arg12[%get3A_124, %get3A_125] {strides = array<i32>} : memref<79x128xi32, #tpu.memory_space<vmem>>, vector<16xi32>,
      %shift_right_arithmetic3A_127 = arith.constant 4 : i32
      %shift_right_arithmetic3A_128 = vector.broadcast %shift_right_arithmetic3A_127 : i32 to vector<16xi32>
      %shift_right_arithmetic3A_129 = arith.shrsi %get3A_126, %shift_right_arithmetic3A_128 : vector<16xi32>
      %and3A_130 = arith.constant 15 : i32
      %and3A_131 = vector.broadcast %and3A_130 : i32 to vector<16xi32>
      %and3A_132 = arith.andi %get3A_126, %and3A_131 : vector<16xi32>
      tpu.vector_store_idx %arg15[%shift_right_arithmetic3A_129, %and3A_132], %broadcast_in_dim3A_24 {add = true} : memref<640x16xf32, #tpu.memory_space<vmem>>[vector<16xi32>, vector<16xi32>], vector<16xf32>,
      %gather3A_133 = tpu.vector_load_idx %arg10[%get3A_123] : memref<10000xi32, #tpu.memory_space<vmem>>[vector<16xi32>], vector<16xi32>,
      %eq3A_134 = arith.constant 0 : i32
      %eq3A_135 = vector.broadcast %eq3A_134 : i32 to vector<16xi32>
      %eq3A_136 = arith.cmpi eq, %gather3A_133, %eq3A_135 : vector<16xi32>
      %swap3A_137 = arith.index_cast %add3A_120 : i32 to index
      %swap3A_138 = tpu.vector_load %arg13[%swap3A_137] masked %eq3A_136 {strides = array<i32>} : memref<10240xi32, #tpu.memory_space<vmem>>, vector<16xi32>, vector<16xi1>
      tpu.vector_store %arg13[%swap3A_137], %get3A_123 masked %eq3A_136 {strides = array<i32>} : memref<10240xi32, #tpu.memory_space<vmem>>, vector<16xi32>, vector<16xi1>
      %swap3A_139 = arith.index_cast %add3A_120 : i32 to index
      %swap3A_140 = tpu.vector_load %arg14[%swap3A_139] masked %eq3A_136 {strides = array<i32>} : memref<10240xi32, #tpu.memory_space<vmem>>, vector<16xi32>, vector<16xi1>
      tpu.vector_store %arg14[%swap3A_139], %get3A_126 masked %eq3A_136 {strides = array<i32>} : memref<10240xi32, #tpu.memory_space<vmem>>, vector<16xi32>, vector<16xi1>
      %all_reduce_population_count3A_141 = tpu.all_reduce %eq3A_136 {dim = 0 : i64, kind = #tpu.reduction_kind<sum>} : vector<16xi1> -> vector<16xi32>
      %reduce_max3A_142 = arith.constant true
      %reduce_max3A_143 = vector.broadcast %reduce_max3A_142 : i1 to vector<16xi1>
      %reduce_max3A_144 = arith.constant -2147483648 : i32
      %reduce_max3A_145 = vector.broadcast %reduce_max3A_144 : i32 to vector<16xi32>
      %reduce_max3A_146 = arith.xori %all_reduce_population_count3A_141, %reduce_max3A_145 : vector<16xi32>
      %reduce_max3A_147 = tpu.scan <max>, %reduce_max3A_146 masked %reduce_max3A_143 : vector<16xi32>, vector<16xi1> -> vector<16xi32>
      %reduce_max3A_148 = arith.xori %reduce_max3A_147, %reduce_max3A_145 : vector<16xi32>
      %reduce_max3A_149 = vector.extract %reduce_max3A_148[15] : i32 from vector<16xi32>
      %add3A_150 = arith.addi %add3A_120, %reduce_max3A_149 : i32
      %get3A_151 = arith.index_cast %while3A_65 : i32 to index
      %get3A_152 = arith.constant 48 : index
      %get3A_153 = tpu.vector_load %arg11[%get3A_151, %get3A_152] {strides = array<i32>} : memref<79x128xi32, #tpu.memory_space<vmem>>, vector<16xi32>,
      %get3A_154 = arith.index_cast %while3A_65 : i32 to index
      %get3A_155 = arith.constant 48 : index
      %get3A_156 = tpu.vector_load %arg12[%get3A_154, %get3A_155] {strides = array<i32>} : memref<79x128xi32, #tpu.memory_space<vmem>>, vector<16xi32>,
      %shift_right_arithmetic3A_157 = arith.constant 4 : i32
      %shift_right_arithmetic3A_158 = vector.broadcast %shift_right_arithmetic3A_157 : i32 to vector<16xi32>
      %shift_right_arithmetic3A_159 = arith.shrsi %get3A_156, %shift_right_arithmetic3A_158 : vector<16xi32>
      %and3A_160 = arith.constant 15 : i32
      %and3A_161 = vector.broadcast %and3A_160 : i32 to vector<16xi32>
      %and3A_162 = arith.andi %get3A_156, %and3A_161 : vector<16xi32>
      tpu.vector_store_idx %arg15[%shift_right_arithmetic3A_159, %and3A_162], %broadcast_in_dim3A_24 {add = true} : memref<640x16xf32, #tpu.memory_space<vmem>>[vector<16xi32>, vector<16xi32>], vector<16xf32>,
      %gather3A_163 = tpu.vector_load_idx %arg10[%get3A_153] : memref<10000xi32, #tpu.memory_space<vmem>>[vector<16xi32>], vector<16xi32>,
      %eq3A_164 = arith.constant 0 : i32
      %eq3A_165 = vector.broadcast %eq3A_164 : i32 to vector<16xi32>
      %eq3A_166 = arith.cmpi eq, %gather3A_163, %eq3A_165 : vector<16xi32>
      %swap3A_167 = arith.index_cast %add3A_150 : i32 to index
      %swap3A_168 = tpu.vector_load %arg13[%swap3A_167] masked %eq3A_166 {strides = array<i32>} : memref<10240xi32, #tpu.memory_space<vmem>>, vector<16xi32>, vector<16xi1>
      tpu.vector_store %arg13[%swap3A_167], %get3A_153 masked %eq3A_166 {strides = array<i32>} : memref<10240xi32, #tpu.memory_space<vmem>>, vector<16xi32>, vector<16xi1>
      %swap3A_169 = arith.index_cast %add3A_150 : i32 to index
      %swap3A_170 = tpu.vector_load %arg14[%swap3A_169] masked %eq3A_166 {strides = array<i32>} : memref<10240xi32, #tpu.memory_space<vmem>>, vector<16xi32>, vector<16xi1>
      tpu.vector_store %arg14[%swap3A_169], %get3A_156 masked %eq3A_166 {strides = array<i32>} : memref<10240xi32, #tpu.memory_space<vmem>>, vector<16xi32>, vector<16xi1>
      %all_reduce_population_count3A_171 = tpu.all_reduce %eq3A_166 {dim = 0 : i64, kind = #tpu.reduction_kind<sum>} : vector<16xi1> -> vector<16xi32>
      %reduce_max3A_172 = arith.constant true
      %reduce_max3A_173 = vector.broadcast %reduce_max3A_172 : i1 to vector<16xi1>
      %reduce_max3A_174 = arith.constant -2147483648 : i32
      %reduce_max3A_175 = vector.broadcast %reduce_max3A_174 : i32 to vector<16xi32>
      %reduce_max3A_176 = arith.xori %all_reduce_population_count3A_171, %reduce_max3A_175 : vector<16xi32>
      %reduce_max3A_177 = tpu.scan <max>, %reduce_max3A_176 masked %reduce_max3A_173 : vector<16xi32>, vector<16xi1> -> vector<16xi32>
      %reduce_max3A_178 = arith.xori %reduce_max3A_177, %reduce_max3A_175 : vector<16xi32>
      %reduce_max3A_179 = vector.extract %reduce_max3A_178[15] : i32 from vector<16xi32>
      %add3A_180 = arith.addi %add3A_150, %reduce_max3A_179 : i32
      %get3A_181 = arith.index_cast %while3A_65 : i32 to index
      %get3A_182 = arith.constant 64 : index
      %get3A_183 = tpu.vector_load %arg11[%get3A_181, %get3A_182] {strides = array<i32>} : memref<79x128xi32, #tpu.memory_space<vmem>>, vector<16xi32>,
      %get3A_184 = arith.index_cast %while3A_65 : i32 to index
      %get3A_185 = arith.constant 64 : index
      %get3A_186 = tpu.vector_load %arg12[%get3A_184, %get3A_185] {strides = array<i32>} : memref<79x128xi32, #tpu.memory_space<vmem>>, vector<16xi32>,
      %shift_right_arithmetic3A_187 = arith.constant 4 : i32
      %shift_right_arithmetic3A_188 = vector.broadcast %shift_right_arithmetic3A_187 : i32 to vector<16xi32>
      %shift_right_arithmetic3A_189 = arith.shrsi %get3A_186, %shift_right_arithmetic3A_188 : vector<16xi32>
      %and3A_190 = arith.constant 15 : i32
      %and3A_191 = vector.broadcast %and3A_190 : i32 to vector<16xi32>
      %and3A_192 = arith.andi %get3A_186, %and3A_191 : vector<16xi32>
      tpu.vector_store_idx %arg15[%shift_right_arithmetic3A_189, %and3A_192], %broadcast_in_dim3A_24 {add = true} : memref<640x16xf32, #tpu.memory_space<vmem>>[vector<16xi32>, vector<16xi32>], vector<16xf32>,
      %gather3A_193 = tpu.vector_load_idx %arg10[%get3A_183] : memref<10000xi32, #tpu.memory_space<vmem>>[vector<16xi32>], vector<16xi32>,
      %eq3A_194 = arith.constant 0 : i32
      %eq3A_195 = vector.broadcast %eq3A_194 : i32 to vector<16xi32>
      %eq3A_196 = arith.cmpi eq, %gather3A_193, %eq3A_195 : vector<16xi32>
      %swap3A_197 = arith.index_cast %add3A_180 : i32 to index
      %swap3A_198 = tpu.vector_load %arg13[%swap3A_197] masked %eq3A_196 {strides = array<i32>} : memref<10240xi32, #tpu.memory_space<vmem>>, vector<16xi32>, vector<16xi1>
      tpu.vector_store %arg13[%swap3A_197], %get3A_183 masked %eq3A_196 {strides = array<i32>} : memref<10240xi32, #tpu.memory_space<vmem>>, vector<16xi32>, vector<16xi1>
      %swap3A_199 = arith.index_cast %add3A_180 : i32 to index
      %swap3A_200 = tpu.vector_load %arg14[%swap3A_199] masked %eq3A_196 {strides = array<i32>} : memref<10240xi32, #tpu.memory_space<vmem>>, vector<16xi32>, vector<16xi1>
      tpu.vector_store %arg14[%swap3A_199], %get3A_186 masked %eq3A_196 {strides = array<i32>} : memref<10240xi32, #tpu.memory_space<vmem>>, vector<16xi32>, vector<16xi1>
      %all_reduce_population_count3A_201 = tpu.all_reduce %eq3A_196 {dim = 0 : i64, kind = #tpu.reduction_kind<sum>} : vector<16xi1> -> vector<16xi32>
      %reduce_max3A_202 = arith.constant true
      %reduce_max3A_203 = vector.broadcast %reduce_max3A_202 : i1 to vector<16xi1>
      %reduce_max3A_204 = arith.constant -2147483648 : i32
      %reduce_max3A_205 = vector.broadcast %reduce_max3A_204 : i32 to vector<16xi32>
      %reduce_max3A_206 = arith.xori %all_reduce_population_count3A_201, %reduce_max3A_205 : vector<16xi32>
      %reduce_max3A_207 = tpu.scan <max>, %reduce_max3A_206 masked %reduce_max3A_203 : vector<16xi32>, vector<16xi1> -> vector<16xi32>
      %reduce_max3A_208 = arith.xori %reduce_max3A_207, %reduce_max3A_205 : vector<16xi32>
      %reduce_max3A_209 = vector.extract %reduce_max3A_208[15] : i32 from vector<16xi32>
      %add3A_210 = arith.addi %add3A_180, %reduce_max3A_209 : i32
      %get3A_211 = arith.index_cast %while3A_65 : i32 to index
      %get3A_212 = arith.constant 80 : index
      %get3A_213 = tpu.vector_load %arg11[%get3A_211, %get3A_212] {strides = array<i32>} : memref<79x128xi32, #tpu.memory_space<vmem>>, vector<16xi32>,
      %get3A_214 = arith.index_cast %while3A_65 : i32 to index
      %get3A_215 = arith.constant 80 : index
      %get3A_216 = tpu.vector_load %arg12[%get3A_214, %get3A_215] {strides = array<i32>} : memref<79x128xi32, #tpu.memory_space<vmem>>, vector<16xi32>,
      %shift_right_arithmetic3A_217 = arith.constant 4 : i32
      %shift_right_arithmetic3A_218 = vector.broadcast %shift_right_arithmetic3A_217 : i32 to vector<16xi32>
      %shift_right_arithmetic3A_219 = arith.shrsi %get3A_216, %shift_right_arithmetic3A_218 : vector<16xi32>
      %and3A_220 = arith.constant 15 : i32
      %and3A_221 = vector.broadcast %and3A_220 : i32 to vector<16xi32>
      %and3A_222 = arith.andi %get3A_216, %and3A_221 : vector<16xi32>
      tpu.vector_store_idx %arg15[%shift_right_arithmetic3A_219, %and3A_222], %broadcast_in_dim3A_24 {add = true} : memref<640x16xf32, #tpu.memory_space<vmem>>[vector<16xi32>, vector<16xi32>], vector<16xf32>,
      %gather3A_223 = tpu.vector_load_idx %arg10[%get3A_213] : memref<10000xi32, #tpu.memory_space<vmem>>[vector<16xi32>], vector<16xi32>,
      %eq3A_224 = arith.constant 0 : i32
      %eq3A_225 = vector.broadcast %eq3A_224 : i32 to vector<16xi32>
      %eq3A_226 = arith.cmpi eq, %gather3A_223, %eq3A_225 : vector<16xi32>
      %swap3A_227 = arith.index_cast %add3A_210 : i32 to index
      %swap3A_228 = tpu.vector_load %arg13[%swap3A_227] masked %eq3A_226 {strides = array<i32>} : memref<10240xi32, #tpu.memory_space<vmem>>, vector<16xi32>, vector<16xi1>
      tpu.vector_store %arg13[%swap3A_227], %get3A_213 masked %eq3A_226 {strides = array<i32>} : memref<10240xi32, #tpu.memory_space<vmem>>, vector<16xi32>, vector<16xi1>
      %swap3A_229 = arith.index_cast %add3A_210 : i32 to index
      %swap3A_230 = tpu.vector_load %arg14[%swap3A_229] masked %eq3A_226 {strides = array<i32>} : memref<10240xi32, #tpu.memory_space<vmem>>, vector<16xi32>, vector<16xi1>
      tpu.vector_store %arg14[%swap3A_229], %get3A_216 masked %eq3A_226 {strides = array<i32>} : memref<10240xi32, #tpu.memory_space<vmem>>, vector<16xi32>, vector<16xi1>
      %all_reduce_population_count3A_231 = tpu.all_reduce %eq3A_226 {dim = 0 : i64, kind = #tpu.reduction_kind<sum>} : vector<16xi1> -> vector<16xi32>
      %reduce_max3A_232 = arith.constant true
      %reduce_max3A_233 = vector.broadcast %reduce_max3A_232 : i1 to vector<16xi1>
      %reduce_max3A_234 = arith.constant -2147483648 : i32
      %reduce_max3A_235 = vector.broadcast %reduce_max3A_234 : i32 to vector<16xi32>
      %reduce_max3A_236 = arith.xori %all_reduce_population_count3A_231, %reduce_max3A_235 : vector<16xi32>
      %reduce_max3A_237 = tpu.scan <max>, %reduce_max3A_236 masked %reduce_max3A_233 : vector<16xi32>, vector<16xi1> -> vector<16xi32>
      %reduce_max3A_238 = arith.xori %reduce_max3A_237, %reduce_max3A_235 : vector<16xi32>
      %reduce_max3A_239 = vector.extract %reduce_max3A_238[15] : i32 from vector<16xi32>
      %add3A_240 = arith.addi %add3A_210, %reduce_max3A_239 : i32
      %get3A_241 = arith.index_cast %while3A_65 : i32 to index
      %get3A_242 = arith.constant 96 : index
      %get3A_243 = tpu.vector_load %arg11[%get3A_241, %get3A_242] {strides = array<i32>} : memref<79x128xi32, #tpu.memory_space<vmem>>, vector<16xi32>,
      %get3A_244 = arith.index_cast %while3A_65 : i32 to index
      %get3A_245 = arith.constant 96 : index
      %get3A_246 = tpu.vector_load %arg12[%get3A_244, %get3A_245] {strides = array<i32>} : memref<79x128xi32, #tpu.memory_space<vmem>>, vector<16xi32>,
      %shift_right_arithmetic3A_247 = arith.constant 4 : i32
      %shift_right_arithmetic3A_248 = vector.broadcast %shift_right_arithmetic3A_247 : i32 to vector<16xi32>
      %shift_right_arithmetic3A_249 = arith.shrsi %get3A_246, %shift_right_arithmetic3A_248 : vector<16xi32>
      %and3A_250 = arith.constant 15 : i32
      %and3A_251 = vector.broadcast %and3A_250 : i32 to vector<16xi32>
      %and3A_252 = arith.andi %get3A_246, %and3A_251 : vector<16xi32>
      tpu.vector_store_idx %arg15[%shift_right_arithmetic3A_249, %and3A_252], %broadcast_in_dim3A_24 {add = true} : memref<640x16xf32, #tpu.memory_space<vmem>>[vector<16xi32>, vector<16xi32>], vector<16xf32>,
      %gather3A_253 = tpu.vector_load_idx %arg10[%get3A_243] : memref<10000xi32, #tpu.memory_space<vmem>>[vector<16xi32>], vector<16xi32>,
      %eq3A_254 = arith.constant 0 : i32
      %eq3A_255 = vector.broadcast %eq3A_254 : i32 to vector<16xi32>
      %eq3A_256 = arith.cmpi eq, %gather3A_253, %eq3A_255 : vector<16xi32>
      %swap3A_257 = arith.index_cast %add3A_240 : i32 to index
      %swap3A_258 = tpu.vector_load %arg13[%swap3A_257] masked %eq3A_256 {strides = array<i32>} : memref<10240xi32, #tpu.memory_space<vmem>>, vector<16xi32>, vector<16xi1>
      tpu.vector_store %arg13[%swap3A_257], %get3A_243 masked %eq3A_256 {strides = array<i32>} : memref<10240xi32, #tpu.memory_space<vmem>>, vector<16xi32>, vector<16xi1>
      %swap3A_259 = arith.index_cast %add3A_240 : i32 to index
      %swap3A_260 = tpu.vector_load %arg14[%swap3A_259] masked %eq3A_256 {strides = array<i32>} : memref<10240xi32, #tpu.memory_space<vmem>>, vector<16xi32>, vector<16xi1>
      tpu.vector_store %arg14[%swap3A_259], %get3A_246 masked %eq3A_256 {strides = array<i32>} : memref<10240xi32, #tpu.memory_space<vmem>>, vector<16xi32>, vector<16xi1>
      %all_reduce_population_count3A_261 = tpu.all_reduce %eq3A_256 {dim = 0 : i64, kind = #tpu.reduction_kind<sum>} : vector<16xi1> -> vector<16xi32>
      %reduce_max3A_262 = arith.constant true
      %reduce_max3A_263 = vector.broadcast %reduce_max3A_262 : i1 to vector<16xi1>
      %reduce_max3A_264 = arith.constant -2147483648 : i32
      %reduce_max3A_265 = vector.broadcast %reduce_max3A_264 : i32 to vector<16xi32>
      %reduce_max3A_266 = arith.xori %all_reduce_population_count3A_261, %reduce_max3A_265 : vector<16xi32>
      %reduce_max3A_267 = tpu.scan <max>, %reduce_max3A_266 masked %reduce_max3A_263 : vector<16xi32>, vector<16xi1> -> vector<16xi32>
      %reduce_max3A_268 = arith.xori %reduce_max3A_267, %reduce_max3A_265 : vector<16xi32>
      %reduce_max3A_269 = vector.extract %reduce_max3A_268[15] : i32 from vector<16xi32>
      %add3A_270 = arith.addi %add3A_240, %reduce_max3A_269 : i32
      %get3A_271 = arith.index_cast %while3A_65 : i32 to index
      %get3A_272 = arith.constant 112 : index
      %get3A_273 = tpu.vector_load %arg11[%get3A_271, %get3A_272] {strides = array<i32>} : memref<79x128xi32, #tpu.memory_space<vmem>>, vector<16xi32>,
      %get3A_274 = arith.index_cast %while3A_65 : i32 to index
      %get3A_275 = arith.constant 112 : index
      %get3A_276 = tpu.vector_load %arg12[%get3A_274, %get3A_275] {strides = array<i32>} : memref<79x128xi32, #tpu.memory_space<vmem>>, vector<16xi32>,
      %shift_right_arithmetic3A_277 = arith.constant 4 : i32
      %shift_right_arithmetic3A_278 = vector.broadcast %shift_right_arithmetic3A_277 : i32 to vector<16xi32>
      %shift_right_arithmetic3A_279 = arith.shrsi %get3A_276, %shift_right_arithmetic3A_278 : vector<16xi32>
      %and3A_280 = arith.constant 15 : i32
      %and3A_281 = vector.broadcast %and3A_280 : i32 to vector<16xi32>
      %and3A_282 = arith.andi %get3A_276, %and3A_281 : vector<16xi32>
      tpu.vector_store_idx %arg15[%shift_right_arithmetic3A_279, %and3A_282], %broadcast_in_dim3A_24 {add = true} : memref<640x16xf32, #tpu.memory_space<vmem>>[vector<16xi32>, vector<16xi32>], vector<16xf32>,
      %gather3A_283 = tpu.vector_load_idx %arg10[%get3A_273] : memref<10000xi32, #tpu.memory_space<vmem>>[vector<16xi32>], vector<16xi32>,
      %eq3A_284 = arith.constant 0 : i32
      %eq3A_285 = vector.broadcast %eq3A_284 : i32 to vector<16xi32>
      %eq3A_286 = arith.cmpi eq, %gather3A_283, %eq3A_285 : vector<16xi32>
      %swap3A_287 = arith.index_cast %add3A_270 : i32 to index
      %swap3A_288 = tpu.vector_load %arg13[%swap3A_287] masked %eq3A_286 {strides = array<i32>} : memref<10240xi32, #tpu.memory_space<vmem>>, vector<16xi32>, vector<16xi1>
      tpu.vector_store %arg13[%swap3A_287], %get3A_273 masked %eq3A_286 {strides = array<i32>} : memref<10240xi32, #tpu.memory_space<vmem>>, vector<16xi32>, vector<16xi1>
      %swap3A_289 = arith.index_cast %add3A_270 : i32 to index
      %swap3A_290 = tpu.vector_load %arg14[%swap3A_289] masked %eq3A_286 {strides = array<i32>} : memref<10240xi32, #tpu.memory_space<vmem>>, vector<16xi32>, vector<16xi1>
      tpu.vector_store %arg14[%swap3A_289], %get3A_276 masked %eq3A_286 {strides = array<i32>} : memref<10240xi32, #tpu.memory_space<vmem>>, vector<16xi32>, vector<16xi1>
      %all_reduce_population_count3A_291 = tpu.all_reduce %eq3A_286 {dim = 0 : i64, kind = #tpu.reduction_kind<sum>} : vector<16xi1> -> vector<16xi32>
      %reduce_max3A_292 = arith.constant true
      %reduce_max3A_293 = vector.broadcast %reduce_max3A_292 : i1 to vector<16xi1>
      %reduce_max3A_294 = arith.constant -2147483648 : i32
      %reduce_max3A_295 = vector.broadcast %reduce_max3A_294 : i32 to vector<16xi32>
      %reduce_max3A_296 = arith.xori %all_reduce_population_count3A_291, %reduce_max3A_295 : vector<16xi32>
      %reduce_max3A_297 = tpu.scan <max>, %reduce_max3A_296 masked %reduce_max3A_293 : vector<16xi32>, vector<16xi1> -> vector<16xi32>
      %reduce_max3A_298 = arith.xori %reduce_max3A_297, %reduce_max3A_295 : vector<16xi32>
      %reduce_max3A_299 = vector.extract %reduce_max3A_298[15] : i32 from vector<16xi32>
      %add3A_300 = arith.addi %add3A_270, %reduce_max3A_299 : i32
      scf.yield %add3A_300 : i32
    }
    %while3A_34 = arith.constant 1 : i32
    %while3A_35 = scf.for %while3A_65 = %while3A_31 to %while3A_27 step %while3A_34 iter_args(%while3A_66 = %while3A_33) -> (i32)  : i32 {
      %get3A = arith.index_cast %while3A_65 : i32 to index
      %get3A_67 = arith.constant 0 : index
      %get3A_68 = tpu.vector_load %arg11[%get3A, %get3A_67] {strides = array<i32>} : memref<79x128xi32, #tpu.memory_space<vmem>>, vector<16xi32>,
      %get3A_69 = arith.index_cast %while3A_65 : i32 to index
      %get3A_70 = arith.constant 0 : index
      %get3A_71 = tpu.vector_load %arg12[%get3A_69, %get3A_70] {strides = array<i32>} : memref<79x128xi32, #tpu.memory_space<vmem>>, vector<16xi32>,
      %shift_right_arithmetic3A = arith.constant 4 : i32
      %shift_right_arithmetic3A_72 = vector.broadcast %shift_right_arithmetic3A : i32 to vector<16xi32>
      %shift_right_arithmetic3A_73 = arith.shrsi %get3A_71, %shift_right_arithmetic3A_72 : vector<16xi32>
      %and3A_74 = arith.constant 15 : i32
      %and3A_75 = vector.broadcast %and3A_74 : i32 to vector<16xi32>
      %and3A_76 = arith.andi %get3A_71, %and3A_75 : vector<16xi32>
      tpu.vector_store_idx %arg15[%shift_right_arithmetic3A_73, %and3A_76], %broadcast_in_dim3A_24 {add = true} : memref<640x16xf32, #tpu.memory_space<vmem>>[vector<16xi32>, vector<16xi32>], vector<16xf32>,
      %gather3A = tpu.vector_load_idx %arg10[%get3A_68] : memref<10000xi32, #tpu.memory_space<vmem>>[vector<16xi32>], vector<16xi32>,
      %eq3A = arith.constant 0 : i32
      %eq3A_77 = vector.broadcast %eq3A : i32 to vector<16xi32>
      %eq3A_78 = arith.cmpi eq, %gather3A, %eq3A_77 : vector<16xi32>
      %swap3A_79 = arith.index_cast %while3A_66 : i32 to index
      %swap3A_80 = tpu.vector_load %arg13[%swap3A_79] masked %eq3A_78 {strides = array<i32>} : memref<10240xi32, #tpu.memory_space<vmem>>, vector<16xi32>, vector<16xi1>
      tpu.vector_store %arg13[%swap3A_79], %get3A_68 masked %eq3A_78 {strides = array<i32>} : memref<10240xi32, #tpu.memory_space<vmem>>, vector<16xi32>, vector<16xi1>
      %swap3A_81 = arith.index_cast %while3A_66 : i32 to index
      %swap3A_82 = tpu.vector_load %arg14[%swap3A_81] masked %eq3A_78 {strides = array<i32>} : memref<10240xi32, #tpu.memory_space<vmem>>, vector<16xi32>, vector<16xi1>
      tpu.vector_store %arg14[%swap3A_81], %get3A_71 masked %eq3A_78 {strides = array<i32>} : memref<10240xi32, #tpu.memory_space<vmem>>, vector<16xi32>, vector<16xi1>
      %all_reduce_population_count3A = tpu.all_reduce %eq3A_78 {dim = 0 : i64, kind = #tpu.reduction_kind<sum>} : vector<16xi1> -> vector<16xi32>
      %reduce_max3A = arith.constant true
      %reduce_max3A_83 = vector.broadcast %reduce_max3A : i1 to vector<16xi1>
      %reduce_max3A_84 = arith.constant -2147483648 : i32
      %reduce_max3A_85 = vector.broadcast %reduce_max3A_84 : i32 to vector<16xi32>
      %reduce_max3A_86 = arith.xori %all_reduce_population_count3A, %reduce_max3A_85 : vector<16xi32>
      %reduce_max3A_87 = tpu.scan <max>, %reduce_max3A_86 masked %reduce_max3A_83 : vector<16xi32>, vector<16xi1> -> vector<16xi32>
      %reduce_max3A_88 = arith.xori %reduce_max3A_87, %reduce_max3A_85 : vector<16xi32>
      %reduce_max3A_89 = vector.extract %reduce_max3A_88[15] : i32 from vector<16xi32>
      %add3A_90 = arith.addi %while3A_66, %reduce_max3A_89 : i32
      %get3A_91 = arith.index_cast %while3A_65 : i32 to index
      %get3A_92 = arith.constant 16 : index
      %get3A_93 = tpu.vector_load %arg11[%get3A_91, %get3A_92] {strides = array<i32>} : memref<79x128xi32, #tpu.memory_space<vmem>>, vector<16xi32>,
      %get3A_94 = arith.index_cast %while3A_65 : i32 to index
      %get3A_95 = arith.constant 16 : index
      %get3A_96 = tpu.vector_load %arg12[%get3A_94, %get3A_95] {strides = array<i32>} : memref<79x128xi32, #tpu.memory_space<vmem>>, vector<16xi32>,
      %shift_right_arithmetic3A_97 = arith.constant 4 : i32
      %shift_right_arithmetic3A_98 = vector.broadcast %shift_right_arithmetic3A_97 : i32 to vector<16xi32>
      %shift_right_arithmetic3A_99 = arith.shrsi %get3A_96, %shift_right_arithmetic3A_98 : vector<16xi32>
      %and3A_100 = arith.constant 15 : i32
      %and3A_101 = vector.broadcast %and3A_100 : i32 to vector<16xi32>
      %and3A_102 = arith.andi %get3A_96, %and3A_101 : vector<16xi32>
      tpu.vector_store_idx %arg15[%shift_right_arithmetic3A_99, %and3A_102], %broadcast_in_dim3A_24 {add = true} : memref<640x16xf32, #tpu.memory_space<vmem>>[vector<16xi32>, vector<16xi32>], vector<16xf32>,
      %gather3A_103 = tpu.vector_load_idx %arg10[%get3A_93] : memref<10000xi32, #tpu.memory_space<vmem>>[vector<16xi32>], vector<16xi32>,
      %eq3A_104 = arith.constant 0 : i32
      %eq3A_105 = vector.broadcast %eq3A_104 : i32 to vector<16xi32>
      %eq3A_106 = arith.cmpi eq, %gather3A_103, %eq3A_105 : vector<16xi32>
      %swap3A_107 = arith.index_cast %add3A_90 : i32 to index
      %swap3A_108 = tpu.vector_load %arg13[%swap3A_107] masked %eq3A_106 {strides = array<i32>} : memref<10240xi32, #tpu.memory_space<vmem>>, vector<16xi32>, vector<16xi1>
      tpu.vector_store %arg13[%swap3A_107], %get3A_93 masked %eq3A_106 {strides = array<i32>} : memref<10240xi32, #tpu.memory_space<vmem>>, vector<16xi32>, vector<16xi1>
      %swap3A_109 = arith.index_cast %add3A_90 : i32 to index
      %swap3A_110 = tpu.vector_load %arg14[%swap3A_109] masked %eq3A_106 {strides = array<i32>} : memref<10240xi32, #tpu.memory_space<vmem>>, vector<16xi32>, vector<16xi1>
      tpu.vector_store %arg14[%swap3A_109], %get3A_96 masked %eq3A_106 {strides = array<i32>} : memref<10240xi32, #tpu.memory_space<vmem>>, vector<16xi32>, vector<16xi1>
      %all_reduce_population_count3A_111 = tpu.all_reduce %eq3A_106 {dim = 0 : i64, kind = #tpu.reduction_kind<sum>} : vector<16xi1> -> vector<16xi32>
      %reduce_max3A_112 = arith.constant true
      %reduce_max3A_113 = vector.broadcast %reduce_max3A_112 : i1 to vector<16xi1>
      %reduce_max3A_114 = arith.constant -2147483648 : i32
      %reduce_max3A_115 = vector.broadcast %reduce_max3A_114 : i32 to vector<16xi32>
      %reduce_max3A_116 = arith.xori %all_reduce_population_count3A_111, %reduce_max3A_115 : vector<16xi32>
      %reduce_max3A_117 = tpu.scan <max>, %reduce_max3A_116 masked %reduce_max3A_113 : vector<16xi32>, vector<16xi1> -> vector<16xi32>
      %reduce_max3A_118 = arith.xori %reduce_max3A_117, %reduce_max3A_115 : vector<16xi32>
      %reduce_max3A_119 = vector.extract %reduce_max3A_118[15] : i32 from vector<16xi32>
      %add3A_120 = arith.addi %add3A_90, %reduce_max3A_119 : i32
      %get3A_121 = arith.index_cast %while3A_65 : i32 to index
      %get3A_122 = arith.constant 32 : index
      %get3A_123 = tpu.vector_load %arg11[%get3A_121, %get3A_122] {strides = array<i32>} : memref<79x128xi32, #tpu.memory_space<vmem>>, vector<16xi32>,
      %get3A_124 = arith.index_cast %while3A_65 : i32 to index
      %get3A_125 = arith.constant 32 : index
      %get3A_126 = tpu.vector_load %arg12[%get3A_124, %get3A_125] {strides = array<i32>} : memref<79x128xi32, #tpu.memory_space<vmem>>, vector<16xi32>,
      %shift_right_arithmetic3A_127 = arith.constant 4 : i32
      %shift_right_arithmetic3A_128 = vector.broadcast %shift_right_arithmetic3A_127 : i32 to vector<16xi32>
      %shift_right_arithmetic3A_129 = arith.shrsi %get3A_126, %shift_right_arithmetic3A_128 : vector<16xi32>
      %and3A_130 = arith.constant 15 : i32
      %and3A_131 = vector.broadcast %and3A_130 : i32 to vector<16xi32>
      %and3A_132 = arith.andi %get3A_126, %and3A_131 : vector<16xi32>
      tpu.vector_store_idx %arg15[%shift_right_arithmetic3A_129, %and3A_132], %broadcast_in_dim3A_24 {add = true} : memref<640x16xf32, #tpu.memory_space<vmem>>[vector<16xi32>, vector<16xi32>], vector<16xf32>,
      %gather3A_133 = tpu.vector_load_idx %arg10[%get3A_123] : memref<10000xi32, #tpu.memory_space<vmem>>[vector<16xi32>], vector<16xi32>,
      %eq3A_134 = arith.constant 0 : i32
      %eq3A_135 = vector.broadcast %eq3A_134 : i32 to vector<16xi32>
      %eq3A_136 = arith.cmpi eq, %gather3A_133, %eq3A_135 : vector<16xi32>
      %swap3A_137 = arith.index_cast %add3A_120 : i32 to index
      %swap3A_138 = tpu.vector_load %arg13[%swap3A_137] masked %eq3A_136 {strides = array<i32>} : memref<10240xi32, #tpu.memory_space<vmem>>, vector<16xi32>, vector<16xi1>
      tpu.vector_store %arg13[%swap3A_137], %get3A_123 masked %eq3A_136 {strides = array<i32>} : memref<10240xi32, #tpu.memory_space<vmem>>, vector<16xi32>, vector<16xi1>
      %swap3A_139 = arith.index_cast %add3A_120 : i32 to index
      %swap3A_140 = tpu.vector_load %arg14[%swap3A_139] masked %eq3A_136 {strides = array<i32>} : memref<10240xi32, #tpu.memory_space<vmem>>, vector<16xi32>, vector<16xi1>
      tpu.vector_store %arg14[%swap3A_139], %get3A_126 masked %eq3A_136 {strides = array<i32>} : memref<10240xi32, #tpu.memory_space<vmem>>, vector<16xi32>, vector<16xi1>
      %all_reduce_population_count3A_141 = tpu.all_reduce %eq3A_136 {dim = 0 : i64, kind = #tpu.reduction_kind<sum>} : vector<16xi1> -> vector<16xi32>
      %reduce_max3A_142 = arith.constant true
      %reduce_max3A_143 = vector.broadcast %reduce_max3A_142 : i1 to vector<16xi1>
      %reduce_max3A_144 = arith.constant -2147483648 : i32
      %reduce_max3A_145 = vector.broadcast %reduce_max3A_144 : i32 to vector<16xi32>
      %reduce_max3A_146 = arith.xori %all_reduce_population_count3A_141, %reduce_max3A_145 : vector<16xi32>
      %reduce_max3A_147 = tpu.scan <max>, %reduce_max3A_146 masked %reduce_max3A_143 : vector<16xi32>, vector<16xi1> -> vector<16xi32>
      %reduce_max3A_148 = arith.xori %reduce_max3A_147, %reduce_max3A_145 : vector<16xi32>
      %reduce_max3A_149 = vector.extract %reduce_max3A_148[15] : i32 from vector<16xi32>
      %add3A_150 = arith.addi %add3A_120, %reduce_max3A_149 : i32
      %get3A_151 = arith.index_cast %while3A_65 : i32 to index
      %get3A_152 = arith.constant 48 : index
      %get3A_153 = tpu.vector_load %arg11[%get3A_151, %get3A_152] {strides = array<i32>} : memref<79x128xi32, #tpu.memory_space<vmem>>, vector<16xi32>,
      %get3A_154 = arith.index_cast %while3A_65 : i32 to index
      %get3A_155 = arith.constant 48 : index
      %get3A_156 = tpu.vector_load %arg12[%get3A_154, %get3A_155] {strides = array<i32>} : memref<79x128xi32, #tpu.memory_space<vmem>>, vector<16xi32>,
      %shift_right_arithmetic3A_157 = arith.constant 4 : i32
      %shift_right_arithmetic3A_158 = vector.broadcast %shift_right_arithmetic3A_157 : i32 to vector<16xi32>
      %shift_right_arithmetic3A_159 = arith.shrsi %get3A_156, %shift_right_arithmetic3A_158 : vector<16xi32>
      %and3A_160 = arith.constant 15 : i32
      %and3A_161 = vector.broadcast %and3A_160 : i32 to vector<16xi32>
      %and3A_162 = arith.andi %get3A_156, %and3A_161 : vector<16xi32>
      tpu.vector_store_idx %arg15[%shift_right_arithmetic3A_159, %and3A_162], %broadcast_in_dim3A_24 {add = true} : memref<640x16xf32, #tpu.memory_space<vmem>>[vector<16xi32>, vector<16xi32>], vector<16xf32>,
      %gather3A_163 = tpu.vector_load_idx %arg10[%get3A_153] : memref<10000xi32, #tpu.memory_space<vmem>>[vector<16xi32>], vector<16xi32>,
      %eq3A_164 = arith.constant 0 : i32
      %eq3A_165 = vector.broadcast %eq3A_164 : i32 to vector<16xi32>
      %eq3A_166 = arith.cmpi eq, %gather3A_163, %eq3A_165 : vector<16xi32>
      %swap3A_167 = arith.index_cast %add3A_150 : i32 to index
      %swap3A_168 = tpu.vector_load %arg13[%swap3A_167] masked %eq3A_166 {strides = array<i32>} : memref<10240xi32, #tpu.memory_space<vmem>>, vector<16xi32>, vector<16xi1>
      tpu.vector_store %arg13[%swap3A_167], %get3A_153 masked %eq3A_166 {strides = array<i32>} : memref<10240xi32, #tpu.memory_space<vmem>>, vector<16xi32>, vector<16xi1>
      %swap3A_169 = arith.index_cast %add3A_150 : i32 to index
      %swap3A_170 = tpu.vector_load %arg14[%swap3A_169] masked %eq3A_166 {strides = array<i32>} : memref<10240xi32, #tpu.memory_space<vmem>>, vector<16xi32>, vector<16xi1>
      tpu.vector_store %arg14[%swap3A_169], %get3A_156 masked %eq3A_166 {strides = array<i32>} : memref<10240xi32, #tpu.memory_space<vmem>>, vector<16xi32>, vector<16xi1>
      %all_reduce_population_count3A_171 = tpu.all_reduce %eq3A_166 {dim = 0 : i64, kind = #tpu.reduction_kind<sum>} : vector<16xi1> -> vector<16xi32>
      %reduce_max3A_172 = arith.constant true
      %reduce_max3A_173 = vector.broadcast %reduce_max3A_172 : i1 to vector<16xi1>
      %reduce_max3A_174 = arith.constant -2147483648 : i32
      %reduce_max3A_175 = vector.broadcast %reduce_max3A_174 : i32 to vector<16xi32>
      %reduce_max3A_176 = arith.xori %all_reduce_population_count3A_171, %reduce_max3A_175 : vector<16xi32>
      %reduce_max3A_177 = tpu.scan <max>, %reduce_max3A_176 masked %reduce_max3A_173 : vector<16xi32>, vector<16xi1> -> vector<16xi32>
      %reduce_max3A_178 = arith.xori %reduce_max3A_177, %reduce_max3A_175 : vector<16xi32>
      %reduce_max3A_179 = vector.extract %reduce_max3A_178[15] : i32 from vector<16xi32>
      %add3A_180 = arith.addi %add3A_150, %reduce_max3A_179 : i32
      %get3A_181 = arith.index_cast %while3A_65 : i32 to index
      %get3A_182 = arith.constant 64 : index
      %get3A_183 = tpu.vector_load %arg11[%get3A_181, %get3A_182] {strides = array<i32>} : memref<79x128xi32, #tpu.memory_space<vmem>>, vector<16xi32>,
      %get3A_184 = arith.index_cast %while3A_65 : i32 to index
      %get3A_185 = arith.constant 64 : index
      %get3A_186 = tpu.vector_load %arg12[%get3A_184, %get3A_185] {strides = array<i32>} : memref<79x128xi32, #tpu.memory_space<vmem>>, vector<16xi32>,
      %shift_right_arithmetic3A_187 = arith.constant 4 : i32
      %shift_right_arithmetic3A_188 = vector.broadcast %shift_right_arithmetic3A_187 : i32 to vector<16xi32>
      %shift_right_arithmetic3A_189 = arith.shrsi %get3A_186, %shift_right_arithmetic3A_188 : vector<16xi32>
      %and3A_190 = arith.constant 15 : i32
      %and3A_191 = vector.broadcast %and3A_190 : i32 to vector<16xi32>
      %and3A_192 = arith.andi %get3A_186, %and3A_191 : vector<16xi32>
      tpu.vector_store_idx %arg15[%shift_right_arithmetic3A_189, %and3A_192], %broadcast_in_dim3A_24 {add = true} : memref<640x16xf32, #tpu.memory_space<vmem>>[vector<16xi32>, vector<16xi32>], vector<16xf32>,
      %gather3A_193 = tpu.vector_load_idx %arg10[%get3A_183] : memref<10000xi32, #tpu.memory_space<vmem>>[vector<16xi32>], vector<16xi32>,
      %eq3A_194 = arith.constant 0 : i32
      %eq3A_195 = vector.broadcast %eq3A_194 : i32 to vector<16xi32>
      %eq3A_196 = arith.cmpi eq, %gather3A_193, %eq3A_195 : vector<16xi32>
      %swap3A_197 = arith.index_cast %add3A_180 : i32 to index
      %swap3A_198 = tpu.vector_load %arg13[%swap3A_197] masked %eq3A_196 {strides = array<i32>} : memref<10240xi32, #tpu.memory_space<vmem>>, vector<16xi32>, vector<16xi1>
      tpu.vector_store %arg13[%swap3A_197], %get3A_183 masked %eq3A_196 {strides = array<i32>} : memref<10240xi32, #tpu.memory_space<vmem>>, vector<16xi32>, vector<16xi1>
      %swap3A_199 = arith.index_cast %add3A_180 : i32 to index
      %swap3A_200 = tpu.vector_load %arg14[%swap3A_199] masked %eq3A_196 {strides = array<i32>} : memref<10240xi32, #tpu.memory_space<vmem>>, vector<16xi32>, vector<16xi1>
      tpu.vector_store %arg14[%swap3A_199], %get3A_186 masked %eq3A_196 {strides = array<i32>} : memref<10240xi32, #tpu.memory_space<vmem>>, vector<16xi32>, vector<16xi1>
      %all_reduce_population_count3A_201 = tpu.all_reduce %eq3A_196 {dim = 0 : i64, kind = #tpu.reduction_kind<sum>} : vector<16xi1> -> vector<16xi32>
      %reduce_max3A_202 = arith.constant true
      %reduce_max3A_203 = vector.broadcast %reduce_max3A_202 : i1 to vector<16xi1>
      %reduce_max3A_204 = arith.constant -2147483648 : i32
      %reduce_max3A_205 = vector.broadcast %reduce_max3A_204 : i32 to vector<16xi32>
      %reduce_max3A_206 = arith.xori %all_reduce_population_count3A_201, %reduce_max3A_205 : vector<16xi32>
      %reduce_max3A_207 = tpu.scan <max>, %reduce_max3A_206 masked %reduce_max3A_203 : vector<16xi32>, vector<16xi1> -> vector<16xi32>
      %reduce_max3A_208 = arith.xori %reduce_max3A_207, %reduce_max3A_205 : vector<16xi32>
      %reduce_max3A_209 = vector.extract %reduce_max3A_208[15] : i32 from vector<16xi32>
      %add3A_210 = arith.addi %add3A_180, %reduce_max3A_209 : i32
      %get3A_211 = arith.index_cast %while3A_65 : i32 to index
      %get3A_212 = arith.constant 80 : index
      %get3A_213 = tpu.vector_load %arg11[%get3A_211, %get3A_212] {strides = array<i32>} : memref<79x128xi32, #tpu.memory_space<vmem>>, vector<16xi32>,
      %get3A_214 = arith.index_cast %while3A_65 : i32 to index
      %get3A_215 = arith.constant 80 : index
      %get3A_216 = tpu.vector_load %arg12[%get3A_214, %get3A_215] {strides = array<i32>} : memref<79x128xi32, #tpu.memory_space<vmem>>, vector<16xi32>,
      %shift_right_arithmetic3A_217 = arith.constant 4 : i32
      %shift_right_arithmetic3A_218 = vector.broadcast %shift_right_arithmetic3A_217 : i32 to vector<16xi32>
      %shift_right_arithmetic3A_219 = arith.shrsi %get3A_216, %shift_right_arithmetic3A_218 : vector<16xi32>
      %and3A_220 = arith.constant 15 : i32
      %and3A_221 = vector.broadcast %and3A_220 : i32 to vector<16xi32>
      %and3A_222 = arith.andi %get3A_216, %and3A_221 : vector<16xi32>
      tpu.vector_store_idx %arg15[%shift_right_arithmetic3A_219, %and3A_222], %broadcast_in_dim3A_24 {add = true} : memref<640x16xf32, #tpu.memory_space<vmem>>[vector<16xi32>, vector<16xi32>], vector<16xf32>,
      %gather3A_223 = tpu.vector_load_idx %arg10[%get3A_213] : memref<10000xi32, #tpu.memory_space<vmem>>[vector<16xi32>], vector<16xi32>,
      %eq3A_224 = arith.constant 0 : i32
      %eq3A_225 = vector.broadcast %eq3A_224 : i32 to vector<16xi32>
      %eq3A_226 = arith.cmpi eq, %gather3A_223, %eq3A_225 : vector<16xi32>
      %swap3A_227 = arith.index_cast %add3A_210 : i32 to index
      %swap3A_228 = tpu.vector_load %arg13[%swap3A_227] masked %eq3A_226 {strides = array<i32>} : memref<10240xi32, #tpu.memory_space<vmem>>, vector<16xi32>, vector<16xi1>
      tpu.vector_store %arg13[%swap3A_227], %get3A_213 masked %eq3A_226 {strides = array<i32>} : memref<10240xi32, #tpu.memory_space<vmem>>, vector<16xi32>, vector<16xi1>
      %swap3A_229 = arith.index_cast %add3A_210 : i32 to index
      %swap3A_230 = tpu.vector_load %arg14[%swap3A_229] masked %eq3A_226 {strides = array<i32>} : memref<10240xi32, #tpu.memory_space<vmem>>, vector<16xi32>, vector<16xi1>
      tpu.vector_store %arg14[%swap3A_229], %get3A_216 masked %eq3A_226 {strides = array<i32>} : memref<10240xi32, #tpu.memory_space<vmem>>, vector<16xi32>, vector<16xi1>
      %all_reduce_population_count3A_231 = tpu.all_reduce %eq3A_226 {dim = 0 : i64, kind = #tpu.reduction_kind<sum>} : vector<16xi1> -> vector<16xi32>
      %reduce_max3A_232 = arith.constant true
      %reduce_max3A_233 = vector.broadcast %reduce_max3A_232 : i1 to vector<16xi1>
      %reduce_max3A_234 = arith.constant -2147483648 : i32
      %reduce_max3A_235 = vector.broadcast %reduce_max3A_234 : i32 to vector<16xi32>
      %reduce_max3A_236 = arith.xori %all_reduce_population_count3A_231, %reduce_max3A_235 : vector<16xi32>
      %reduce_max3A_237 = tpu.scan <max>, %reduce_max3A_236 masked %reduce_max3A_233 : vector<16xi32>, vector<16xi1> -> vector<16xi32>
      %reduce_max3A_238 = arith.xori %reduce_max3A_237, %reduce_max3A_235 : vector<16xi32>
      %reduce_max3A_239 = vector.extract %reduce_max3A_238[15] : i32 from vector<16xi32>
      %add3A_240 = arith.addi %add3A_210, %reduce_max3A_239 : i32
      %get3A_241 = arith.index_cast %while3A_65 : i32 to index
      %get3A_242 = arith.constant 96 : index
      %get3A_243 = tpu.vector_load %arg11[%get3A_241, %get3A_242] {strides = array<i32>} : memref<79x128xi32, #tpu.memory_space<vmem>>, vector<16xi32>,
      %get3A_244 = arith.index_cast %while3A_65 : i32 to index
      %get3A_245 = arith.constant 96 : index
      %get3A_246 = tpu.vector_load %arg12[%get3A_244, %get3A_245] {strides = array<i32>} : memref<79x128xi32, #tpu.memory_space<vmem>>, vector<16xi32>,
      %shift_right_arithmetic3A_247 = arith.constant 4 : i32
      %shift_right_arithmetic3A_248 = vector.broadcast %shift_right_arithmetic3A_247 : i32 to vector<16xi32>
      %shift_right_arithmetic3A_249 = arith.shrsi %get3A_246, %shift_right_arithmetic3A_248 : vector<16xi32>
      %and3A_250 = arith.constant 15 : i32
      %and3A_251 = vector.broadcast %and3A_250 : i32 to vector<16xi32>
      %and3A_252 = arith.andi %get3A_246, %and3A_251 : vector<16xi32>
      tpu.vector_store_idx %arg15[%shift_right_arithmetic3A_249, %and3A_252], %broadcast_in_dim3A_24 {add = true} : memref<640x16xf32, #tpu.memory_space<vmem>>[vector<16xi32>, vector<16xi32>], vector<16xf32>,
      %gather3A_253 = tpu.vector_load_idx %arg10[%get3A_243] : memref<10000xi32, #tpu.memory_space<vmem>>[vector<16xi32>], vector<16xi32>,
      %eq3A_254 = arith.constant 0 : i32
      %eq3A_255 = vector.broadcast %eq3A_254 : i32 to vector<16xi32>
      %eq3A_256 = arith.cmpi eq, %gather3A_253, %eq3A_255 : vector<16xi32>
      %swap3A_257 = arith.index_cast %add3A_240 : i32 to index
      %swap3A_258 = tpu.vector_load %arg13[%swap3A_257] masked %eq3A_256 {strides = array<i32>} : memref<10240xi32, #tpu.memory_space<vmem>>, vector<16xi32>, vector<16xi1>
      tpu.vector_store %arg13[%swap3A_257], %get3A_243 masked %eq3A_256 {strides = array<i32>} : memref<10240xi32, #tpu.memory_space<vmem>>, vector<16xi32>, vector<16xi1>
      %swap3A_259 = arith.index_cast %add3A_240 : i32 to index
      %swap3A_260 = tpu.vector_load %arg14[%swap3A_259] masked %eq3A_256 {strides = array<i32>} : memref<10240xi32, #tpu.memory_space<vmem>>, vector<16xi32>, vector<16xi1>
      tpu.vector_store %arg14[%swap3A_259], %get3A_246 masked %eq3A_256 {strides = array<i32>} : memref<10240xi32, #tpu.memory_space<vmem>>, vector<16xi32>, vector<16xi1>
      %all_reduce_population_count3A_261 = tpu.all_reduce %eq3A_256 {dim = 0 : i64, kind = #tpu.reduction_kind<sum>} : vector<16xi1> -> vector<16xi32>
      %reduce_max3A_262 = arith.constant true
      %reduce_max3A_263 = vector.broadcast %reduce_max3A_262 : i1 to vector<16xi1>
      %reduce_max3A_264 = arith.constant -2147483648 : i32
      %reduce_max3A_265 = vector.broadcast %reduce_max3A_264 : i32 to vector<16xi32>
      %reduce_max3A_266 = arith.xori %all_reduce_population_count3A_261, %reduce_max3A_265 : vector<16xi32>
      %reduce_max3A_267 = tpu.scan <max>, %reduce_max3A_266 masked %reduce_max3A_263 : vector<16xi32>, vector<16xi1> -> vector<16xi32>
      %reduce_max3A_268 = arith.xori %reduce_max3A_267, %reduce_max3A_265 : vector<16xi32>
      %reduce_max3A_269 = vector.extract %reduce_max3A_268[15] : i32 from vector<16xi32>
      %add3A_270 = arith.addi %add3A_240, %reduce_max3A_269 : i32
      %get3A_271 = arith.index_cast %while3A_65 : i32 to index
      %get3A_272 = arith.constant 112 : index
      %get3A_273 = tpu.vector_load %arg11[%get3A_271, %get3A_272] {strides = array<i32>} : memref<79x128xi32, #tpu.memory_space<vmem>>, vector<16xi32>,
      %get3A_274 = arith.index_cast %while3A_65 : i32 to index
      %get3A_275 = arith.constant 112 : index
      %get3A_276 = tpu.vector_load %arg12[%get3A_274, %get3A_275] {strides = array<i32>} : memref<79x128xi32, #tpu.memory_space<vmem>>, vector<16xi32>,
      %shift_right_arithmetic3A_277 = arith.constant 4 : i32
      %shift_right_arithmetic3A_278 = vector.broadcast %shift_right_arithmetic3A_277 : i32 to vector<16xi32>
      %shift_right_arithmetic3A_279 = arith.shrsi %get3A_276, %shift_right_arithmetic3A_278 : vector<16xi32>
      %and3A_280 = arith.constant 15 : i32
      %and3A_281 = vector.broadcast %and3A_280 : i32 to vector<16xi32>
      %and3A_282 = arith.andi %get3A_276, %and3A_281 : vector<16xi32>
      tpu.vector_store_idx %arg15[%shift_right_arithmetic3A_279, %and3A_282], %broadcast_in_dim3A_24 {add = true} : memref<640x16xf32, #tpu.memory_space<vmem>>[vector<16xi32>, vector<16xi32>], vector<16xf32>,
      %gather3A_283 = tpu.vector_load_idx %arg10[%get3A_273] : memref<10000xi32, #tpu.memory_space<vmem>>[vector<16xi32>], vector<16xi32>,
      %eq3A_284 = arith.constant 0 : i32
      %eq3A_285 = vector.broadcast %eq3A_284 : i32 to vector<16xi32>
      %eq3A_286 = arith.cmpi eq, %gather3A_283, %eq3A_285 : vector<16xi32>
      %swap3A_287 = arith.index_cast %add3A_270 : i32 to index
      %swap3A_288 = tpu.vector_load %arg13[%swap3A_287] masked %eq3A_286 {strides = array<i32>} : memref<10240xi32, #tpu.memory_space<vmem>>, vector<16xi32>, vector<16xi1>
      tpu.vector_store %arg13[%swap3A_287], %get3A_273 masked %eq3A_286 {strides = array<i32>} : memref<10240xi32, #tpu.memory_space<vmem>>, vector<16xi32>, vector<16xi1>
      %swap3A_289 = arith.index_cast %add3A_270 : i32 to index
      %swap3A_290 = tpu.vector_load %arg14[%swap3A_289] masked %eq3A_286 {strides = array<i32>} : memref<10240xi32, #tpu.memory_space<vmem>>, vector<16xi32>, vector<16xi1>
      tpu.vector_store %arg14[%swap3A_289], %get3A_276 masked %eq3A_286 {strides = array<i32>} : memref<10240xi32, #tpu.memory_space<vmem>>, vector<16xi32>, vector<16xi1>
      %all_reduce_population_count3A_291 = tpu.all_reduce %eq3A_286 {dim = 0 : i64, kind = #tpu.reduction_kind<sum>} : vector<16xi1> -> vector<16xi32>
      %reduce_max3A_292 = arith.constant true
      %reduce_max3A_293 = vector.broadcast %reduce_max3A_292 : i1 to vector<16xi1>
      %reduce_max3A_294 = arith.constant -2147483648 : i32
      %reduce_max3A_295 = vector.broadcast %reduce_max3A_294 : i32 to vector<16xi32>
      %reduce_max3A_296 = arith.xori %all_reduce_population_count3A_291, %reduce_max3A_295 : vector<16xi32>
      %reduce_max3A_297 = tpu.scan <max>, %reduce_max3A_296 masked %reduce_max3A_293 : vector<16xi32>, vector<16xi1> -> vector<16xi32>
      %reduce_max3A_298 = arith.xori %reduce_max3A_297, %reduce_max3A_295 : vector<16xi32>
      %reduce_max3A_299 = vector.extract %reduce_max3A_298[15] : i32 from vector<16xi32>
      %add3A_300 = arith.addi %add3A_270, %reduce_max3A_299 : i32
      scf.yield %add3A_300 : i32
    }
    %add3A_36 = arith.constant 512 : i32
    %add3A_37 = arith.addi %while3A_35, %add3A_36 : i32
    %sub3A = arith.constant 1 : i32
    %sub3A_38 = arith.subi %add3A_37, %sub3A : i32
    %jit3A_39 = arith.constant 512 : i32
    %div3A = arith.divsi %sub3A_38, %jit3A_39 : i32
    %sign3A = arith.constant 0 : i32
    %sign3A_40 = arith.cmpi sgt, %sub3A_38, %sign3A : i32
    %sign3A_41 = arith.extui %sign3A_40 : i1 to i32
    %sign3A_42 = arith.constant 0 : i32
    %sign3A_43 = arith.cmpi slt, %sub3A_38, %sign3A_42 : i32
    %sign3A_44 = arith.extui %sign3A_43 : i1 to i32
    %sign3A_45 = arith.subi %sign3A_41, %sign3A_44 : i32
    %sign3A_46 = arith.constant 0 : i32
    %sign3A_47 = arith.cmpi sgt, %jit3A_39, %sign3A_46 : i32
    %sign3A_48 = arith.extui %sign3A_47 : i1 to i32
    %sign3A_49 = arith.constant 0 : i32
    %sign3A_50 = arith.cmpi slt, %jit3A_39, %sign3A_49 : i32
    %sign3A_51 = arith.extui %sign3A_50 : i1 to i32
    %sign3A_52 = arith.subi %sign3A_48, %sign3A_51 : i32
    %ne3A = arith.cmpi ne, %sign3A_45, %sign3A_52 : i32
    %rem3A = arith.remsi %sub3A_38, %jit3A_39 : i32
    %ne3A_53 = arith.constant 0 : i32
    %ne3A_54 = arith.cmpi ne, %rem3A, %ne3A_53 : i32
    %and3A = arith.andi %ne3A, %ne3A_54 : i1
    %sub3A_55 = arith.constant 1 : i32
    %sub3A_56 = arith.subi %div3A, %sub3A_55 : i32
    %select_n3A_57 = arith.select %and3A, %sub3A_56, %div3A : i32
    %run_scoped3A = arith.constant 0 : i32
    "tpu.region"() ({
      %run_scoped3A_65 = tpu.sem_alloc : memref<!tpu.dma_semaphore, #tpu.memory_space<semaphore_mem>>
      %dma_start3A = arith.constant 0 : i32
      %dma_start3A_66 = arith.constant 0 : i32
      %dma_start3A_67 = tpu.memref_slice %arg15[%dma_start3A, %dma_start3A_66] : memref<640x16xf32, #tpu.memory_space<vmem>> -> memref<128x16xf32, #tpu.memory_space<vmem>>
      %dma_start3A_68 = arith.constant 0 : i32
      %dma_start3A_69 = tpu.memref_slice %arg16[%run_scoped3A, %dma_start3A_68] : memref<5x128xi32, #tpu.memory_space<vmem>> -> memref<1x128xi32, #tpu.memory_space<vmem>>
      %dma_start3A_70 = tpu.memref_squeeze %dma_start3A_69 : memref<1x128xi32, #tpu.memory_space<vmem>> -> memref<128xi32, #tpu.memory_space<vmem>>
      %dma_start3A_71 = arith.constant 0 : i32
      %dma_start3A_72 = arith.constant 0 : i32
      %dma_start3A_73 = tpu.memref_slice %arg18[%dma_start3A_71, %dma_start3A_72] : memref<640x16xf32, #tpu.memory_space<vmem_shared>> -> memref<640x16xf32, #tpu.memory_space<vmem_shared>>
      tpu.enqueue_indirect_dma source(%dma_start3A_67 : memref<128x16xf32, #tpu.memory_space<vmem>>) target(%dma_start3A_73 : memref<640x16xf32, #tpu.memory_space<vmem_shared>>) offsets(%dma_start3A_70 : memref<128xi32, #tpu.memory_space<vmem>>) semaphore(%run_scoped3A_65 : memref<!tpu.dma_semaphore, #tpu.memory_space<semaphore_mem>>) {add = true}
      %dma_wait3A = arith.constant 0 : i32
      %dma_wait3A_74 = arith.constant 0 : i32
      %dma_wait3A_75 = tpu.memref_slice %arg15[%dma_wait3A, %dma_wait3A_74] : memref<640x16xf32, #tpu.memory_space<vmem>> -> memref<128x16xf32, #tpu.memory_space<vmem>>
      %dma_wait3A_76 = arith.constant 0 : i32
      %dma_wait3A_77 = tpu.memref_slice %arg16[%run_scoped3A, %dma_wait3A_76] : memref<5x128xi32, #tpu.memory_space<vmem>> -> memref<1x128xi32, #tpu.memory_space<vmem>>
      %dma_wait3A_78 = tpu.memref_squeeze %dma_wait3A_77 : memref<1x128xi32, #tpu.memory_space<vmem>> -> memref<128xi32, #tpu.memory_space<vmem>>
      %dma_wait3A_79 = arith.constant 0 : i32
      %dma_wait3A_80 = arith.constant 0 : i32
      %dma_wait3A_81 = tpu.memref_slice %arg18[%dma_wait3A_79, %dma_wait3A_80] : memref<640x16xf32, #tpu.memory_space<vmem_shared>> -> memref<640x16xf32, #tpu.memory_space<vmem_shared>>
      tpu.wait_indirect_dma semaphore(%run_scoped3A_65 : memref<!tpu.dma_semaphore, #tpu.memory_space<semaphore_mem>>) src(%dma_wait3A_75 : memref<128x16xf32, #tpu.memory_space<vmem>>) dst(%dma_wait3A_81 : memref<640x16xf32, #tpu.memory_space<vmem_shared>>)
      tpu.yield
    }) : () -> ()
    %run_scoped3A_58 = arith.constant 1 : i32
    "tpu.region"() ({
      %run_scoped3A_65 = tpu.sem_alloc : memref<!tpu.dma_semaphore, #tpu.memory_space<semaphore_mem>>
      %dma_start3A = arith.constant 128 : i32
      %dma_start3A_66 = arith.constant 0 : i32
      %dma_start3A_67 = tpu.memref_slice %arg15[%dma_start3A, %dma_start3A_66] : memref<640x16xf32, #tpu.memory_space<vmem>> -> memref<128x16xf32, #tpu.memory_space<vmem>>
      %dma_start3A_68 = arith.constant 0 : i32
      %dma_start3A_69 = tpu.memref_slice %arg16[%run_scoped3A_58, %dma_start3A_68] : memref<5x128xi32, #tpu.memory_space<vmem>> -> memref<1x128xi32, #tpu.memory_space<vmem>>
      %dma_start3A_70 = tpu.memref_squeeze %dma_start3A_69 : memref<1x128xi32, #tpu.memory_space<vmem>> -> memref<128xi32, #tpu.memory_space<vmem>>
      %dma_start3A_71 = arith.constant 0 : i32
      %dma_start3A_72 = arith.constant 0 : i32
      %dma_start3A_73 = tpu.memref_slice %arg18[%dma_start3A_71, %dma_start3A_72] : memref<640x16xf32, #tpu.memory_space<vmem_shared>> -> memref<640x16xf32, #tpu.memory_space<vmem_shared>>
      tpu.enqueue_indirect_dma source(%dma_start3A_67 : memref<128x16xf32, #tpu.memory_space<vmem>>) target(%dma_start3A_73 : memref<640x16xf32, #tpu.memory_space<vmem_shared>>) offsets(%dma_start3A_70 : memref<128xi32, #tpu.memory_space<vmem>>) semaphore(%run_scoped3A_65 : memref<!tpu.dma_semaphore, #tpu.memory_space<semaphore_mem>>) {add = true}
      %dma_wait3A = arith.constant 128 : i32
      %dma_wait3A_74 = arith.constant 0 : i32
      %dma_wait3A_75 = tpu.memref_slice %arg15[%dma_wait3A, %dma_wait3A_74] : memref<640x16xf32, #tpu.memory_space<vmem>> -> memref<128x16xf32, #tpu.memory_space<vmem>>
      %dma_wait3A_76 = arith.constant 0 : i32
      %dma_wait3A_77 = tpu.memref_slice %arg16[%run_scoped3A_58, %dma_wait3A_76] : memref<5x128xi32, #tpu.memory_space<vmem>> -> memref<1x128xi32, #tpu.memory_space<vmem>>
      %dma_wait3A_78 = tpu.memref_squeeze %dma_wait3A_77 : memref<1x128xi32, #tpu.memory_space<vmem>> -> memref<128xi32, #tpu.memory_space<vmem>>
      %dma_wait3A_79 = arith.constant 0 : i32
      %dma_wait3A_80 = arith.constant 0 : i32
      %dma_wait3A_81 = tpu.memref_slice %arg18[%dma_wait3A_79, %dma_wait3A_80] : memref<640x16xf32, #tpu.memory_space<vmem_shared>> -> memref<640x16xf32, #tpu.memory_space<vmem_shared>>
      tpu.wait_indirect_dma semaphore(%run_scoped3A_65 : memref<!tpu.dma_semaphore, #tpu.memory_space<semaphore_mem>>) src(%dma_wait3A_75 : memref<128x16xf32, #tpu.memory_space<vmem>>) dst(%dma_wait3A_81 : memref<640x16xf32, #tpu.memory_space<vmem_shared>>)
      tpu.yield
    }) : () -> ()
    %run_scoped3A_59 = arith.constant 2 : i32
    "tpu.region"() ({
      %run_scoped3A_65 = tpu.sem_alloc : memref<!tpu.dma_semaphore, #tpu.memory_space<semaphore_mem>>
      %dma_start3A = arith.constant 256 : i32
      %dma_start3A_66 = arith.constant 0 : i32
      %dma_start3A_67 = tpu.memref_slice %arg15[%dma_start3A, %dma_start3A_66] : memref<640x16xf32, #tpu.memory_space<vmem>> -> memref<128x16xf32, #tpu.memory_space<vmem>>
      %dma_start3A_68 = arith.constant 0 : i32
      %dma_start3A_69 = tpu.memref_slice %arg16[%run_scoped3A_59, %dma_start3A_68] : memref<5x128xi32, #tpu.memory_space<vmem>> -> memref<1x128xi32, #tpu.memory_space<vmem>>
      %dma_start3A_70 = tpu.memref_squeeze %dma_start3A_69 : memref<1x128xi32, #tpu.memory_space<vmem>> -> memref<128xi32, #tpu.memory_space<vmem>>
      %dma_start3A_71 = arith.constant 0 : i32
      %dma_start3A_72 = arith.constant 0 : i32
      %dma_start3A_73 = tpu.memref_slice %arg18[%dma_start3A_71, %dma_start3A_72] : memref<640x16xf32, #tpu.memory_space<vmem_shared>> -> memref<640x16xf32, #tpu.memory_space<vmem_shared>>
      tpu.enqueue_indirect_dma source(%dma_start3A_67 : memref<128x16xf32, #tpu.memory_space<vmem>>) target(%dma_start3A_73 : memref<640x16xf32, #tpu.memory_space<vmem_shared>>) offsets(%dma_start3A_70 : memref<128xi32, #tpu.memory_space<vmem>>) semaphore(%run_scoped3A_65 : memref<!tpu.dma_semaphore, #tpu.memory_space<semaphore_mem>>) {add = true}
      %dma_wait3A = arith.constant 256 : i32
      %dma_wait3A_74 = arith.constant 0 : i32
      %dma_wait3A_75 = tpu.memref_slice %arg15[%dma_wait3A, %dma_wait3A_74] : memref<640x16xf32, #tpu.memory_space<vmem>> -> memref<128x16xf32, #tpu.memory_space<vmem>>
      %dma_wait3A_76 = arith.constant 0 : i32
      %dma_wait3A_77 = tpu.memref_slice %arg16[%run_scoped3A_59, %dma_wait3A_76] : memref<5x128xi32, #tpu.memory_space<vmem>> -> memref<1x128xi32, #tpu.memory_space<vmem>>
      %dma_wait3A_78 = tpu.memref_squeeze %dma_wait3A_77 : memref<1x128xi32, #tpu.memory_space<vmem>> -> memref<128xi32, #tpu.memory_space<vmem>>
      %dma_wait3A_79 = arith.constant 0 : i32
      %dma_wait3A_80 = arith.constant 0 : i32
      %dma_wait3A_81 = tpu.memref_slice %arg18[%dma_wait3A_79, %dma_wait3A_80] : memref<640x16xf32, #tpu.memory_space<vmem_shared>> -> memref<640x16xf32, #tpu.memory_space<vmem_shared>>
      tpu.wait_indirect_dma semaphore(%run_scoped3A_65 : memref<!tpu.dma_semaphore, #tpu.memory_space<semaphore_mem>>) src(%dma_wait3A_75 : memref<128x16xf32, #tpu.memory_space<vmem>>) dst(%dma_wait3A_81 : memref<640x16xf32, #tpu.memory_space<vmem_shared>>)
      tpu.yield
    }) : () -> ()
    %run_scoped3A_60 = arith.constant 3 : i32
    "tpu.region"() ({
      %run_scoped3A_65 = tpu.sem_alloc : memref<!tpu.dma_semaphore, #tpu.memory_space<semaphore_mem>>
      %dma_start3A = arith.constant 384 : i32
      %dma_start3A_66 = arith.constant 0 : i32
      %dma_start3A_67 = tpu.memref_slice %arg15[%dma_start3A, %dma_start3A_66] : memref<640x16xf32, #tpu.memory_space<vmem>> -> memref<128x16xf32, #tpu.memory_space<vmem>>
      %dma_start3A_68 = arith.constant 0 : i32
      %dma_start3A_69 = tpu.memref_slice %arg16[%run_scoped3A_60, %dma_start3A_68] : memref<5x128xi32, #tpu.memory_space<vmem>> -> memref<1x128xi32, #tpu.memory_space<vmem>>
      %dma_start3A_70 = tpu.memref_squeeze %dma_start3A_69 : memref<1x128xi32, #tpu.memory_space<vmem>> -> memref<128xi32, #tpu.memory_space<vmem>>
      %dma_start3A_71 = arith.constant 0 : i32
      %dma_start3A_72 = arith.constant 0 : i32
      %dma_start3A_73 = tpu.memref_slice %arg18[%dma_start3A_71, %dma_start3A_72] : memref<640x16xf32, #tpu.memory_space<vmem_shared>> -> memref<640x16xf32, #tpu.memory_space<vmem_shared>>
      tpu.enqueue_indirect_dma source(%dma_start3A_67 : memref<128x16xf32, #tpu.memory_space<vmem>>) target(%dma_start3A_73 : memref<640x16xf32, #tpu.memory_space<vmem_shared>>) offsets(%dma_start3A_70 : memref<128xi32, #tpu.memory_space<vmem>>) semaphore(%run_scoped3A_65 : memref<!tpu.dma_semaphore, #tpu.memory_space<semaphore_mem>>) {add = true}
      %dma_wait3A = arith.constant 384 : i32
      %dma_wait3A_74 = arith.constant 0 : i32
      %dma_wait3A_75 = tpu.memref_slice %arg15[%dma_wait3A, %dma_wait3A_74] : memref<640x16xf32, #tpu.memory_space<vmem>> -> memref<128x16xf32, #tpu.memory_space<vmem>>
      %dma_wait3A_76 = arith.constant 0 : i32
      %dma_wait3A_77 = tpu.memref_slice %arg16[%run_scoped3A_60, %dma_wait3A_76] : memref<5x128xi32, #tpu.memory_space<vmem>> -> memref<1x128xi32, #tpu.memory_space<vmem>>
      %dma_wait3A_78 = tpu.memref_squeeze %dma_wait3A_77 : memref<1x128xi32, #tpu.memory_space<vmem>> -> memref<128xi32, #tpu.memory_space<vmem>>
      %dma_wait3A_79 = arith.constant 0 : i32
      %dma_wait3A_80 = arith.constant 0 : i32
      %dma_wait3A_81 = tpu.memref_slice %arg18[%dma_wait3A_79, %dma_wait3A_80] : memref<640x16xf32, #tpu.memory_space<vmem_shared>> -> memref<640x16xf32, #tpu.memory_space<vmem_shared>>
      tpu.wait_indirect_dma semaphore(%run_scoped3A_65 : memref<!tpu.dma_semaphore, #tpu.memory_space<semaphore_mem>>) src(%dma_wait3A_75 : memref<128x16xf32, #tpu.memory_space<vmem>>) dst(%dma_wait3A_81 : memref<640x16xf32, #tpu.memory_space<vmem_shared>>)
      tpu.yield
    }) : () -> ()
    %run_scoped3A_61 = arith.constant 4 : i32
    "tpu.region"() ({
      %run_scoped3A_65 = tpu.sem_alloc : memref<!tpu.dma_semaphore, #tpu.memory_space<semaphore_mem>>
      %dma_start3A = arith.constant 512 : i32
      %dma_start3A_66 = arith.constant 0 : i32
      %dma_start3A_67 = tpu.memref_slice %arg15[%dma_start3A, %dma_start3A_66] : memref<640x16xf32, #tpu.memory_space<vmem>> -> memref<128x16xf32, #tpu.memory_space<vmem>>
      %dma_start3A_68 = arith.constant 0 : i32
      %dma_start3A_69 = tpu.memref_slice %arg16[%run_scoped3A_61, %dma_start3A_68] : memref<5x128xi32, #tpu.memory_space<vmem>> -> memref<1x128xi32, #tpu.memory_space<vmem>>
      %dma_start3A_70 = tpu.memref_squeeze %dma_start3A_69 : memref<1x128xi32, #tpu.memory_space<vmem>> -> memref<128xi32, #tpu.memory_space<vmem>>
      %dma_start3A_71 = arith.constant 0 : i32
      %dma_start3A_72 = arith.constant 0 : i32
      %dma_start3A_73 = tpu.memref_slice %arg18[%dma_start3A_71, %dma_start3A_72] : memref<640x16xf32, #tpu.memory_space<vmem_shared>> -> memref<640x16xf32, #tpu.memory_space<vmem_shared>>
      tpu.enqueue_indirect_dma source(%dma_start3A_67 : memref<128x16xf32, #tpu.memory_space<vmem>>) target(%dma_start3A_73 : memref<640x16xf32, #tpu.memory_space<vmem_shared>>) offsets(%dma_start3A_70 : memref<128xi32, #tpu.memory_space<vmem>>) semaphore(%run_scoped3A_65 : memref<!tpu.dma_semaphore, #tpu.memory_space<semaphore_mem>>) {add = true}
      %dma_wait3A = arith.constant 512 : i32
      %dma_wait3A_74 = arith.constant 0 : i32
      %dma_wait3A_75 = tpu.memref_slice %arg15[%dma_wait3A, %dma_wait3A_74] : memref<640x16xf32, #tpu.memory_space<vmem>> -> memref<128x16xf32, #tpu.memory_space<vmem>>
      %dma_wait3A_76 = arith.constant 0 : i32
      %dma_wait3A_77 = tpu.memref_slice %arg16[%run_scoped3A_61, %dma_wait3A_76] : memref<5x128xi32, #tpu.memory_space<vmem>> -> memref<1x128xi32, #tpu.memory_space<vmem>>
      %dma_wait3A_78 = tpu.memref_squeeze %dma_wait3A_77 : memref<1x128xi32, #tpu.memory_space<vmem>> -> memref<128xi32, #tpu.memory_space<vmem>>
      %dma_wait3A_79 = arith.constant 0 : i32
      %dma_wait3A_80 = arith.constant 0 : i32
      %dma_wait3A_81 = tpu.memref_slice %arg18[%dma_wait3A_79, %dma_wait3A_80] : memref<640x16xf32, #tpu.memory_space<vmem_shared>> -> memref<640x16xf32, #tpu.memory_space<vmem_shared>>
      tpu.wait_indirect_dma semaphore(%run_scoped3A_65 : memref<!tpu.dma_semaphore, #tpu.memory_space<semaphore_mem>>) src(%dma_wait3A_75 : memref<128x16xf32, #tpu.memory_space<vmem>>) dst(%dma_wait3A_81 : memref<640x16xf32, #tpu.memory_space<vmem_shared>>)
      tpu.yield
    }) : () -> ()
    "tpu.region"() ({
      %run_scoped3A_65 = tpu.sem_alloc : memref<!tpu.dma_semaphore, #tpu.memory_space<semaphore_mem>>
      %dma_start3A = arith.constant 0 : i32
      %dma_start3A_66 = tpu.memref_slice %arg6[%add3A, %dma_start3A] : memref<32x10240xi32, #tpu.memory_space<hbm>> -> memref<1x10240xi32, #tpu.memory_space<hbm>>
      %dma_start3A_67 = tpu.memref_squeeze %dma_start3A_66 : memref<1x10240xi32, #tpu.memory_space<hbm>> -> memref<10240xi32, #tpu.memory_space<hbm>>
      %dma_start3A_68 = arith.constant 0 : i32
      %dma_start3A_69 = tpu.memref_slice %arg6[%add3A, %dma_start3A_68] : memref<32x10240xi32, #tpu.memory_space<hbm>> -> memref<1x10240xi32, #tpu.memory_space<hbm>>
      %dma_start3A_70 = tpu.memref_squeeze %dma_start3A_69 : memref<1x10240xi32, #tpu.memory_space<hbm>> -> memref<10240xi32, #tpu.memory_space<hbm>>
      tpu.enqueue_dma source(%arg13 : memref<10240xi32, #tpu.memory_space<vmem>>) target(%dma_start3A_70 : memref<10240xi32, #tpu.memory_space<hbm>>) target_semaphore(%run_scoped3A_65 : memref<!tpu.dma_semaphore, #tpu.memory_space<semaphore_mem>>)
      %dma_wait3A = arith.constant 0 : i32
      %dma_wait3A_71 = tpu.memref_slice %arg6[%add3A, %dma_wait3A] : memref<32x10240xi32, #tpu.memory_space<hbm>> -> memref<1x10240xi32, #tpu.memory_space<hbm>>
      %dma_wait3A_72 = tpu.memref_squeeze %dma_wait3A_71 : memref<1x10240xi32, #tpu.memory_space<hbm>> -> memref<10240xi32, #tpu.memory_space<hbm>>
      %dma_wait3A_73 = arith.constant 0 : i32
      %dma_wait3A_74 = tpu.memref_slice %arg6[%add3A, %dma_wait3A_73] : memref<32x10240xi32, #tpu.memory_space<hbm>> -> memref<1x10240xi32, #tpu.memory_space<hbm>>
      %dma_wait3A_75 = tpu.memref_squeeze %dma_wait3A_74 : memref<1x10240xi32, #tpu.memory_space<hbm>> -> memref<10240xi32, #tpu.memory_space<hbm>>
      tpu.wait_dma2 semaphore(%run_scoped3A_65 : memref<!tpu.dma_semaphore, #tpu.memory_space<semaphore_mem>>) src(%arg13 : memref<10240xi32, #tpu.memory_space<vmem>>) dst(%dma_wait3A_75 : memref<10240xi32, #tpu.memory_space<hbm>>)
      tpu.yield
    }) : () -> ()
    "tpu.region"() ({
      %run_scoped3A_65 = tpu.sem_alloc : memref<!tpu.dma_semaphore, #tpu.memory_space<semaphore_mem>>
      %dma_start3A = arith.constant 0 : i32
      %dma_start3A_66 = tpu.memref_slice %arg7[%add3A, %dma_start3A] : memref<32x10240xi32, #tpu.memory_space<hbm>> -> memref<1x10240xi32, #tpu.memory_space<hbm>>
      %dma_start3A_67 = tpu.memref_squeeze %dma_start3A_66 : memref<1x10240xi32, #tpu.memory_space<hbm>> -> memref<10240xi32, #tpu.memory_space<hbm>>
      %dma_start3A_68 = arith.constant 0 : i32
      %dma_start3A_69 = tpu.memref_slice %arg7[%add3A, %dma_start3A_68] : memref<32x10240xi32, #tpu.memory_space<hbm>> -> memref<1x10240xi32, #tpu.memory_space<hbm>>
      %dma_start3A_70 = tpu.memref_squeeze %dma_start3A_69 : memref<1x10240xi32, #tpu.memory_space<hbm>> -> memref<10240xi32, #tpu.memory_space<hbm>>
      tpu.enqueue_dma source(%arg14 : memref<10240xi32, #tpu.memory_space<vmem>>) target(%dma_start3A_70 : memref<10240xi32, #tpu.memory_space<hbm>>) target_semaphore(%run_scoped3A_65 : memref<!tpu.dma_semaphore, #tpu.memory_space<semaphore_mem>>)
      %dma_wait3A = arith.constant 0 : i32
      %dma_wait3A_71 = tpu.memref_slice %arg7[%add3A, %dma_wait3A] : memref<32x10240xi32, #tpu.memory_space<hbm>> -> memref<1x10240xi32, #tpu.memory_space<hbm>>
      %dma_wait3A_72 = tpu.memref_squeeze %dma_wait3A_71 : memref<1x10240xi32, #tpu.memory_space<hbm>> -> memref<10240xi32, #tpu.memory_space<hbm>>
      %dma_wait3A_73 = arith.constant 0 : i32
      %dma_wait3A_74 = tpu.memref_slice %arg7[%add3A, %dma_wait3A_73] : memref<32x10240xi32, #tpu.memory_space<hbm>> -> memref<1x10240xi32, #tpu.memory_space<hbm>>
      %dma_wait3A_75 = tpu.memref_squeeze %dma_wait3A_74 : memref<1x10240xi32, #tpu.memory_space<hbm>> -> memref<10240xi32, #tpu.memory_space<hbm>>
      tpu.wait_dma2 semaphore(%run_scoped3A_65 : memref<!tpu.dma_semaphore, #tpu.memory_space<semaphore_mem>>) src(%arg14 : memref<10240xi32, #tpu.memory_space<vmem>>) dst(%dma_wait3A_75 : memref<10240xi32, #tpu.memory_space<hbm>>)
      tpu.yield
    }) : () -> ()
    %broadcast_in_dim3A_62 = vector.broadcast %select_n3A_57 : i32 to vector<16xi32>
    %swap3A = arith.constant 0 : index
    %swap3A_63 = tpu.vector_load %arg17[%swap3A] {strides = array<i32>} : memref<16xi32, #tpu.memory_space<vmem>>, vector<16xi32>,
    tpu.vector_store %arg17[%swap3A], %broadcast_in_dim3A_62 {strides = array<i32>} : memref<16xi32, #tpu.memory_space<vmem>>, vector<16xi32>,
    "tpu.region"() ({
      %run_scoped3A_65 = tpu.sem_alloc : memref<!tpu.dma_semaphore, #tpu.memory_space<semaphore_mem>>
      %dma_start3A = arith.constant 0 : i32
      %dma_start3A_66 = tpu.memref_slice %arg8[%add3A, %dma_start3A] : memref<32x16xi32, #tpu.memory_space<hbm>> -> memref<1x16xi32, #tpu.memory_space<hbm>>
      %dma_start3A_67 = tpu.memref_squeeze %dma_start3A_66 : memref<1x16xi32, #tpu.memory_space<hbm>> -> memref<16xi32, #tpu.memory_space<hbm>>
      %dma_start3A_68 = arith.constant 0 : i32
      %dma_start3A_69 = tpu.memref_slice %arg8[%add3A, %dma_start3A_68] : memref<32x16xi32, #tpu.memory_space<hbm>> -> memref<1x16xi32, #tpu.memory_space<hbm>>
      %dma_start3A_70 = tpu.memref_squeeze %dma_start3A_69 : memref<1x16xi32, #tpu.memory_space<hbm>> -> memref<16xi32, #tpu.memory_space<hbm>>
      tpu.enqueue_dma source(%arg17 : memref<16xi32, #tpu.memory_space<vmem>>) target(%dma_start3A_70 : memref<16xi32, #tpu.memory_space<hbm>>) target_semaphore(%run_scoped3A_65 : memref<!tpu.dma_semaphore, #tpu.memory_space<semaphore_mem>>)
      %dma_wait3A = arith.constant 0 : i32
      %dma_wait3A_71 = tpu.memref_slice %arg8[%add3A, %dma_wait3A] : memref<32x16xi32, #tpu.memory_space<hbm>> -> memref<1x16xi32, #tpu.memory_space<hbm>>
      %dma_wait3A_72 = tpu.memref_squeeze %dma_wait3A_71 : memref<1x16xi32, #tpu.memory_space<hbm>> -> memref<16xi32, #tpu.memory_space<hbm>>
      %dma_wait3A_73 = arith.constant 0 : i32
      %dma_wait3A_74 = tpu.memref_slice %arg8[%add3A, %dma_wait3A_73] : memref<32x16xi32, #tpu.memory_space<hbm>> -> memref<1x16xi32, #tpu.memory_space<hbm>>
      %dma_wait3A_75 = tpu.memref_squeeze %dma_wait3A_74 : memref<1x16xi32, #tpu.memory_space<hbm>> -> memref<16xi32, #tpu.memory_space<hbm>>
      tpu.wait_dma2 semaphore(%run_scoped3A_65 : memref<!tpu.dma_semaphore, #tpu.memory_space<semaphore_mem>>) src(%arg17 : memref<16xi32, #tpu.memory_space<vmem>>) dst(%dma_wait3A_75 : memref<16xi32, #tpu.memory_space<hbm>>)
      tpu.yield
    }) : () -> ()
    %barrier3A_64 = arith.constant 0 : index
    tpu.barrier barrier_id(%barrier3A_64)
    "tpu.region"() ({
      %run_scoped3A_65 = tpu.sem_alloc : memref<!tpu.dma_semaphore, #tpu.memory_space<semaphore_mem>>
      %dma_start3A = arith.constant 0 : i32
      %dma_start3A_66 = tpu.memref_slice %arg9[%arg0, %mul3A_10, %dma_start3A] : memref<2x640x16xf32, #tpu.memory_space<hbm>> -> memref<1x40x16xf32, #tpu.memory_space<hbm>>
      %dma_start3A_67 = tpu.memref_squeeze %dma_start3A_66 : memref<1x40x16xf32, #tpu.memory_space<hbm>> -> memref<40x16xf32, #tpu.memory_space<hbm>>
      %dma_start3A_68 = arith.constant 0 : i32
      %dma_start3A_69 = tpu.memref_slice %arg18[%mul3A_10, %dma_start3A_68] : memref<640x16xf32, #tpu.memory_space<vmem_shared>> -> memref<40x16xf32, #tpu.memory_space<vmem_shared>>
      tpu.enqueue_dma source(%dma_start3A_69 : memref<40x16xf32, #tpu.memory_space<vmem_shared>>) target(%dma_start3A_67 : memref<40x16xf32, #tpu.memory_space<hbm>>) target_semaphore(%run_scoped3A_65 : memref<!tpu.dma_semaphore, #tpu.memory_space<semaphore_mem>>)
      %dma_wait3A = arith.constant 0 : i32
      %dma_wait3A_70 = tpu.memref_slice %arg9[%arg0, %mul3A_10, %dma_wait3A] : memref<2x640x16xf32, #tpu.memory_space<hbm>> -> memref<1x40x16xf32, #tpu.memory_space<hbm>>
      %dma_wait3A_71 = tpu.memref_squeeze %dma_wait3A_70 : memref<1x40x16xf32, #tpu.memory_space<hbm>> -> memref<40x16xf32, #tpu.memory_space<hbm>>
      %dma_wait3A_72 = arith.constant 0 : i32
      %dma_wait3A_73 = tpu.memref_slice %arg18[%mul3A_10, %dma_wait3A_72] : memref<640x16xf32, #tpu.memory_space<vmem_shared>> -> memref<40x16xf32, #tpu.memory_space<vmem_shared>>
      tpu.wait_dma2 semaphore(%run_scoped3A_65 : memref<!tpu.dma_semaphore, #tpu.memory_space<semaphore_mem>>) src(%dma_wait3A_73 : memref<40x16xf32, #tpu.memory_space<vmem_shared>>) dst(%dma_wait3A_71 : memref<40x16xf32, #tpu.memory_space<hbm>>)
      tpu.yield
    }) : () -> ()
    return
  }
}

module attributes {stable_mosaic.version = 14 : i64} {
  func.func @_combine_body(%arg0: i32, %arg1: memref<2x2000x128xf32, #tpu.memory_space<vmem>>, %arg2: memref<2x2000x1xf32, #tpu.memory_space<vmem>>, %arg3: memref<2000x128xf32, #tpu.memory_space<vmem>>, %arg4: memref<2000x1xf32, #tpu.memory_space<vmem>>, %arg5: memref<2000x128xf32, #tpu.memory_space<vmem>>, %arg6: memref<128x128xf32, #tpu.memory_space<vmem>>, %arg7: memref<1x128xf32, #tpu.memory_space<vmem>>, %arg8: memref<128x128xf32, #tpu.memory_space<vmem>>, %arg9: memref<10000x1xf32, #tpu.memory_space<vmem>>, %arg10: memref<2000x128xf32, #tpu.memory_space<vmem>>) attributes {dimension_semantics = [#tpu.dimension_semantics<arbitrary>], iteration_bounds = array<i64: 5>, scalar_prefetch = 0 : i64, scratch_operands = 0 : i64, tpu.core_type = #tpu.core_type<tc>, window_params = [{transform_indices = @transform_0, window_bounds = array<i64: 2, 2000, 128>}, {transform_indices = @transform_1, window_bounds = array<i64: 2, 2000, 1>}, {transform_indices = @transform_2, window_bounds = array<i64: 2000, 128>}, {transform_indices = @transform_3, window_bounds = array<i64: 2000, 1>}, {transform_indices = @transform_4, window_bounds = array<i64: 2000, 128>}, {pipeline_mode = #tpu.pipeline_mode<synchronous>, transform_indices = @transform_5, window_bounds = array<i64: 128, 128>}, {pipeline_mode = #tpu.pipeline_mode<synchronous>, transform_indices = @transform_6, window_bounds = array<i64: 1, 128>}, {pipeline_mode = #tpu.pipeline_mode<synchronous>, transform_indices = @transform_7, window_bounds = array<i64: 128, 128>}, {pipeline_mode = #tpu.pipeline_mode<synchronous>, transform_indices = @transform_8, window_bounds = array<i64: 10000, 1>}, {transform_indices = @transform_9, window_bounds = array<i64: 2000, 128>}]} {
    %get3A = arith.constant 0 : index
    %get3A_0 = arith.constant 0 : index
    %get3A_1 = arith.constant 0 : index
    %get3A_2 = vector.load %arg1[%get3A, %get3A_0, %get3A_1] : memref<2x2000x128xf32, #tpu.memory_space<vmem>>, vector<1x2000x128xf32>
    %get3A_3 = vector.shape_cast %get3A_2 : vector<1x2000x128xf32> to vector<2000x128xf32>
    %get3A_4 = arith.constant 1 : index
    %get3A_5 = arith.constant 0 : index
    %get3A_6 = arith.constant 0 : index
    %get3A_7 = vector.load %arg1[%get3A_4, %get3A_5, %get3A_6] : memref<2x2000x128xf32, #tpu.memory_space<vmem>>, vector<1x2000x128xf32>
    %get3A_8 = vector.shape_cast %get3A_7 : vector<1x2000x128xf32> to vector<2000x128xf32>
    %add3A = arith.addf %get3A_3, %get3A_8 : vector<2000x128xf32>
    %get3A_9 = arith.constant 0 : index
    %get3A_10 = arith.constant 0 : index
    %get3A_11 = arith.constant 0 : index
    %get3A_12 = vector.load %arg2[%get3A_9, %get3A_10, %get3A_11] : memref<2x2000x1xf32, #tpu.memory_space<vmem>>, vector<1x2000x1xf32>
    %get3A_13 = vector.shape_cast %get3A_12 : vector<1x2000x1xf32> to vector<2000x1xf32>
    %get3A_14 = arith.constant 1 : index
    %get3A_15 = arith.constant 0 : index
    %get3A_16 = arith.constant 0 : index
    %get3A_17 = vector.load %arg2[%get3A_14, %get3A_15, %get3A_16] : memref<2x2000x1xf32, #tpu.memory_space<vmem>>, vector<1x2000x1xf32>
    %get3A_18 = vector.shape_cast %get3A_17 : vector<1x2000x1xf32> to vector<2000x1xf32>
    %add3A_19 = arith.addf %get3A_13, %get3A_18 : vector<2000x1xf32>
    %max3A = arith.constant 1.000000e+00 : f32
    %max3A_20 = vector.broadcast %max3A : f32 to vector<2000x1xf32>
    %max3A_21 = arith.maximumf %add3A_19, %max3A_20 : vector<2000x1xf32>
    %div3A = vector.broadcast %max3A_21 : vector<2000x1xf32> to vector<2000x128xf32>
    %div3A_22 = arith.divf %add3A, %div3A : vector<2000x128xf32>
    %get3A_23 = arith.constant 0 : index
    %get3A_24 = arith.constant 0 : index
    %get3A_25 = vector.load %arg4[%get3A_23, %get3A_24] : memref<2000x1xf32, #tpu.memory_space<vmem>>, vector<2000x1xf32>
    %get3A_26 = arith.constant 0 : index
    %get3A_27 = arith.constant 0 : index
    %get3A_28 = vector.load %arg3[%get3A_26, %get3A_27] : memref<2000x128xf32, #tpu.memory_space<vmem>>, vector<2000x128xf32>
    %sub3A = arith.constant 1.000000e+00 : f32
    %sub3A_29 = vector.broadcast %sub3A : f32 to vector<2000x1xf32>
    %sub3A_30 = arith.subf %sub3A_29, %get3A_25 : vector<2000x1xf32>
    %mul3A = vector.broadcast %sub3A_30 : vector<2000x1xf32> to vector<2000x128xf32>
    %mul3A_31 = arith.mulf %get3A_28, %mul3A : vector<2000x128xf32>
    %get3A_32 = arith.constant 0 : index
    %get3A_33 = arith.constant 0 : index
    %get3A_34 = vector.load %arg5[%get3A_32, %get3A_33] : memref<2000x128xf32, #tpu.memory_space<vmem>>, vector<2000x128xf32>
    %get3A_35 = arith.constant 0 : index
    %get3A_36 = arith.constant 0 : index
    %get3A_37 = vector.load %arg9[%get3A_35, %get3A_36] : memref<10000x1xf32, #tpu.memory_space<vmem>>, vector<10000x1xf32>
    %reduce_max3A = vector.shape_cast %get3A_37 : vector<10000x1xf32> to vector<1x10000x1xf32>
    %reduce_max3A_38 = arith.constant dense<0xFF800000> : vector<1xf32>
    %reduce_max3A_39 = vector.multi_reduction <maximumf>, %reduce_max3A, %reduce_max3A_38 [1, 2] : vector<1x10000x1xf32> to vector<1xf32>
    %reduce_max3A_40 = vector.shape_cast %reduce_max3A_39 : vector<1xf32> to vector<1x1x1xf32>
    %reduce_max3A_41 = vector.extract %reduce_max3A_40[0, 0, 0] : f32 from vector<1x1x1xf32>
    %gt3A = arith.constant 0.000000e+00 : f32
    %gt3A_42 = arith.cmpf ogt, %reduce_max3A_41, %gt3A : f32
    %abs3A = math.absf %get3A_34 : vector<2000x128xf32>
    %reduce_sum3A = arith.constant dense<0.000000e+00> : vector<2000xf32>
    %reduce_sum3A_43 = vector.multi_reduction <add>, %abs3A, %reduce_sum3A [1] : vector<2000x128xf32> to vector<2000xf32>
    %broadcast_in_dim3A = vector.shape_cast %reduce_sum3A_43 : vector<2000xf32> to vector<2000x1xf32>
    %gt3A_44 = arith.constant 0.000000e+00 : f32
    %gt3A_45 = vector.broadcast %gt3A_44 : f32 to vector<2000x1xf32>
    %gt3A_46 = arith.cmpf ogt, %broadcast_in_dim3A, %gt3A_45 : vector<2000x1xf32>
    %and3A = vector.broadcast %gt3A_42 : i1 to vector<2000x1xi1>
    %and3A_47 = arith.andi %gt3A_46, %and3A : vector<2000x1xi1>
    %broadcast_in_dim3A_48 = vector.shape_cast %and3A_47 : vector<2000x1xi1> to vector<2000x1xi1>
    %broadcast_in_dim3A_49 = vector.broadcast %broadcast_in_dim3A_48 : vector<2000x1xi1> to vector<2000x128xi1>
    %select_n3A = arith.select %broadcast_in_dim3A_49, %get3A_34, %div3A_22 : vector<2000x128xi1>, vector<2000x128xf32>
    %jit3A = arith.constant 0.000000e+00 : f32
    %broadcast_in_dim3A_50 = vector.shape_cast %and3A_47 : vector<2000x1xi1> to vector<2000x1xi1>
    %broadcast_in_dim3A_51 = vector.broadcast %broadcast_in_dim3A_50 : vector<2000x1xi1> to vector<2000x128xi1>
    %broadcast_in_dim3A_52 = vector.broadcast %jit3A : f32 to vector<2000x128xf32>
    %select_n3A_53 = arith.select %broadcast_in_dim3A_51, %broadcast_in_dim3A_52, %mul3A_31 : vector<2000x128xi1>, vector<2000x128xf32>
    %get3A_54 = arith.constant 0 : index
    %get3A_55 = arith.constant 0 : index
    %get3A_56 = vector.load %arg6[%get3A_54, %get3A_55] : memref<128x128xf32, #tpu.memory_space<vmem>>, vector<128x128xf32>
    %dot_general3A = arith.constant dense<0.000000e+00> : vector<2000x128xf32>
    %dot_general3A_57 = tpu.matmul %select_n3A, %get3A_56, %dot_general3A {dimension_numbers = #tpu.dot_dimension_numbers<[1], [0], [0], [1], [0, 0, 1, 1], [], []>, transpose_lhs_hint = false} : vector<2000x128xf32>, vector<128x128xf32>, vector<2000x128xf32> -> vector<2000x128xf32>
    %get3A_58 = arith.constant 0 : index
    %get3A_59 = arith.constant 0 : index
    %get3A_60 = vector.load %arg7[%get3A_58, %get3A_59] : memref<1x128xf32, #tpu.memory_space<vmem>>, vector<1x128xf32>
    %add3A_61 = vector.broadcast %get3A_60 : vector<1x128xf32> to vector<2000x128xf32>
    %add3A_62 = arith.addf %dot_general3A_57, %add3A_61 : vector<2000x128xf32>
    %get3A_63 = arith.constant 0 : index
    %get3A_64 = arith.constant 0 : index
    %get3A_65 = vector.load %arg8[%get3A_63, %get3A_64] : memref<128x128xf32, #tpu.memory_space<vmem>>, vector<128x128xf32>
    %dot_general3A_66 = arith.constant dense<0.000000e+00> : vector<2000x128xf32>
    %dot_general3A_67 = tpu.matmul %select_n3A_53, %get3A_65, %dot_general3A_66 {dimension_numbers = #tpu.dot_dimension_numbers<[1], [0], [0], [1], [0, 0, 1, 1], [], []>, transpose_lhs_hint = false} : vector<2000x128xf32>, vector<128x128xf32>, vector<2000x128xf32> -> vector<2000x128xf32>
    %add3A_68 = arith.addf %add3A_62, %dot_general3A_67 : vector<2000x128xf32>
    %swap3A = arith.constant 0 : index
    %swap3A_69 = arith.constant 0 : index
    %swap3A_70 = vector.load %arg10[%swap3A, %swap3A_69] : memref<2000x128xf32, #tpu.memory_space<vmem>>, vector<2000x128xf32>
    tpu.vector_store %arg10[%swap3A, %swap3A_69], %add3A_68 {strides = array<i32>} : memref<2000x128xf32, #tpu.memory_space<vmem>>, vector<2000x128xf32>,
    return
  }
  func.func @transform_0(%arg0: i32) -> (i32, i32, i32) {
    %c0_i32 = arith.constant 0 : i32
    %c0_i32_0 = arith.constant 0 : i32
    %c0_i32_1 = arith.constant 0 : i32
    return %c0_i32, %arg0, %c0_i32_0 : i32, i32, i32
  }
  func.func @transform_1(%arg0: i32) -> (i32, i32, i32) {
    %c0_i32 = arith.constant 0 : i32
    %c0_i32_0 = arith.constant 0 : i32
    %c0_i32_1 = arith.constant 0 : i32
    return %c0_i32, %arg0, %c0_i32_0 : i32, i32, i32
  }
  func.func @transform_2(%arg0: i32) -> (i32, i32) {
    %c0_i32 = arith.constant 0 : i32
    %c0_i32_0 = arith.constant 0 : i32
    return %arg0, %c0_i32 : i32, i32
  }
  func.func @transform_3(%arg0: i32) -> (i32, i32) {
    %c0_i32 = arith.constant 0 : i32
    %c0_i32_0 = arith.constant 0 : i32
    return %arg0, %c0_i32 : i32, i32
  }
  func.func @transform_4(%arg0: i32) -> (i32, i32) {
    %c0_i32 = arith.constant 0 : i32
    %c0_i32_0 = arith.constant 0 : i32
    return %arg0, %c0_i32 : i32, i32
  }
  func.func @transform_5(%arg0: i32) -> (i32, i32) {
    %c0_i32 = arith.constant 0 : i32
    %c0_i32_0 = arith.constant 0 : i32
    %c0_i32_1 = arith.constant 0 : i32
    return %c0_i32, %c0_i32_0 : i32, i32
  }
  func.func @transform_6(%arg0: i32) -> (i32, i32) {
    %c0_i32 = arith.constant 0 : i32
    %c0_i32_0 = arith.constant 0 : i32
    %c0_i32_1 = arith.constant 0 : i32
    return %c0_i32, %c0_i32_0 : i32, i32
  }
  func.func @transform_7(%arg0: i32) -> (i32, i32) {
    %c0_i32 = arith.constant 0 : i32
    %c0_i32_0 = arith.constant 0 : i32
    %c0_i32_1 = arith.constant 0 : i32
    return %c0_i32, %c0_i32_0 : i32, i32
  }
  func.func @transform_8(%arg0: i32) -> (i32, i32) {
    %c0_i32 = arith.constant 0 : i32
    %c0_i32_0 = arith.constant 0 : i32
    %c0_i32_1 = arith.constant 0 : i32
    return %c0_i32, %c0_i32_0 : i32, i32
  }
  func.func @transform_9(%arg0: i32) -> (i32, i32) {
    %c0_i32 = arith.constant 0 : i32
    %c0_i32_0 = arith.constant 0 : i32
    return %arg0, %c0_i32 : i32, i32
  }
}

</mosaic_0001>

<sc_bundles>
// kernel: kernel.5.cloned.1.call-start
scs
__scs_entry_jumppad:
0x0: {  	(pc) =	sbr.rel $0x88, $3  }
0x1: {  	(tag) =	ssettag $0x0;
	lr =	simm.s32 $0x1  }
0x2: {  	[smem:$0x3F9A] =	sst lr;
	_ =	strace $0xD0000000  }
0x3: {  	_ = 	snop  }
0x4: {  	_ = 	snop  }
0x5: {  	_ = 	snop  }
0x6: {  	_ = 	snop  }
0x7: {  	_ = 	snop  }
__scs_overlays_trampoline_lowered:
0x8: {  	[smem:$0x3FA9] =	sst s0  }
0x9: {  	[smem:$0x3FAA] =	sst s1  }
0xa: {  	[smem:$0x3FAB] =	sst s2  }
0xb: {  	[smem:$0x3FAC] =	sst s3  }
0xc: {  	[smem:$0x3FAD] =	sst s4  }
0xd: {  	[smem:$0x3FAE] =	sst s5  }
0xe: {  	[smem:$0x3FAF] =	sst s6  }
0xf: {  	[smem:$0x3FB0] =	sst s7  }
0x10: {  	[smem:$0x3FB1] =	sst s8  }
0x11: {  	[smem:$0x3FB2] =	sst s9;
	s0 =	simm.s32 @!p0 $0x0  }
0x12: {  	s1 =	sld [smem:$0x3F98];
	s0 =	simm.s32 @p0 $0x1  }
0x13: {  	[smem:$0x3FB3] =	sst s0;
	s0 =	simm.s32 @!p1 $0x0  }
0x14: {  	s2 =	sld [smem:$0x3F97];
	s0 =	simm.s32 @p1 $0x1  }
0x15: {  	[smem:$0x3FB4] =	sst s0;
	s0 =	simm.s32 @!p2 $0x0  }
0x16: {  	s3 =	sld [smem:$0x3FDB];
	s0 =	simm.s32 @p2 $0x1  }
0x17: {  	s4 =	simm.s32 $0x1BF5;
	[smem:$0x3FB6] =	sst s0  }
0x18: {  	s0 =	sld [smem:$0x3F99];
	_ =	swait.ge [sflag:s4], $0x0  }
0x19: {  	s7 =	sld [smem:$0x3F9A]  }
0x1a: {  	s8 =	sadd.s32 $0xFFFFE003, lr  }
0x1b: {  	s9 =	sadd.s32 $0xFFFFFEF7, lr;
	s5 =	simm.s32 $0xFFFFFFFF;
	p2 =	slt.u32 s8, $0xFFFFF086  }
0x1c: {  	p1 =	slt.u32 s9, $0xF7A;
	s5 =	simm.s32 @!p2 $0x0  }
0x1d: {  	s5 =	simm.s32 @p1 $0x1;
	p0 =	seq.s32 s7, s2  }
0x1e: {  	s7 =	smul.u32 @!p0 $0xF7A, s2;
	p2 =	seq.s32 @!p0 s5, $0x0  }
0x1f: {  	s9 =	smul.u32 $0xF7A, s1;
	s8 =	simm.s32 @!p0 $0x1BF5;
	p2 =	por !p2, p0  }
0x20: {  	[sflag:s8] =	ssyncset.s32 @!p0 $0xFFFFF086;
	s6 =	sadd.s32 @!p0 s3, s7;
	s7 =	simm.s32 @!p0 $0x108  }
0x21: {  	s3 =	sadd.s32 s3, s9;
	s6 =	sadd.s32 @!p0 $0x88, s6;
	s7 =	simm.s32 @p2 $0x1082  }
0x22: {  	[simem:s7], [sflag:s8] =	dma.local @!p0 [hbm:s6], $0xF7A  }
0x23: {  	s9 =	sor.u32 $0xD0000000, s2;
	s6 =	simm.s32 $0x108;
	_ =	swait.ge @!p0 [sflag:s8], $0x0  }
0x24: {  	s3 =	sadd.s32 $0x88, s3;
	s6 =	simm.s32 @!p1 $0x1082;
	[sflag:s4] =	ssyncset.s32 $0xFFFFF086  }
0x25: {  	[simem:s6], [sflag:s4] =	dma.local [hbm:s3], $0xF7A  }
0x26: {  	[smem:$0x3F9A] =	sst s1;
	(tag) =	ssettag s2;
	_ =	strace s9  }
0x27: {  	s1 =	sld [smem:$0x3FAA]  }
0x28: {  	s2 =	sld [smem:$0x3FAB]  }
0x29: {  	s4 =	sld [smem:$0x3FAD]  }
0x2a: {  	p0 =	seq.s32 s5, $0x0;
	s5 =	sld [smem:$0x3FAE]  }
0x2b: {  	s6 =	sld [smem:$0x3FAF]  }
0x2c: {  	s7 =	sld [smem:$0x3FB0]  }
0x2d: {  	s3 =	simm.s32 $0x108;
	s8 =	sld [smem:$0x3FB1]  }
0x2e: {  	s3 =	simm.s32 @!p0 $0x1082;
	s9 =	sld [smem:$0x3FB2]  }
0x2f: {  	lr =	sadd.s32 s0, s3;
	s0 =	sld [smem:$0x3FA9]  }
0x30: {  	s3 =	sld [smem:$0x3FAC]  }
0x31: {  	[smem:$0x3FB5] =	sst s10  }
0x32: {  	s10 =	sld [smem:$0x3FB3];
	_ =	sdelay $0x3  }
0x33: {  	p0 =	seq.s32 s10, $0x1;
	s10 =	sld [smem:$0x3FB5];
	_ =	sdelay $0x3  }
0x34: {  	[smem:$0x3FB5] =	sst s10  }
0x35: {  	s10 =	sld [smem:$0x3FB4];
	_ =	sdelay $0x3  }
0x36: {  	p1 =	seq.s32 s10, $0x1;
	s10 =	sld [smem:$0x3FB5];
	_ =	sdelay $0x3  }
0x37: {  	[smem:$0x3FB5] =	sst s10  }
0x38: {  	s10 =	sld [smem:$0x3FB6]  }
0x39: {  	_ = 	snop;
	(pc) =	sbr.ind lr, $3  }
0x3a: {  	_ = 	snop  }
0x3b: {  	_ = 	snop  }
0x3c: {  	p2 =	seq.s32 s10, $0x1;
	s10 =	sld [smem:$0x3FB5]  }
0x3d: {  	_ =	shalt  }
0x3e: {  	_ =	shalt  }
0x3f: {  	_ =	shalt  }
0x40: {  	_ =	shalt  }
0x41: {  	_ =	shalt  }
0x42: {  	_ =	shalt  }
0x43: {  	_ =	shalt  }
0x44: {  	_ =	shalt  }
0x45: {  	_ =	shalt  }
0x46: {  	_ =	shalt  }
0x47: {  	_ =	shalt  }
0x48: {  	_ =	shalt  }
0x49: {  	_ =	shalt  }
0x4a: {  	_ =	shalt  }
0x4b: {  	_ =	shalt  }
0x4c: {  	_ =	shalt  }
0x4d: {  	_ =	shalt  }
0x4e: {  	_ =	shalt  }
0x4f: {  	_ =	shalt  }
0x50: {  	_ =	shalt  }
0x51: {  	_ =	shalt  }
0x52: {  	_ =	shalt  }
0x53: {  	_ =	shalt  }
0x54: {  	_ =	shalt  }
0x55: {  	_ =	shalt  }
0x56: {  	_ =	shalt  }
0x57: {  	_ =	shalt  }
0x58: {  	_ =	shalt  }
0x59: {  	_ =	shalt  }
0x5a: {  	_ =	shalt  }
0x5b: {  	_ =	shalt  }
0x5c: {  	_ =	shalt  }
0x5d: {  	_ =	shalt  }
0x5e: {  	_ =	shalt  }
0x5f: {  	_ =	shalt  }
0x60: {  	_ =	shalt  }
0x61: {  	_ =	shalt  }
0x62: {  	_ =	shalt  }
0x63: {  	_ =	shalt  }
0x64: {  	_ =	shalt  }
0x65: {  	_ =	shalt  }
0x66: {  	_ =	shalt  }
0x67: {  	_ =	shalt  }
0x68: {  	_ =	shalt  }
0x69: {  	_ =	shalt  }
0x6a: {  	_ =	shalt  }
0x6b: {  	_ =	shalt  }
0x6c: {  	_ =	shalt  }
0x6d: {  	_ =	shalt  }
0x6e: {  	_ =	shalt  }
0x6f: {  	_ =	shalt  }
0x70: {  	_ =	shalt  }
0x71: {  	_ =	shalt  }
0x72: {  	_ =	shalt  }
0x73: {  	_ =	shalt  }
0x74: {  	_ =	shalt  }
0x75: {  	_ =	shalt  }
0x76: {  	_ =	shalt  }
0x77: {  	_ =	shalt  }
0x78: {  	_ =	shalt  }
0x79: {  	_ =	shalt  }
0x7a: {  	_ =	shalt  }
0x7b: {  	_ =	shalt  }
0x7c: {  	_ =	shalt  }
0x7d: {  	_ =	shalt  }
0x7e: {  	_ =	shalt  }
0x7f: {  	_ =	shalt  }
0x80: {  	_ =	shalt  }
0x81: {  	_ =	shalt  }
0x82: {  	_ =	shalt  }
0x83: {  	_ =	shalt  }
0x84: {  	_ =	shalt  }
0x85: {  	_ =	shalt  }
0x86: {  	_ =	shalt  }
0x87: {  	_ =	shalt  }
.Lfunc_end0:
.L_simem_size_0:
called_computation_lowered:
.L_overlay_start_0:
0x88: {  	s2 =	sld [smem:$0x3FD9]  }
0x89: {  	s3 =	sld [smem:$0x3FFE];
	_ =	sdelay $0x1  }
0x8a: {  	s1 =	srdreg.scid  }
0x8b: {  	s0 =	sand.u32 $0x1, s1  }
0x8c: {  	s17 =	sshll.u32 s0, $0xA;
	s2 =	sadd.s32 s3, s2  }
0x8d: {  	s2 =	sadd.s32 s2, s17  }
0x8e: {  	[smem:$0x3FC1] =	sst s2  }
0x8f: {  	_ = 	snop  }
0x90: {  	s2 =	sld [smem:$0x3FD0];
	(tm) =	ssettm $0x1  }
0x91: {  	s18 =	sld [smem:$0x3FFB];
	_ =	sdelay $0x3  }
0x92: {  	_ =	strace s18  }
0x93: {  	s3 =	sld [smem:$0x3FFC];
	_ =	sdelay $0x3  }
0x94: {  	_ =	strace s3  }
0x95: {  	s3 =	sld [smem:$0x3FFD];
	_ =	sdelay $0x3  }
0x96: {  	_ =	strace s3  }
0x97: {  	_ =	strace $0x8FFFFFFF  }
0x98: {  	s19 =	sld [smem:$0x3FDB];
	_ =	sdelay $0x1  }
0x99: {  	s4 =	simm.s32 $_scs_section_size  }
0x9a: {  	s5 =	simm.s32 $_size__tile_overlayer_lowered;
	s6 =	simm.s32 $_tile_overlayer_lowered  }
0x9b: {  	s22 =	simm.s32 $0x1BFF;
	s21 =	sshll.u32 s6, $0x1;
	s3 =	sadd.s32 s4, s19  }
0x9c: {  	s7 =	simm.s32 $0x0;
	s20 =	sshll.u32 s5, $0x1;
	s5 =	sadd.s32 s21, s3  }
0x9d: {  	[timem:s7], [sflag:s22] =	dma.local [hbm:s5], s20  }
0x9e: {  	_ =	swait.ge [sflag:s22], s20  }
0x9f: {  	s4 =	ssub.s32 $0x0, s20;
	[sflag:s22] =	ssyncset.done $0x0  }
0xa0: {  	[sflag:s22] =	ssyncadd.s32 s4;
	_ =	sdelay $0x1  }
0xa1: {  	s23 =	simm.s32 $0x1B8B  }
0xa2: {  	_ =	swait.ge [sflag:s23], $0x1  }
0xa3: {  	[sflag:s23] =	ssyncset.done $0x0  }
0xa4: {  	s25 =	simm.s32 $0x1B8E;
	s24 =	sld [smem:$0x3FFE];
	[sflag:s23] =	ssyncadd.s32 $0xFFFFFFFF  }
0xa5: {  	s26 =	simm.s32 $execute0_lowered;
	[smem:$0x3FD2] =	sst s25  }
0xa6: {  	s5 =	sshll.u32 s26, $0x1;
	_ =	strace $0x80000046;
	[dreg:$0x1] =	wrdreg $0xFFFFFFFF  }
0xa7: {  	s28 =	simm.s32 $_size_execute0_lowered;
	s3 =	sadd.s32 s3, s5;
	[dreg:$0x0] =	wrdreg $0x0  }
0xa8: {  	s5 =	sshll.u32 s28, $0x1;
	[dreg:$0x2] =	wrdreg s3  }
0xa9: {  	[dreg:$0x3] =	wrdreg s5  }
0xaa: {  	[dreg:$0x4] =	wrdreg $0xC0  }
0xab: {  	_ =	task [dreg:s7], $0x5FFFF  }
0xac: {  	[dreg:$0x1] =	wrdreg $0xFFFFFFFF  }
0xad: {  	[dreg:$0x0] =	wrdreg $0x60  }
0xae: {  	[dreg:$0x2] =	wrdreg s24  }
0xaf: {  	[dreg:$0x3] =	wrdreg s2  }
0xb0: {  	[dreg:$0x4] =	wrdreg $0xF0A00  }
0xb1: {  	[dreg:$0x5] =	wrdreg $0x9  }
0xb2: {  	_ =	task.clear_ibuf [dreg:s7], $0x6FFFF;
	_ =	strace $0x90000046  }
0xb3: {  	s29 =	simm.s32 $0x9;
	_ =	strace $0x80000048  }
0xb4: {  	_ =	swait.ge [sflag:s29], $0x1  }
0xb5: {  	[sflag:s29] =	ssyncadd.s32 $0xFFFFFFFF  }
0xb6: {  	_ =	strace $0x90000048  }
0xb7: {  	_ =	sfence  }
0xb8: {  	s30 =	sld [smem:$0x0];
	_ =	sdelay $0x2  }
0xb9: {  	s31 =	sshll.u32 s1, $0xD;
	s1 =	sshrl.u32 s1, $0x2  }
0xba: {  	s3 =	sand.u32 $0x4000, s31;
	s1 =	sadd.s32 s1, s30  }
0xbb: {  	s0 =	sor.u32 s3, s0;
	s1 =	sshll.u32 s1, $0x11  }
0xbc: {  	s0 =	sor.u32 s1, s0  }
0xbd: {  	s0 =	sadd.s32 $0x8F2B, s0  }
0xbe: {  	[sflag:s0] =	ssyncadd.remote.s32 $0x1  }
0xbf: {  	_ =	sfence.sel $0xFFFF  }
0xc0: {  	[dreg:$0x0] =	wrdreg $0xFFFFFFFF;
	(pc) =	sbr.abs _section_cstart, $3  }
0xc1: {  	[dreg:$0x1] =	wrdreg $0xFFFFFFFF  }
0xc2: {  	_ =	task.clear_ibuf [dreg:s7], $0x2FFFF;
	_ =	strace $0x9FFFFFFF  }
0xc3: {  	(tm) =	ssettm $0x7FFFFFFF  }
tec
execute0_lowered:
.L_overlay_start_1:
0x0: {  	(tag) =	ssettag $0x1  }
0x1: {  	s1 =	srdreg.scid;
	s6 =	rddreg [dreg:$0x0]  }
0x2: {  	s0 =	stileid.u32;
	s10 =	rddreg [dreg:$0x1]  }
0x3: {  	s3 =	simm.s32 $0x0;
	s16 =	simm.s32 $0xEE10;
	s19 =	simm.s32 $0xC610  }
0x4: {  	s20 =	simm.s32 $0x80;
	s28 =	simm.s32 $0xF010;
	s29 =	simm.s32 $0xE610  }
0x5: {  	s30 =	simm.s32 $0x7610;
	s31 =	simm.s32 $0x9E10;
	s17 =	simm.s32 $0x0  }
0x6: {  	s1 =	sand.u32 $0x1, s1;
	s2 =	sshll.u32 s0, $0x1;
	s9 =	smul.u32 $0x280, s0  }
0x7: {  	[smem:$0x7FF] =	sst s3;
	p0 =	slt.u32 s0, $0x2;
	s7 =	sor.u32 s1, s2  }
0x8: {  	s2 =	rddreg [dreg:$0x2];
	s8 =	smul.u32 $0x2800, s1;
	_ =	strace $0x80000047  }
0x9: {  	s1 =	ssub.s32 $0x2, s1;
	s4 =	smul.u32 $0x4E, s7;
	s5 =	smin.u32 s7, $0x4  }
0xa: {  	s11 =	smul.u32 $0x500, s7;
	s7 =	sshll.u32 s7, $0x1;
	s26 =	sshrl.u32 s1, $0x1  }
0xb: {  	s8 =	sadd.s32 s9, s8;
	s14 =	sadd.s32 s7, s6;
	s1 =	ssub.s32 s1, s26  }
0xc: {  	s9 =	sadd.s32 s9, s2;
	s26 =	simm.s32 $0xDE10;
	s4 =	sadd.s32 s5, s4  }
0xd: {  	s5 =	sadd.s32 $0x2000, s6;
	s13 =	sadd.s32 s11, s6;
	s8 =	sshrl.u32 s8, $0x3  }
0xe: {  	s10 =	sadd.s32 s10, s11;
	s4 =	sshll.u32 s4, $0x4;
	s15 =	sadd.s32 s8, s6  }
0xf: {  	s11 =	sadd.s32 $0x16E00, s13;
	s12 =	sadd.s32 s4, s6;
	s4 =	sadd.s32 $0x15E00, s6  }
0x10: {  	s6 =	simm.s32 $0x4F;
	s13 =	sadd.s32 $0x16400, s15;
	s15 =	simm.s32 $0x1  }
0x11: {  	s6 =	simm.s32 @!p0 $0x4E;
	s7 =	sadd.s32 $0xC000, s12;
	s8 =	sadd.s32 $0x2200, s12  }
0x12: {  	v0 =	vimm.f32 $0.0e+00;
	v1 =	vlaneseq.u32;
	v2 =	vimm.f32 $1.000000000e+00;
	s12 =	sadd.s32 $0x20E00, s14;
	s14 =	smax.u32 s1, $0x1;
	s1 =	simm.s32 $0xF090  }
.LBB2_1:
0x13: {  	[tilespmem:s3], [sflag:$0x1] =	stream.linear.gather [hbm4b:s4+s3], $0x2710, $0x38;
	[tilespmem:$0xF320] =	vst v63  }
0x14: {  	_ =	swait.ge [sflag:s15], $0x2710  }
0x15: {  	[sflag:s15] =	ssyncset.done $0x0  }
0x16: {  	[sflag:s15] =	ssyncadd.s32 $0xFFFFD8F0  }
0x17: {  	[tilespmem:s16], [sflag:$0x1] =	stream.linear.gather [hbm4b:s5+s3], $0x280, $0x38;
	[tilespmem:$0xF320] =	vst v63  }
0x18: {  	_ =	swait.ge [sflag:s15], $0x280  }
0x19: {  	[sflag:s15] =	ssyncset.done $0x0  }
0x1a: {  	s18 =	simm.s32 $0x2710;
	[sflag:s15] =	ssyncadd.s32 $0xFFFFFD80  }
0x1b: {  	[tilespmem:s18], [sflag:$0x1] =	stream.linear.gather [hbm4b:s7+s3], $0x2780, $0x38;
	[tilespmem:$0xF320] =	vst v63  }
0x1c: {  	_ =	swait.ge [sflag:s15], $0x2780  }
0x1d: {  	[sflag:s15] =	ssyncset.done $0x0  }
0x1e: {  	s25 =	simm.s32 $0x4E90;
	[sflag:s15] =	ssyncadd.s32 $0xFFFFD880  }
0x1f: {  	[tilespmem:s25], [sflag:$0x1] =	stream.linear.gather [hbm4b:s8+s3], $0x2780, $0x38;
	[tilespmem:$0xF320] =	vst v63  }
0x20: {  	_ =	swait.ge [sflag:s15], $0x2780  }
0x21: {  	[sflag:s15] =	ssyncset.done $0x0  }
0x22: {  	s21 =	simm.s32 $0x0;
	s18 =	simm.s32 $0x40;
	[sflag:s15] =	ssyncadd.s32 $0xFFFFD880  }
.LBB2_2:
0x23: {  	p0 =	sne.s32 s18, $0x9FC0;
	[tilespmem:s21+$0xC610] =	vst v0;
	s21 =	smov.u32 s18;
	s18 =	sadd.s32 $0x40, s18  }
.Ltmp0:
0x24: {  	(pc) =	sbr.rel @p0 .LBB2_2-.Ltmp0, $2  }
0x25: {  	_ =	sdelay $0x2  }
0x26: {  	s21 =	sshra.s32 s21, $0x2  }
0x27: {  	[tilespmem:s21+$0xC610] =	vst v0  }
0x28: {  	[spmem:s9] =	stream.linear.scatter [tilespmem:s19], [sflag:$0x1], $0x280, $0x38;
	[tilespmem:$0xF320] =	vst v63  }
0x29: {  	s18 =	simm.s32 $0x0;
	_ =	swait.ge [sflag:s15], $0x280  }
0x2a: {  	v3 =	vor.u32 s18, v1;
	[sflag:s15] =	ssyncset.done $0x0  }
0x2b: {  	s18 =	simm.s32 $0x7610;
	v3 =	vand.u32 $0x7F, v3;
	[sflag:s15] =	ssyncadd.s32 $0xFFFFFD80  }
0x2c: {  	s21 =	simm.s32 $0x9E10;
	[tilespmem:s18+$0x0] =	vst v3;
	v3 =	vadd.s32 $0x2710, v3  }
0x2d: {  	s22 =	simm.s32 $0x10;
	[tilespmem:s21+$0x0] =	vst v3  }
.LBB2_4:
0x2e: {  	p0 =	sne.s32 s22, $0x27F0  }
.Ltmp1:
0x2f: {  	_ = 	snop;
	(pc) =	sbr.rel @p0 .LBB2_4-.Ltmp1, $4  }
0x30: {  	v3 =	vor.u32 s22, v1  }
0x31: {  	s18 =	sadd.s32 $0x10, s18;
	v3 =	vand.u32 $0x7F, v3  }
0x32: {  	s21 =	sadd.s32 $0x10, s21;
	[tilespmem:s18+$0x0] =	vst v3;
	v3 =	vadd.s32 $0x2710, v3  }
0x33: {  	s22 =	sadd.s32 $0x10, s22;
	[tilespmem:s21+$0x0] =	vst v3  }
0x34: {  	[bflag:$0x0] =	sbarrier.arrive $0xFFFF;
	s18 =	simm.s32 $0x4ED0  }
0x35: {  	s21 =	simm.s32 $0x2750;
	v3 =	vld [tilespmem:s18+$0xFFFFFFC0]  }
0x36: {  	v4 =	vld [tilespmem:s21+$0xFFFFFFC0];
	_ =	sdelay $0x2  }
0x37: {  	p1 =	sne.s32 s6, $0x1  }
.Ltmp2:
0x38: {  	_ = 	snop;
	(pc) =	sbr.rel @!p1 .LBB2_6-.Ltmp2, $3  }
0x39: {  	_ =	sdelay $0x1  }
0x3a: {  	[tilespmem:v3+s19+$0x0] =	vst.idx.add.f32.msk $0xffff, v2  }
0x3b: {  	s22 =	simm.s32 $0x0;
	s23 =	sadd.s32 $0xFFFFFFFF, s6;
	p0 =	por $0x0, $0x0;
	v5 =	vld.idx.msk [tilespmem:v4+s3+$0x0], $0xffff  }
0x3c: {  	_ =	sdelay $0x3  }
0x3d: {  	vm0 =	veq.s32 v5, $0x0  }
0x3e: {  	[tilespmem:s22+$0x7610] =	vst.msk vm0, v4;
	v4 =	vmpcnt.ones.xlane vm0  }
0x3f: {  	[tilespmem:s22+$0x9E10] =	vst.msk vm0, v3  }
0x40: {  	v3 =	vxor.u32 $0x80000000, v4;
	v4 =	vld [tilespmem:s18+$0xFFFFFFD0]  }
0x41: {  	v5 =	vld [tilespmem:s21+$0xFFFFFFD0];
	(xrf0) =	vmax.scan.msk.u32 $0xffff, v3;
	_ =	sdelay $0x5  }
0x42: {  	v3, _, _ =	vpop (xrf0)  }
0x43: {  	[tilespmem:v4+s19+$0x0] =	vst.idx.add.f32.msk $0xffff, v2;
	(v2sf) =	vpush v3, $0xF  }
0x44: {  	v3 =	vld.idx.msk [tilespmem:v5+s3+$0x0], $0xffff;
	_ =	sdelay $0x4  }
0x45: {  	vm9 =	veq.s32 v3, $0x0  }
0x46: {  	v3 =	vmpcnt.ones.xlane vm9;
	_ =	sdelay $0x1  }
0x47: {  	v3 =	vxor.u32 $0x80000000, v3  }
0x48: {  	(xrf0) =	vmax.scan.msk.u32 $0xffff, v3;
	_ =	sdelay $0x4  }
0x49: {  	s24 =	spop (v2sf)  }
0x4a: {  	s24 =	sadd.s32 $0x0, s24;
	v3, _, _ =	vpop (xrf0)  }
0x4b: {  	s24 =	sadd.s32 $0x80000000, s24;
	(v2sf) =	vpush v3, $0xF  }
0x4c: {  	[tilespmem:s24+$0x7610] =	vst.msk vm9, v5  }
0x4d: {  	[tilespmem:s24+$0x9E10] =	vst.msk vm9, v4  }
0x4e: {  	v3 =	vld [tilespmem:s18+$0xFFFFFFE0]  }
0x4f: {  	v4 =	vld [tilespmem:s21+$0xFFFFFFE0];
	_ =	sdelay $0x6  }
0x50: {  	[tilespmem:v3+s19+$0x0] =	vst.idx.add.f32.msk $0xffff, v2  }
0x51: {  	v5 =	vld.idx.msk [tilespmem:v4+s3+$0x0], $0xffff;
	_ =	sdelay $0x2  }
0x52: {  	s25 =	spop (v2sf)  }
0x53: {  	s24 =	sadd.s32 s25, s24  }
0x54: {  	s24 =	sadd.s32 $0x80000000, s24;
	vm10 =	veq.s32 v5, $0x0  }
0x55: {  	[tilespmem:s24+$0x7610] =	vst.msk vm10, v4;
	v4 =	vmpcnt.ones.xlane vm10  }
0x56: {  	[tilespmem:s24+$0x9E10] =	vst.msk vm10, v3  }
0x57: {  	v3 =	vxor.u32 $0x80000000, v4;
	v4 =	vld [tilespmem:s18+$0xFFFFFFF0]  }
0x58: {  	v5 =	vld [tilespmem:s21+$0xFFFFFFF0];
	(xrf0) =	vmax.scan.msk.u32 $0xffff, v3;
	_ =	sdelay $0x5  }
0x59: {  	v3, _, _ =	vpop (xrf0)  }
0x5a: {  	[tilespmem:v4+s19+$0x0] =	vst.idx.add.f32.msk $0xffff, v2;
	(v2sf) =	vpush v3, $0xF  }
0x5b: {  	v3 =	vld.idx.msk [tilespmem:v5+s3+$0x0], $0xffff;
	_ =	sdelay $0x4  }
0x5c: {  	vm11 =	veq.s32 v3, $0x0  }
0x5d: {  	v3 =	vmpcnt.ones.xlane vm11;
	_ =	sdelay $0x1  }
0x5e: {  	v3 =	vxor.u32 $0x80000000, v3  }
0x5f: {  	(xrf0) =	vmax.scan.msk.u32 $0xffff, v3;
	_ =	sdelay $0x4  }
0x60: {  	s25 =	spop (v2sf)  }
0x61: {  	s24 =	sadd.s32 s25, s24;
	v3, _, _ =	vpop (xrf0)  }
0x62: {  	s24 =	sadd.s32 $0x80000000, s24;
	(v2sf) =	vpush v3, $0xF  }
0x63: {  	[tilespmem:s24+$0x7610] =	vst.msk vm11, v5  }
0x64: {  	[tilespmem:s24+$0x9E10] =	vst.msk vm11, v4  }
0x65: {  	v3 =	vld [tilespmem:s18+$0x0]  }
0x66: {  	v4 =	vld [tilespmem:s21+$0x0];
	_ =	sdelay $0x6  }
0x67: {  	[tilespmem:v3+s19+$0x0] =	vst.idx.add.f32.msk $0xffff, v2  }
0x68: {  	v5 =	vld.idx.msk [tilespmem:v4+s3+$0x0], $0xffff;
	_ =	sdelay $0x2  }
0x69: {  	s25 =	spop (v2sf)  }
0x6a: {  	s24 =	sadd.s32 s25, s24  }
0x6b: {  	s24 =	sadd.s32 $0x80000000, s24;
	vm12 =	veq.s32 v5, $0x0  }
0x6c: {  	[tilespmem:s24+$0x7610] =	vst.msk vm12, v4;
	v4 =	vmpcnt.ones.xlane vm12  }
0x6d: {  	[tilespmem:s24+$0x9E10] =	vst.msk vm12, v3  }
0x6e: {  	v3 =	vxor.u32 $0x80000000, v4;
	v4 =	vld [tilespmem:s18+$0x10]  }
0x6f: {  	v5 =	vld [tilespmem:s21+$0x10];
	(xrf0) =	vmax.scan.msk.u32 $0xffff, v3;
	_ =	sdelay $0x5  }
0x70: {  	v3, _, _ =	vpop (xrf0)  }
0x71: {  	[tilespmem:v4+s19+$0x0] =	vst.idx.add.f32.msk $0xffff, v2;
	(v2sf) =	vpush v3, $0xF  }
0x72: {  	v3 =	vld.idx.msk [tilespmem:v5+s3+$0x0], $0xffff;
	_ =	sdelay $0x4  }
0x73: {  	vm13 =	veq.s32 v3, $0x0  }
0x74: {  	v3 =	vmpcnt.ones.xlane vm13;
	_ =	sdelay $0x1  }
0x75: {  	v3 =	vxor.u32 $0x80000000, v3  }
0x76: {  	(xrf0) =	vmax.scan.msk.u32 $0xffff, v3;
	_ =	sdelay $0x4  }
0x77: {  	s25 =	spop (v2sf)  }
0x78: {  	s24 =	sadd.s32 s25, s24;
	v3, _, _ =	vpop (xrf0)  }
0x79: {  	s24 =	sadd.s32 $0x80000000, s24;
	(v2sf) =	vpush v3, $0xF  }
0x7a: {  	[tilespmem:s24+$0x7610] =	vst.msk vm13, v5  }
0x7b: {  	[tilespmem:s24+$0x9E10] =	vst.msk vm13, v4  }
0x7c: {  	v3 =	vld [tilespmem:s18+$0x20]  }
0x7d: {  	v4 =	vld [tilespmem:s21+$0x20];
	_ =	sdelay $0x6  }
0x7e: {  	[tilespmem:v3+s19+$0x0] =	vst.idx.add.f32.msk $0xffff, v2  }
0x7f: {  	v5 =	vld.idx.msk [tilespmem:v4+s3+$0x0], $0xffff;
	_ =	sdelay $0x2  }
0x80: {  	s25 =	spop (v2sf)  }
0x81: {  	s24 =	sadd.s32 s25, s24  }
0x82: {  	s24 =	sadd.s32 $0x80000000, s24;
	vm14 =	veq.s32 v5, $0x0  }
0x83: {  	[tilespmem:s24+$0x7610] =	vst.msk vm14, v4;
	v5 =	vmpcnt.ones.xlane vm14  }
0x84: {  	[tilespmem:s24+$0x9E10] =	vst.msk vm14, v3  }
0x85: {  	v3 =	vld [tilespmem:s18+$0x30];
	v5 =	vxor.u32 $0x80000000, v5  }
0x86: {  	v4 =	vld [tilespmem:s21+$0x30];
	(xrf0) =	vmax.scan.msk.u32 $0xffff, v5;
	_ =	sdelay $0x5  }
0x87: {  	v6, _, _ =	vpop (xrf0)  }
0x88: {  	[tilespmem:v3+s19+$0x0] =	vst.idx.add.f32.msk $0xffff, v2;
	(v2sf) =	vpush v6, $0xF  }
0x89: {  	v5 =	vld.idx.msk [tilespmem:v4+s3+$0x0], $0xffff;
	_ =	sdelay $0x4  }
0x8a: {  	vm15 =	veq.s32 v5, $0x0  }
0x8b: {  	v5 =	vmpcnt.ones.xlane vm15;
	_ =	sdelay $0x1  }
0x8c: {  	v5 =	vxor.u32 $0x80000000, v5  }
0x8d: {  	(xrf0) =	vmax.scan.msk.u32 $0xffff, v5;
	_ =	sdelay $0x4  }
0x8e: {  	s25 =	spop (v2sf)  }
0x8f: {  	v5, _, _ =	vpop (xrf0);
	s18 =	sadd.s32 s25, s24  }
0x90: {  	(v2sf) =	vpush v5, $0xF;
	s24 =	sadd.s32 $0x80000000, s18  }
0x91: {  	[tilespmem:s24+$0x7610] =	vst.msk vm15, v4  }
0x92: {  	s18 =	simm.s32 $0x4F50;
	[tilespmem:s24+$0x9E10] =	vst.msk vm15, v3  }
0x93: {  	s21 =	simm.s32 $0x27D0;
	v3 =	vld [tilespmem:s18+$0xFFFFFFC0]  }
0x94: {  	v4 =	vld [tilespmem:s21+$0xFFFFFFC0];
	_ =	sdelay $0x6  }
0x95: {  	p1 =	sne.s32 s23, $0x1;
	[tilespmem:v3+s19+$0x0] =	vst.idx.add.f32.msk $0xffff, v2  }
.Ltmp3:
0x96: {  	v5 =	vld.idx.msk [tilespmem:v4+s3+$0x0], $0xffff;
	(pc) =	sbr.rel @!p1 .LBB2_9-.Ltmp3, $3  }
0x97: {  	_ =	sdelay $0x1  }
0x98: {  	s25 =	spop (v2sf)  }
0x99: {  	s23 =	sadd.s32 $0xFFFFFFFF, s23;
	p0 =	por $0x1, $0x1;
	s24 =	sadd.s32 s25, s24  }
.LBB2_8:
0x9a: {  	p1 =	sne.s32 s23, $0x1;
	s23 =	sadd.s32 $0xFFFFFFFF, s23;
	vm0 =	veq.s32 v5, $0x0;
	s24 =	sadd.s32 $0x80000000, s24  }
0x9b: {  	[tilespmem:s24+$0x7610] =	vst.msk vm0, v4;
	v4 =	vmpcnt.ones.xlane vm0  }
0x9c: {  	[tilespmem:s24+$0x9E10] =	vst.msk vm0, v3  }
0x9d: {  	v3 =	vxor.u32 $0x80000000, v4;
	v4 =	vld [tilespmem:s18+$0xFFFFFFD0]  }
0x9e: {  	v5 =	vld [tilespmem:s21+$0xFFFFFFD0];
	(xrf0) =	vmax.scan.msk.u32 $0xffff, v3;
	_ =	sdelay $0x5  }
0x9f: {  	v3, _, _ =	vpop (xrf0)  }
0xa0: {  	[tilespmem:v4+s19+$0x0] =	vst.idx.add.f32.msk $0xffff, v2;
	(v2sf) =	vpush v3, $0xF  }
0xa1: {  	v3 =	vld.idx.msk [tilespmem:v5+s3+$0x0], $0xffff;
	_ =	sdelay $0x5  }
0xa2: {  	vm0 =	veq.s32 v3, $0x0  }
0xa3: {  	v3 =	vmpcnt.ones.xlane vm0;
	_ =	sdelay $0x1  }
0xa4: {  	v3 =	vxor.u32 $0x80000000, v3  }
0xa5: {  	(xrf0) =	vmax.scan.msk.u32 $0xffff, v3;
	_ =	sdelay $0x3  }
0xa6: {  	s25 =	spop (v2sf)  }
0xa7: {  	s24 =	sadd.s32 s25, s24  }
0xa8: {  	s24 =	sadd.s32 $0x80000000, s24;
	v3, _, _ =	vpop (xrf0)  }
0xa9: {  	[tilespmem:s24+$0x7610] =	vst.msk vm0, v5;
	(v2sf) =	vpush v3, $0xF  }
0xaa: {  	[tilespmem:s24+$0x9E10] =	vst.msk vm0, v4  }
0xab: {  	v3 =	vld [tilespmem:s18+$0xFFFFFFE0]  }
0xac: {  	v4 =	vld [tilespmem:s21+$0xFFFFFFE0];
	_ =	sdelay $0x6  }
0xad: {  	[tilespmem:v3+s19+$0x0] =	vst.idx.add.f32.msk $0xffff, v2  }
0xae: {  	v5 =	vld.idx.msk [tilespmem:v4+s3+$0x0], $0xffff;
	_ =	sdelay $0x3  }
0xaf: {  	s25 =	spop (v2sf)  }
0xb0: {  	s24 =	sadd.s32 s25, s24  }
0xb1: {  	vm0 =	veq.s32 v5, $0x0;
	s24 =	sadd.s32 $0x80000000, s24  }
0xb2: {  	[tilespmem:s24+$0x7610] =	vst.msk vm0, v4;
	v4 =	vmpcnt.ones.xlane vm0  }
0xb3: {  	[tilespmem:s24+$0x9E10] =	vst.msk vm0, v3  }
0xb4: {  	v3 =	vxor.u32 $0x80000000, v4;
	v4 =	vld [tilespmem:s18+$0xFFFFFFF0]  }
0xb5: {  	v5 =	vld [tilespmem:s21+$0xFFFFFFF0];
	(xrf0) =	vmax.scan.msk.u32 $0xffff, v3;
	_ =	sdelay $0x5  }
0xb6: {  	v3, _, _ =	vpop (xrf0)  }
0xb7: {  	[tilespmem:v4+s19+$0x0] =	vst.idx.add.f32.msk $0xffff, v2;
	(v2sf) =	vpush v3, $0xF  }
0xb8: {  	v3 =	vld.idx.msk [tilespmem:v5+s3+$0x0], $0xffff;
	_ =	sdelay $0x5  }
0xb9: {  	vm0 =	veq.s32 v3, $0x0  }
0xba: {  	v3 =	vmpcnt.ones.xlane vm0;
	_ =	sdelay $0x1  }
0xbb: {  	v3 =	vxor.u32 $0x80000000, v3  }
0xbc: {  	(xrf0) =	vmax.scan.msk.u32 $0xffff, v3;
	_ =	sdelay $0x3  }
0xbd: {  	s25 =	spop (v2sf)  }
0xbe: {  	s24 =	sadd.s32 s25, s24  }
0xbf: {  	s24 =	sadd.s32 $0x80000000, s24;
	v3, _, _ =	vpop (xrf0)  }
0xc0: {  	[tilespmem:s24+$0x7610] =	vst.msk vm0, v5;
	(v2sf) =	vpush v3, $0xF  }
0xc1: {  	[tilespmem:s24+$0x9E10] =	vst.msk vm0, v4  }
0xc2: {  	v3 =	vld [tilespmem:s18+$0x0]  }
0xc3: {  	v4 =	vld [tilespmem:s21+$0x0];
	_ =	sdelay $0x6  }
0xc4: {  	[tilespmem:v3+s19+$0x0] =	vst.idx.add.f32.msk $0xffff, v2  }
0xc5: {  	v5 =	vld.idx.msk [tilespmem:v4+s3+$0x0], $0xffff;
	_ =	sdelay $0x3  }
0xc6: {  	s25 =	spop (v2sf)  }
0xc7: {  	s24 =	sadd.s32 s25, s24  }
0xc8: {  	vm0 =	veq.s32 v5, $0x0;
	s24 =	sadd.s32 $0x80000000, s24  }
0xc9: {  	[tilespmem:s24+$0x7610] =	vst.msk vm0, v4;
	v4 =	vmpcnt.ones.xlane vm0  }
0xca: {  	[tilespmem:s24+$0x9E10] =	vst.msk vm0, v3  }
0xcb: {  	v3 =	vxor.u32 $0x80000000, v4;
	v4 =	vld [tilespmem:s18+$0x10]  }
0xcc: {  	v5 =	vld [tilespmem:s21+$0x10];
	(xrf0) =	vmax.scan.msk.u32 $0xffff, v3;
	_ =	sdelay $0x5  }
0xcd: {  	v3, _, _ =	vpop (xrf0)  }
0xce: {  	[tilespmem:v4+s19+$0x0] =	vst.idx.add.f32.msk $0xffff, v2;
	(v2sf) =	vpush v3, $0xF  }
0xcf: {  	v3 =	vld.idx.msk [tilespmem:v5+s3+$0x0], $0xffff;
	_ =	sdelay $0x5  }
0xd0: {  	vm0 =	veq.s32 v3, $0x0  }
0xd1: {  	v3 =	vmpcnt.ones.xlane vm0;
	_ =	sdelay $0x1  }
0xd2: {  	v3 =	vxor.u32 $0x80000000, v3  }
0xd3: {  	(xrf0) =	vmax.scan.msk.u32 $0xffff, v3;
	_ =	sdelay $0x3  }
0xd4: {  	s25 =	spop (v2sf)  }
0xd5: {  	s24 =	sadd.s32 s25, s24  }
0xd6: {  	s24 =	sadd.s32 $0x80000000, s24;
	v3, _, _ =	vpop (xrf0)  }
0xd7: {  	[tilespmem:s24+$0x7610] =	vst.msk vm0, v5;
	(v2sf) =	vpush v3, $0xF  }
0xd8: {  	[tilespmem:s24+$0x9E10] =	vst.msk vm0, v4  }
0xd9: {  	v3 =	vld [tilespmem:s18+$0x20]  }
0xda: {  	v4 =	vld [tilespmem:s21+$0x20];
	_ =	sdelay $0x6  }
0xdb: {  	[tilespmem:v3+s19+$0x0] =	vst.idx.add.f32.msk $0xffff, v2  }
0xdc: {  	v5 =	vld.idx.msk [tilespmem:v4+s3+$0x0], $0xffff;
	_ =	sdelay $0x3  }
0xdd: {  	s25 =	spop (v2sf)  }
0xde: {  	s24 =	sadd.s32 s25, s24  }
0xdf: {  	vm0 =	veq.s32 v5, $0x0;
	s24 =	sadd.s32 $0x80000000, s24  }
0xe0: {  	[tilespmem:s24+$0x7610] =	vst.msk vm0, v4;
	v4 =	vmpcnt.ones.xlane vm0  }
0xe1: {  	[tilespmem:s24+$0x9E10] =	vst.msk vm0, v3  }
0xe2: {  	v3 =	vxor.u32 $0x80000000, v4;
	v4 =	vld [tilespmem:s18+$0x30]  }
0xe3: {  	v5 =	vld [tilespmem:s21+$0x30];
	(xrf0) =	vmax.scan.msk.u32 $0xffff, v3;
	_ =	sdelay $0x5  }
0xe4: {  	v3, _, _ =	vpop (xrf0)  }
0xe5: {  	[tilespmem:v4+s19+$0x0] =	vst.idx.add.f32.msk $0xffff, v2;
	(v2sf) =	vpush v3, $0xF  }
0xe6: {  	v3 =	vld.idx.msk [tilespmem:v5+s3+$0x0], $0xffff;
	_ =	sdelay $0x5  }
0xe7: {  	vm0 =	veq.s32 v3, $0x0  }
0xe8: {  	v3 =	vmpcnt.ones.xlane vm0;
	_ =	sdelay $0x1  }
0xe9: {  	v3 =	vxor.u32 $0x80000000, v3  }
0xea: {  	(xrf0) =	vmax.scan.msk.u32 $0xffff, v3;
	_ =	sdelay $0x3  }
0xeb: {  	s25 =	spop (v2sf)  }
0xec: {  	s24 =	sadd.s32 s25, s24  }
0xed: {  	s24 =	sadd.s32 $0x80000000, s24;
	v3, _, _ =	vpop (xrf0)  }
0xee: {  	[tilespmem:s24+$0x7610] =	vst.msk vm0, v5;
	(v2sf) =	vpush v3, $0xF  }
0xef: {  	s18 =	sadd.s32 $0x80, s18;
	[tilespmem:s24+$0x9E10] =	vst.msk vm0, v4  }
0xf0: {  	s21 =	sadd.s32 $0x80, s21;
	v3 =	vld [tilespmem:s18+$0xFFFFFFC0]  }
0xf1: {  	v4 =	vld [tilespmem:s21+$0xFFFFFFC0];
	_ =	sdelay $0x6  }
0xf2: {  	[tilespmem:v3+s19+$0x0] =	vst.idx.add.f32.msk $0xffff, v2  }
0xf3: {  	v5 =	vld.idx.msk [tilespmem:v4+s3+$0x0], $0xffff  }
.Ltmp4:
0xf4: {  	(pc) =	sbr.rel @p1 .LBB2_8-.Ltmp4, $3  }
0xf5: {  	_ =	sdelay $0x1  }
0xf6: {  	s25 =	spop (v2sf)  }
0xf7: {  	s24 =	sadd.s32 s25, s24  }
.LBB2_9:
0xf8: {  	s23 =	sadd.s32 @p0 $0x80000000, s24  }
0xf9: {  	vm0 =	veq.s32 v5, $0x0;
	s22 =	smov.u32 @p0 s23  }
0xfa: {  	v52 =	vmpcnt.ones.xlane vm0;
	[tilespmem:s22+$0x7610] =	vst.msk vm0, v4  }
0xfb: {  	[tilespmem:s22+$0x9E10] =	vst.msk vm0, v3  }
0xfc: {  	v3 =	vxor.u32 $0x80000000, v52;
	v53 =	vld [tilespmem:s18+$0xFFFFFFD0]  }
0xfd: {  	v54 =	vld [tilespmem:s21+$0xFFFFFFD0];
	(xrf0) =	vmax.scan.msk.u32 $0xffff, v3;
	_ =	sdelay $0x5  }
0xfe: {  	v3, _, _ =	vpop (xrf0)  }
0xff: {  	(v2sf) =	vpush v3, $0xF;
	[tilespmem:v53+s19+$0x0] =	vst.idx.add.f32.msk $0xffff, v2  }
0x100: {  	v3 =	vld.idx.msk [tilespmem:v54+s3+$0x0], $0xffff;
	_ =	sdelay $0x4  }
0x101: {  	vm9 =	veq.s32 v3, $0x0  }
0x102: {  	v3 =	vmpcnt.ones.xlane vm9;
	_ =	sdelay $0x1  }
0x103: {  	v3 =	vxor.u32 $0x80000000, v3  }
0x104: {  	(xrf0) =	vmax.scan.msk.u32 $0xffff, v3;
	_ =	sdelay $0x4  }
0x105: {  	s24 =	spop (v2sf)  }
0x106: {  	s22 =	sadd.s32 s24, s22;
	v3, _, _ =	vpop (xrf0)  }
0x107: {  	s22 =	sadd.s32 $0x80000000, s22;
	(v2sf) =	vpush v3, $0xF  }
0x108: {  	[tilespmem:s22+$0x7610] =	vst.msk vm9, v54  }
0x109: {  	[tilespmem:s22+$0x9E10] =	vst.msk vm9, v53  }
0x10a: {  	v3 =	vld [tilespmem:s18+$0xFFFFFFE0]  }
0x10b: {  	v4 =	vld [tilespmem:s21+$0xFFFFFFE0];
	_ =	sdelay $0x6  }
0x10c: {  	[tilespmem:v3+s19+$0x0] =	vst.idx.add.f32.msk $0xffff, v2  }
0x10d: {  	v5 =	vld.idx.msk [tilespmem:v4+s3+$0x0], $0xffff;
	_ =	sdelay $0x2  }
0x10e: {  	s25 =	spop (v2sf)  }
0x10f: {  	s22 =	sadd.s32 s25, s22  }
0x110: {  	vm10 =	veq.s32 v5, $0x0;
	s22 =	sadd.s32 $0x80000000, s22  }
0x111: {  	v55 =	vmpcnt.ones.xlane vm10;
	[tilespmem:s22+$0x7610] =	vst.msk vm10, v4  }
0x112: {  	[tilespmem:s22+$0x9E10] =	vst.msk vm10, v3  }
0x113: {  	v3 =	vxor.u32 $0x80000000, v55;
	v56 =	vld [tilespmem:s18+$0xFFFFFFF0]  }
0x114: {  	v57 =	vld [tilespmem:s21+$0xFFFFFFF0];
	(xrf0) =	vmax.scan.msk.u32 $0xffff, v3;
	_ =	sdelay $0x5  }
0x115: {  	v3, _, _ =	vpop (xrf0)  }
0x116: {  	(v2sf) =	vpush v3, $0xF;
	[tilespmem:v56+s19+$0x0] =	vst.idx.add.f32.msk $0xffff, v2  }
0x117: {  	v3 =	vld.idx.msk [tilespmem:v57+s3+$0x0], $0xffff;
	_ =	sdelay $0x4  }
0x118: {  	vm11 =	veq.s32 v3, $0x0  }
0x119: {  	v3 =	vmpcnt.ones.xlane vm11;
	_ =	sdelay $0x1  }
0x11a: {  	v3 =	vxor.u32 $0x80000000, v3  }
0x11b: {  	(xrf0) =	vmax.scan.msk.u32 $0xffff, v3;
	_ =	sdelay $0x4  }
0x11c: {  	s24 =	spop (v2sf)  }
0x11d: {  	s22 =	sadd.s32 s24, s22;
	v3, _, _ =	vpop (xrf0)  }
0x11e: {  	s22 =	sadd.s32 $0x80000000, s22;
	(v2sf) =	vpush v3, $0xF  }
0x11f: {  	[tilespmem:s22+$0x7610] =	vst.msk vm11, v57  }
0x120: {  	[tilespmem:s22+$0x9E10] =	vst.msk vm11, v56  }
0x121: {  	v3 =	vld [tilespmem:s18+$0x0]  }
0x122: {  	v4 =	vld [tilespmem:s21+$0x0];
	_ =	sdelay $0x6  }
0x123: {  	[tilespmem:v3+s19+$0x0] =	vst.idx.add.f32.msk $0xffff, v2  }
0x124: {  	v5 =	vld.idx.msk [tilespmem:v4+s3+$0x0], $0xffff;
	_ =	sdelay $0x2  }
0x125: {  	s25 =	spop (v2sf)  }
0x126: {  	s22 =	sadd.s32 s25, s22  }
0x127: {  	vm12 =	veq.s32 v5, $0x0;
	s22 =	sadd.s32 $0x80000000, s22  }
0x128: {  	v58 =	vmpcnt.ones.xlane vm12;
	[tilespmem:s22+$0x7610] =	vst.msk vm12, v4  }
0x129: {  	[tilespmem:s22+$0x9E10] =	vst.msk vm12, v3  }
0x12a: {  	v3 =	vxor.u32 $0x80000000, v58;
	v59 =	vld [tilespmem:s18+$0x10]  }
0x12b: {  	v60 =	vld [tilespmem:s21+$0x10];
	(xrf0) =	vmax.scan.msk.u32 $0xffff, v3;
	_ =	sdelay $0x5  }
0x12c: {  	v3, _, _ =	vpop (xrf0)  }
0x12d: {  	(v2sf) =	vpush v3, $0xF;
	[tilespmem:v59+s19+$0x0] =	vst.idx.add.f32.msk $0xffff, v2  }
0x12e: {  	v3 =	vld.idx.msk [tilespmem:v60+s3+$0x0], $0xffff;
	_ =	sdelay $0x4  }
0x12f: {  	vm13 =	veq.s32 v3, $0x0  }
0x130: {  	v3 =	vmpcnt.ones.xlane vm13;
	_ =	sdelay $0x1  }
0x131: {  	v3 =	vxor.u32 $0x80000000, v3  }
0x132: {  	(xrf0) =	vmax.scan.msk.u32 $0xffff, v3;
	_ =	sdelay $0x4  }
0x133: {  	s24 =	spop (v2sf)  }
0x134: {  	s22 =	sadd.s32 s24, s22;
	v3, _, _ =	vpop (xrf0)  }
0x135: {  	s22 =	sadd.s32 $0x80000000, s22;
	(v2sf) =	vpush v3, $0xF  }
0x136: {  	[tilespmem:s22+$0x7610] =	vst.msk vm13, v60  }
0x137: {  	[tilespmem:s22+$0x9E10] =	vst.msk vm13, v59  }
0x138: {  	v3 =	vld [tilespmem:s18+$0x20]  }
0x139: {  	v4 =	vld [tilespmem:s21+$0x20];
	_ =	sdelay $0x6  }
0x13a: {  	[tilespmem:v3+s19+$0x0] =	vst.idx.add.f32.msk $0xffff, v2  }
0x13b: {  	v5 =	vld.idx.msk [tilespmem:v4+s3+$0x0], $0xffff;
	_ =	sdelay $0x2  }
0x13c: {  	s25 =	spop (v2sf)  }
0x13d: {  	s22 =	sadd.s32 s25, s22  }
0x13e: {  	vm14 =	veq.s32 v5, $0x0;
	s22 =	sadd.s32 $0x80000000, s22  }
0x13f: {  	[tilespmem:s22+$0x7610] =	vst.msk vm14, v4  }
0x140: {  	[tilespmem:s22+$0x9E10] =	vst.msk vm14, v3  }
0x141: {  	v3 =	vld [tilespmem:s18+$0x30]  }
0x142: {  	v4 =	vld [tilespmem:s21+$0x30];
	_ =	sdelay $0x6  }
0x143: {  	[tilespmem:v3+s19+$0x0] =	vst.idx.add.f32.msk $0xffff, v2  }
0x144: {  	v6 =	vmpcnt.ones.xlane vm14;
	v61 =	vld.idx.msk [tilespmem:v4+s3+$0x0], $0xffff;
	_ =	sdelay $0x1  }
0x145: {  	v6 =	vxor.u32 $0x80000000, v6  }
0x146: {  	(xrf0) =	vmax.scan.msk.u32 $0xffff, v6;
	_ =	sdelay $0x1  }
0x147: {  	vm15 =	veq.s32 v61, $0x0  }
0x148: {  	v5 =	vmpcnt.ones.xlane vm15;
	_ =	sdelay $0x1  }
0x149: {  	v5 =	vxor.u32 $0x80000000, v5  }
0x14a: {  	v62, _, _ =	vpop (xrf0);
	(xrf0) =	vmax.scan.msk.u32 $0xffff, v5  }
0x14b: {  	(v2sf) =	vpush v62, $0xF;
	_ =	sdelay $0x4  }
0x14c: {  	v63, _, _ =	vpop (xrf0)  }
0x14d: {  	(v2sf) =	vpush v63, $0xF;
	_ =	sdelay $0x8  }
0x14e: {  	s23 =	spop (v2sf)  }
0x14f: {  	s18 =	sadd.s32 s23, s22  }
0x150: {  	s18 =	sadd.s32 $0x80000000, s18  }
0x151: {  	[tilespmem:s18+$0x7610] =	vst.msk vm15, v4  }
0x152: {  	[tilespmem:s18+$0x9E10] =	vst.msk vm15, v3  }
0x153: {  	[spmem:s2] =	stream.indirect.scatter.add.f32 [tilespmem:s19], [sflag:$0x1], $0x10, s16, s20, $0xb8;
	[tilespmem:$0xF320] =	vst v63  }
0x154: {  	s21 =	spop (v2sf)  }
0x155: {  	_ =	swait.ge [sflag:s15], $0x800  }
0x156: {  	[sflag:s15] =	ssyncset.done $0x0  }
0x157: {  	s24 =	simm.s32 $0xEE90;
	s25 =	simm.s32 $0xCE10;
	[sflag:s15] =	ssyncadd.s32 $0xFFFFF800  }
0x158: {  	[spmem:s2] =	stream.indirect.scatter.add.f32 [tilespmem:s25], [sflag:$0x1], $0x10, s24, s20, $0xb8;
	[tilespmem:$0xF320] =	vst v63  }
0x159: {  	_ =	swait.ge [sflag:s15], $0x800  }
0x15a: {  	[sflag:s15] =	ssyncset.done $0x0  }
0x15b: {  	s23 =	simm.s32 $0xEF10;
	s24 =	simm.s32 $0xD610;
	[sflag:s15] =	ssyncadd.s32 $0xFFFFF800  }
0x15c: {  	[spmem:s2] =	stream.indirect.scatter.add.f32 [tilespmem:s24], [sflag:$0x1], $0x10, s23, s20, $0xb8;
	[tilespmem:$0xF320] =	vst v63  }
0x15d: {  	_ =	swait.ge [sflag:s15], $0x800  }
0x15e: {  	[sflag:s15] =	ssyncset.done $0x0  }
0x15f: {  	s25 =	simm.s32 $0xEF90;
	[sflag:s15] =	ssyncadd.s32 $0xFFFFF800  }
0x160: {  	[spmem:s2] =	stream.indirect.scatter.add.f32 [tilespmem:s26], [sflag:$0x1], $0x10, s25, s20, $0xb8;
	[tilespmem:$0xF320] =	vst v63  }
0x161: {  	_ =	swait.ge [sflag:s15], $0x800  }
0x162: {  	s18 =	sadd.s32 s21, s18;
	[sflag:s15] =	ssyncset.done $0x0  }
0x163: {  	s18 =	sadd.s32 $0x80000000, s18;
	[sflag:s15] =	ssyncadd.s32 $0xFFFFF800  }
0x164: {  	[spmem:s2] =	stream.indirect.scatter.add.f32 [tilespmem:s29], [sflag:$0x1], $0x10, s28, s20, $0xb8;
	[tilespmem:$0xF320] =	vst v63  }
0x165: {  	s18 =	sadd.s32 $0x1FF, s18;
	_ =	swait.ge [sflag:s15], $0x800  }
0x166: {  	s22 =	sand.u32 $0x1FF, s18;
	[sflag:s15] =	ssyncset.done $0x0  }
0x167: {  	p1 =	slt.s32 s18, $0x1;
	p6 =	sne.s32 s22, $0x0;
	[sflag:s15] =	ssyncadd.s32 $0xFFFFF800  }
0x168: {  	[hbm4b:s10+s3] =	stream.linear.scatter [tilespmem:s30], [sflag:$0x1], $0x2800, $0x38;
	[tilespmem:$0xF320] =	vst v63  }
0x169: {  	p0 =	por !p1, !p6;
	s23 =	sshra.s32 s18, $0x1F;
	_ =	swait.ge [sflag:s15], $0x2800  }
0x16a: {  	p0 =	por !p0, !p0;
	s21 =	sshrl.u32 s23, $0x17;
	[sflag:s15] =	ssyncset.done $0x0  }
0x16b: {  	s18 =	sadd.s32 s21, s18;
	s21 =	simm.s32 $0x1;
	[sflag:s15] =	ssyncadd.s32 $0xFFFFD800  }
0x16c: {  	[hbm4b:s11+s3] =	stream.linear.scatter [tilespmem:s31], [sflag:$0x1], $0x2800, $0x38;
	[tilespmem:$0xF320] =	vst v63  }
0x16d: {  	s18 =	sshra.s32 s18, $0x9;
	s21 =	simm.s32 @!p0 $0x0;
	_ =	swait.ge [sflag:s15], $0x2800  }
0x16e: {  	s18 =	ssub.s32 s18, s21;
	[sflag:s15] =	ssyncset.done $0x0  }
0x16f: {  	v3 =	vmov s18;
	[sflag:s15] =	ssyncadd.s32 $0xFFFFD800  }
0x170: {  	[tilespmem:$0xF090] =	vst v3  }
0x171: {  	[hbm4b:s12+s3] =	stream.linear.scatter [tilespmem:s1], [sflag:$0x1], $0x10, $0x38;
	[tilespmem:$0xF320] =	vst v63  }
0x172: {  	_ =	swait.ge [sflag:s15], $0x10  }
0x173: {  	s17 =	sadd.s32 $0x1, s17;
	[sflag:s15] =	ssyncset.done $0x0  }
0x174: {  	s24 =	sshll.u32 s0, $0x6;
	p0 =	sne.s32 s17, s14;
	[sflag:s15] =	ssyncadd.s32 $0xFFFFFFF0  }
0x175: {  	s25 =	sshrl.u32 s9, $0x3;
	s18 =	sor.u32 $0x1C01, s24;
	[bflag:$0x0] =	sbarrier.arrive $0xFFFF  }
0x176: {  	[hbm:s13], [sflag:s18] =	dma.local [spmem:s25], $0x50  }
.Ltmp5:
0x177: {  	_ = 	snop;
	(pc) =	sbr.rel @p0 .LBB2_1-.Ltmp5, $4  }
.Ltmp6:
0x178: {  	_ = 	snop;
	(pc) =	sbr.rel @!p0 .LBB2_10-.Ltmp6, $4  }
0x179: {  	_ =	swait.ge [sflag:s15], $0x50  }
0x17a: {  	[sflag:s15] =	ssyncset.done $0x0  }
0x17b: {  	[sflag:s15] =	ssyncadd.s32 $0xFFFFFFB0  }
0x17c: {  	_ = 	snop  }
.LBB2_6:
.Ltmp7:
0x17d: {  	(pc) =	sbr.rel .LBB2_9-.Ltmp7, $2  }
0x17e: {  	_ =	sdelay $0x2  }
0x17f: {  	_ = 	snop  }
.LBB2_10:
0x180: {  	_ =	sfence.sel $0x180000  }
0x181: {  	[bflag:$0x0] =	sbarrier.arrive $0xFFFF  }
0x182: {  	_ =	strace $0x90000047  }
0x183: {  	[bflag:$0x2] =	sbarrier.arrive $0xFFFF  }
0x184: {  	p0 =	sne.s32 s0, $0x0;
	s0 =	rddreg [dreg:$0x3]  }
0x185: {  	s0 =	sadd.s32 @!p0 $0x100000, s0  }
0x186: {  	[sflag:s0] =	ssyncadd.tile.s32 @!p0 $0x1;
	_ =	shalt  }
.Lfunc_end2:
_tile_overlayer_lowered:
.L_overlay_start_2:
0x187: {  	(tag) =	ssettag $0x2  }
0x188: {  	s0 =	rddreg [dreg:$0x0];
	s2 =	stileid.u32  }
0x189: {  	s1 =	rddreg [dreg:$0x1];
	p0 =	sne.s32 s2, $0x0  }
0x18a: {  	s3 =	rddreg [dreg:$0x2];
	[bflag:$0x3] =	sbarrier.arrive $0xFFFF;
	s2 =	simm.s32 @!p0 $0x1C01  }
0x18b: {  	[timem:s3], [sflag:s2] =	dma.local @!p0 [hbm:s0], s1  }
0x18c: {  	s0 =	simm.s32 @!p0 $0x1  }
0x18d: {  	_ =	swait.ge @!p0 [sflag:s0], s1  }
0x18e: {  	s1 =	ssub.s32 @!p0 $0x0, s1;
	[sflag:s0] =	ssyncset.done @!p0 $0x0  }
0x18f: {  	[sflag:s0] =	ssyncadd.s32 @!p0 s1  }
0x190: {  	[bflag:$0x3] =	sbarrier.arrive $0xFFFF  }
0x191: {  	_ =	shalt  }

// kernel: kernel.8.cloned.1.call-start
scs
__scs_entry_jumppad:
0x0: {  	(pc) =	sbr.rel $0x88, $3  }
0x1: {  	(tag) =	ssettag $0x0;
	lr =	simm.s32 $0x1  }
0x2: {  	[smem:$0x3F9A] =	sst lr;
	_ =	strace $0xD0000000  }
0x3: {  	_ = 	snop  }
0x4: {  	_ = 	snop  }
0x5: {  	_ = 	snop  }
0x6: {  	_ = 	snop  }
0x7: {  	_ = 	snop  }
__scs_overlays_trampoline_lowered:
0x8: {  	[smem:$0x3FA9] =	sst s0  }
0x9: {  	[smem:$0x3FAA] =	sst s1  }
0xa: {  	[smem:$0x3FAB] =	sst s2  }
0xb: {  	[smem:$0x3FAC] =	sst s3  }
0xc: {  	[smem:$0x3FAD] =	sst s4  }
0xd: {  	[smem:$0x3FAE] =	sst s5  }
0xe: {  	[smem:$0x3FAF] =	sst s6  }
0xf: {  	[smem:$0x3FB0] =	sst s7  }
0x10: {  	[smem:$0x3FB1] =	sst s8  }
0x11: {  	[smem:$0x3FB2] =	sst s9;
	s0 =	simm.s32 @!p0 $0x0  }
0x12: {  	s1 =	sld [smem:$0x3F98];
	s0 =	simm.s32 @p0 $0x1  }
0x13: {  	[smem:$0x3FB3] =	sst s0;
	s0 =	simm.s32 @!p1 $0x0  }
0x14: {  	s2 =	sld [smem:$0x3F97];
	s0 =	simm.s32 @p1 $0x1  }
0x15: {  	[smem:$0x3FB4] =	sst s0;
	s0 =	simm.s32 @!p2 $0x0  }
0x16: {  	s3 =	sld [smem:$0x3FDB];
	s0 =	simm.s32 @p2 $0x1  }
0x17: {  	s4 =	simm.s32 $0x1BF5;
	[smem:$0x3FB6] =	sst s0  }
0x18: {  	s0 =	sld [smem:$0x3F99];
	_ =	swait.ge [sflag:s4], $0x0  }
0x19: {  	s7 =	sld [smem:$0x3F9A]  }
0x1a: {  	s8 =	sadd.s32 $0xFFFFE003, lr  }
0x1b: {  	s9 =	sadd.s32 $0xFFFFFEF7, lr;
	s5 =	simm.s32 $0xFFFFFFFF;
	p2 =	slt.u32 s8, $0xFFFFF086  }
0x1c: {  	p1 =	slt.u32 s9, $0xF7A;
	s5 =	simm.s32 @!p2 $0x0  }
0x1d: {  	s5 =	simm.s32 @p1 $0x1;
	p0 =	seq.s32 s7, s2  }
0x1e: {  	s7 =	smul.u32 @!p0 $0xF7A, s2;
	p2 =	seq.s32 @!p0 s5, $0x0  }
0x1f: {  	s9 =	smul.u32 $0xF7A, s1;
	s8 =	simm.s32 @!p0 $0x1BF5;
	p2 =	por !p2, p0  }
0x20: {  	[sflag:s8] =	ssyncset.s32 @!p0 $0xFFFFF086;
	s6 =	sadd.s32 @!p0 s3, s7;
	s7 =	simm.s32 @!p0 $0x108  }
0x21: {  	s3 =	sadd.s32 s3, s9;
	s6 =	sadd.s32 @!p0 $0x88, s6;
	s7 =	simm.s32 @p2 $0x1082  }
0x22: {  	[simem:s7], [sflag:s8] =	dma.local @!p0 [hbm:s6], $0xF7A  }
0x23: {  	s9 =	sor.u32 $0xD0000000, s2;
	s6 =	simm.s32 $0x108;
	_ =	swait.ge @!p0 [sflag:s8], $0x0  }
0x24: {  	s3 =	sadd.s32 $0x88, s3;
	s6 =	simm.s32 @!p1 $0x1082;
	[sflag:s4] =	ssyncset.s32 $0xFFFFF086  }
0x25: {  	[simem:s6], [sflag:s4] =	dma.local [hbm:s3], $0xF7A  }
0x26: {  	[smem:$0x3F9A] =	sst s1;
	(tag) =	ssettag s2;
	_ =	strace s9  }
0x27: {  	s1 =	sld [smem:$0x3FAA]  }
0x28: {  	s2 =	sld [smem:$0x3FAB]  }
0x29: {  	s4 =	sld [smem:$0x3FAD]  }
0x2a: {  	p0 =	seq.s32 s5, $0x0;
	s5 =	sld [smem:$0x3FAE]  }
0x2b: {  	s6 =	sld [smem:$0x3FAF]  }
0x2c: {  	s7 =	sld [smem:$0x3FB0]  }
0x2d: {  	s3 =	simm.s32 $0x108;
	s8 =	sld [smem:$0x3FB1]  }
0x2e: {  	s3 =	simm.s32 @!p0 $0x1082;
	s9 =	sld [smem:$0x3FB2]  }
0x2f: {  	lr =	sadd.s32 s0, s3;
	s0 =	sld [smem:$0x3FA9]  }
0x30: {  	s3 =	sld [smem:$0x3FAC]  }
0x31: {  	[smem:$0x3FB5] =	sst s10  }
0x32: {  	s10 =	sld [smem:$0x3FB3];
	_ =	sdelay $0x3  }
0x33: {  	p0 =	seq.s32 s10, $0x1;
	s10 =	sld [smem:$0x3FB5];
	_ =	sdelay $0x3  }
0x34: {  	[smem:$0x3FB5] =	sst s10  }
0x35: {  	s10 =	sld [smem:$0x3FB4];
	_ =	sdelay $0x3  }
0x36: {  	p1 =	seq.s32 s10, $0x1;
	s10 =	sld [smem:$0x3FB5];
	_ =	sdelay $0x3  }
0x37: {  	[smem:$0x3FB5] =	sst s10  }
0x38: {  	s10 =	sld [smem:$0x3FB6]  }
0x39: {  	_ = 	snop;
	(pc) =	sbr.ind lr, $3  }
0x3a: {  	_ = 	snop  }
0x3b: {  	_ = 	snop  }
0x3c: {  	p2 =	seq.s32 s10, $0x1;
	s10 =	sld [smem:$0x3FB5]  }
0x3d: {  	_ =	shalt  }
0x3e: {  	_ =	shalt  }
0x3f: {  	_ =	shalt  }
0x40: {  	_ =	shalt  }
0x41: {  	_ =	shalt  }
0x42: {  	_ =	shalt  }
0x43: {  	_ =	shalt  }
0x44: {  	_ =	shalt  }
0x45: {  	_ =	shalt  }
0x46: {  	_ =	shalt  }
0x47: {  	_ =	shalt  }
0x48: {  	_ =	shalt  }
0x49: {  	_ =	shalt  }
0x4a: {  	_ =	shalt  }
0x4b: {  	_ =	shalt  }
0x4c: {  	_ =	shalt  }
0x4d: {  	_ =	shalt  }
0x4e: {  	_ =	shalt  }
0x4f: {  	_ =	shalt  }
0x50: {  	_ =	shalt  }
0x51: {  	_ =	shalt  }
0x52: {  	_ =	shalt  }
0x53: {  	_ =	shalt  }
0x54: {  	_ =	shalt  }
0x55: {  	_ =	shalt  }
0x56: {  	_ =	shalt  }
0x57: {  	_ =	shalt  }
0x58: {  	_ =	shalt  }
0x59: {  	_ =	shalt  }
0x5a: {  	_ =	shalt  }
0x5b: {  	_ =	shalt  }
0x5c: {  	_ =	shalt  }
0x5d: {  	_ =	shalt  }
0x5e: {  	_ =	shalt  }
0x5f: {  	_ =	shalt  }
0x60: {  	_ =	shalt  }
0x61: {  	_ =	shalt  }
0x62: {  	_ =	shalt  }
0x63: {  	_ =	shalt  }
0x64: {  	_ =	shalt  }
0x65: {  	_ =	shalt  }
0x66: {  	_ =	shalt  }
0x67: {  	_ =	shalt  }
0x68: {  	_ =	shalt  }
0x69: {  	_ =	shalt  }
0x6a: {  	_ =	shalt  }
0x6b: {  	_ =	shalt  }
0x6c: {  	_ =	shalt  }
0x6d: {  	_ =	shalt  }
0x6e: {  	_ =	shalt  }
0x6f: {  	_ =	shalt  }
0x70: {  	_ =	shalt  }
0x71: {  	_ =	shalt  }
0x72: {  	_ =	shalt  }
0x73: {  	_ =	shalt  }
0x74: {  	_ =	shalt  }
0x75: {  	_ =	shalt  }
0x76: {  	_ =	shalt  }
0x77: {  	_ =	shalt  }
0x78: {  	_ =	shalt  }
0x79: {  	_ =	shalt  }
0x7a: {  	_ =	shalt  }
0x7b: {  	_ =	shalt  }
0x7c: {  	_ =	shalt  }
0x7d: {  	_ =	shalt  }
0x7e: {  	_ =	shalt  }
0x7f: {  	_ =	shalt  }
0x80: {  	_ =	shalt  }
0x81: {  	_ =	shalt  }
0x82: {  	_ =	shalt  }
0x83: {  	_ =	shalt  }
0x84: {  	_ =	shalt  }
0x85: {  	_ =	shalt  }
0x86: {  	_ =	shalt  }
0x87: {  	_ =	shalt  }
.Lfunc_end0:
.L_simem_size_0:
called_computation.1_lowered:
.L_overlay_start_0:
0x88: {  	s2 =	sld [smem:$0x3FD9]  }
0x89: {  	s3 =	sld [smem:$0x3FFE];
	_ =	sdelay $0x1  }
0x8a: {  	s1 =	srdreg.scid  }
0x8b: {  	s0 =	sand.u32 $0x1, s1  }
0x8c: {  	s17 =	sshll.u32 s0, $0xA;
	s2 =	sadd.s32 s3, s2  }
0x8d: {  	s2 =	sadd.s32 s2, s17  }
0x8e: {  	[smem:$0x3FC1] =	sst s2  }
0x8f: {  	_ = 	snop  }
0x90: {  	s2 =	sld [smem:$0x3FC9]  }
0x91: {  	s18 =	sld [smem:$0x3FD0];
	(tm) =	ssettm $0x1  }
0x92: {  	s4 =	sld [smem:$0x3FFB];
	_ =	sdelay $0x3  }
0x93: {  	_ =	strace s4  }
0x94: {  	s4 =	sld [smem:$0x3FFC];
	_ =	sdelay $0x3  }
0x95: {  	_ =	strace s4  }
0x96: {  	s4 =	sld [smem:$0x3FFD];
	_ =	sdelay $0x3  }
0x97: {  	_ =	strace s4  }
0x98: {  	_ =	strace $0x8FFFFFFF  }
0x99: {  	s19 =	sld [smem:$0x3FDB];
	_ =	sdelay $0x1  }
0x9a: {  	s5 =	simm.s32 $_scs_section_size  }
0x9b: {  	s6 =	simm.s32 $_size__tile_overlayer_lowered;
	s7 =	simm.s32 $_tile_overlayer_lowered  }
0x9c: {  	s22 =	simm.s32 $0x1BFF;
	s21 =	sshll.u32 s7, $0x1;
	s4 =	sadd.s32 s5, s19  }
0x9d: {  	s8 =	simm.s32 $0x0;
	s20 =	sshll.u32 s6, $0x1;
	s6 =	sadd.s32 s21, s4  }
0x9e: {  	[timem:s8], [sflag:s22] =	dma.local [hbm:s6], s20  }
0x9f: {  	_ =	swait.ge [sflag:s22], s20  }
0xa0: {  	s5 =	ssub.s32 $0x0, s20;
	[sflag:s22] =	ssyncset.done $0x0  }
0xa1: {  	[sflag:s22] =	ssyncadd.s32 s5;
	_ =	sdelay $0x1  }
0xa2: {  	s23 =	simm.s32 $0x1B8B  }
0xa3: {  	_ =	swait.ge [sflag:s23], $0x1  }
0xa4: {  	[sflag:s23] =	ssyncset.done $0x0  }
0xa5: {  	s25 =	simm.s32 $0x1B8E;
	s24 =	sld [smem:$0x3FFE];
	[sflag:s23] =	ssyncadd.s32 $0xFFFFFFFF  }
0xa6: {  	s26 =	simm.s32 $execute0_lowered;
	[smem:$0x3FD2] =	sst s25  }
0xa7: {  	s6 =	sshll.u32 s26, $0x1;
	_ =	strace $0x80000049;
	[dreg:$0x1] =	wrdreg $0xFFFFFFFF  }
0xa8: {  	s28 =	simm.s32 $_size_execute0_lowered;
	s4 =	sadd.s32 s4, s6;
	[dreg:$0x0] =	wrdreg $0x0  }
0xa9: {  	s6 =	sshll.u32 s28, $0x1;
	[dreg:$0x2] =	wrdreg s4  }
0xaa: {  	[dreg:$0x3] =	wrdreg s6  }
0xab: {  	[dreg:$0x4] =	wrdreg $0xC0  }
0xac: {  	_ =	task [dreg:s8], $0x5FFFF  }
0xad: {  	[dreg:$0x1] =	wrdreg $0xFFFFFFFF  }
0xae: {  	[dreg:$0x0] =	wrdreg $0x60  }
0xaf: {  	[dreg:$0x2] =	wrdreg s2  }
0xb0: {  	[dreg:$0x3] =	wrdreg s18  }
0xb1: {  	[dreg:$0x4] =	wrdreg s24  }
0xb2: {  	[dreg:$0x5] =	wrdreg $0x88100  }
0xb3: {  	[dreg:$0x6] =	wrdreg $0x9  }
0xb4: {  	_ =	task.clear_ibuf [dreg:s8], $0x7FFFF;
	_ =	strace $0x90000049  }
0xb5: {  	s29 =	simm.s32 $0x9;
	_ =	strace $0x8000004B  }
0xb6: {  	_ =	swait.ge [sflag:s29], $0x1  }
0xb7: {  	[sflag:s29] =	ssyncadd.s32 $0xFFFFFFFF  }
0xb8: {  	_ =	strace $0x9000004B  }
0xb9: {  	_ =	sfence  }
0xba: {  	s30 =	sld [smem:$0x0];
	_ =	sdelay $0x2  }
0xbb: {  	s31 =	sshll.u32 s1, $0xD;
	s1 =	sshrl.u32 s1, $0x2  }
0xbc: {  	s3 =	sand.u32 $0x4000, s31;
	s1 =	sadd.s32 s1, s30  }
0xbd: {  	s0 =	sor.u32 s3, s0;
	s1 =	sshll.u32 s1, $0x11  }
0xbe: {  	s0 =	sor.u32 s1, s0  }
0xbf: {  	s0 =	sadd.s32 $0x8F2B, s0  }
0xc0: {  	[sflag:s0] =	ssyncadd.remote.s32 $0x1  }
0xc1: {  	_ =	sfence.sel $0xFFFF  }
0xc2: {  	[dreg:$0x0] =	wrdreg $0xFFFFFFFF;
	(pc) =	sbr.abs _section_cstart, $3  }
0xc3: {  	[dreg:$0x1] =	wrdreg $0xFFFFFFFF  }
0xc4: {  	_ =	task.clear_ibuf [dreg:s8], $0x2FFFF;
	_ =	strace $0x9FFFFFFF  }
0xc5: {  	(tm) =	ssettm $0x7FFFFFFF  }
tec
execute0_lowered:
.L_overlay_start_1:
0x0: {  	(tag) =	ssettag $0x1  }
0x1: {  	s1 =	rddreg [dreg:$0x0]  }
0x2: {  	s2 =	rddreg [dreg:$0x1]  }
0x3: {  	s0 =	rddreg [dreg:$0x2]  }
0x4: {  	s4 =	rddreg [dreg:$0x3];
	s3 =	srdreg.scid  }
0x5: {  	s13 =	stileid.u32;
	s5 =	simm.s32 $0x0;
	s20 =	simm.s32 $0x200  }
0x6: {  	s21 =	simm.s32 $0x600;
	s22 =	simm.s32 $0x480;
	s23 =	simm.s32 $0x100  }
0x7: {  	s24 =	simm.s32 $0x180;
	s25 =	simm.s32 $0x500;
	s26 =	simm.s32 $0x580  }
0x8: {  	s28 =	simm.s32 $0x8;
	s29 =	simm.s32 $0x3;
	s30 =	simm.s32 $0x4  }
0x9: {  	s31 =	simm.s32 $0x0;
	s3 =	sand.u32 $0x1, s3;
	[smem:$0x7FF] =	sst s5  }
0xa: {  	s6 =	sshll.u32 s13, $0x1;
	_ =	strace $0x8000004A;
	[dreg:$0x5] =	wrdreg s20  }
0xb: {  	s8 =	smul.u32 $0x14000, s13;
	s16 =	sshll.u32 s13, $0x6;
	[dreg:$0x6] =	wrdreg s21  }
0xc: {  	s7 =	sor.u32 s3, s6;
	s10 =	smul.u32 $0x140000, s3;
	[dreg:$0x7] =	wrdreg s22  }
0xd: {  	s6 =	sadd.s32 $0x16E00, s0;
	s3 =	ssub.s32 $0x2, s3;
	[dreg:$0x8] =	wrdreg s23  }
0xe: {  	s20 =	simm.s32 $0x2;
	s21 =	simm.s32 $0x80;
	[dreg:$0x9] =	wrdreg s24  }
0xf: {  	s22 =	simm.s32 $0x800;
	[dreg:$0xa] =	wrdreg s25;
	s23 =	simm.s32 $0x4800  }
0x10: {  	s24 =	simm.s32 $0x5;
	[dreg:$0xb] =	wrdreg s26;
	s25 =	simm.s32 $0x6  }
0x11: {  	s9 =	sshll.u32 s7, $0x1;
	s15 =	sshrl.u32 s8, $0x3;
	s12 =	sshrl.u32 s3, $0x1  }
0x12: {  	s7 =	smul.u32 $0x2800, s7;
	s11 =	sadd.s32 s9, s0;
	s9 =	sadd.s32 s15, s0  }
0x13: {  	s10 =	sadd.s32 s8, s10;
	s3 =	ssub.s32 s3, s12;
	s13 =	sadd.s32 $0x20E00, s11  }
0x14: {  	s17 =	sshrl.u32 s7, $0x3;
	s15 =	smax.u32 s3, $0x1;
	[dreg:$0xe] =	wrdreg s13  }
0x15: {  	s10 =	sshrl.u32 s10, $0x3;
	s18 =	sadd.s32 s2, s17;
	[dreg:$0x12] =	wrdreg s15  }
0x16: {  	s0 =	sadd.s32 s10, s0;
	s19 =	sadd.s32 s6, s17;
	[dreg:$0xf] =	wrdreg s18  }
.Ltmp0:
0x17: {  	s10 =	sadd.s32 $0x21000, s9;
	[dreg:$0x10] =	wrdreg s19;
	(pc) =	sbr.rel .LBB2_1-.Ltmp0, $4  }
0x18: {  	s8 =	sadd.s32 s8, s4;
	s9 =	sor.u32 $0x1C09, s16;
	[dreg:$0xc] =	wrdreg s10  }
0x19: {  	s26 =	simm.s32 $0x7;
	s16 =	sshrl.u32 s8, $0x3;
	[dreg:$0xd] =	wrdreg s9  }
0x1a: {  	s17 =	simm.s32 $0x9;
	s14 =	sadd.s32 $0x49000, s0;
	[dreg:$0x13] =	wrdreg s16  }
0x1b: {  	s18 =	simm.s32 $0x400;
	s19 =	simm.s32 $0x1;
	[dreg:$0x11] =	wrdreg s14  }
.LBB2_5:
0x1c: {  	s10 =	rddreg [dreg:$0xc]  }
0x1d: {  	s9 =	rddreg [dreg:$0xd]  }
0x1e: {  	s13 =	rddreg [dreg:$0xe]  }
0x1f: {  	s14 =	rddreg [dreg:$0x11]  }
0x20: {  	s15 =	rddreg [dreg:$0x12]  }
0x21: {  	[sflag:s12] =	ssyncadd.s32 @!p1 $0xFFFFC000;
	s16 =	rddreg [dreg:$0x13];
	s17 =	simm.s32 $0x9  }
.LBB2_6:
0x22: {  	_ =	swait.ge [sflag:s19], $0x200  }
0x23: {  	[sflag:s19] =	ssyncset.done $0x0  }
0x24: {  	[sflag:s19] =	ssyncadd.s32 $0xFFFFFE00  }
0x25: {  	_ =	swait.ge [sflag:s20], $0x200  }
0x26: {  	[sflag:s20] =	ssyncset.done $0x0  }
0x27: {  	[sflag:s20] =	ssyncadd.s32 $0xFFFFFE00  }
.LBB2_7:
0x28: {  	s31 =	sadd.s32 $0x1, s31  }
0x29: {  	p0 =	sne.s32 s31, s15  }
.Ltmp1:
0x2a: {  	[bflag:$0x0] =	sbarrier.arrive $0xFFFF;
	(pc) =	sbr.rel @!p0 .LBB2_8-.Ltmp1, $4  }
0x2b: {  	[hbm:s14], [sflag:s9] =	dma.local [spmem:s16], $0x2800  }
0x2c: {  	_ =	swait.ge [sflag:s17], $0x2800  }
0x2d: {  	[sflag:s17] =	ssyncset.done $0x0  }
0x2e: {  	[sflag:s17] =	ssyncadd.s32 $0xFFFFD800  }
.LBB2_1:
0x2f: {  	[spmem:s16], [sflag:s9] =	dma.local [hbm:s10], $0x2800  }
0x30: {  	_ =	swait.ge [sflag:s17], $0x2800  }
0x31: {  	[sflag:s17] =	ssyncset.done $0x0  }
0x32: {  	s0 =	simm.s32 $0x8800;
	[sflag:s17] =	ssyncadd.s32 $0xFFFFD800  }
0x33: {  	[tilespmem:s0], [sflag:$0x9] =	stream.linear.gather [hbm4b:s13+s5], $0x10, $0x38;
	[tilespmem:$0x1C810] =	vst v63  }
0x34: {  	_ =	swait.ge [sflag:s17], $0x10  }
0x35: {  	[sflag:s17] =	ssyncset.done $0x0  }
0x36: {  	[sflag:s17] =	ssyncadd.s32 $0xFFFFFFF0  }
0x37: {  	[bflag:$0x0] =	sbarrier.arrive $0xFFFF  }
0x38: {  	v0 =	vld [tilespmem:$0x8800];
	_ =	sdelay $0x4  }
0x39: {  	v0 =	vxor.u32 $0x80000000, v0  }
0x3a: {  	(xrf0) =	vmax.scan.msk.u32 $0xffff, v0;
	_ =	sdelay $0x5  }
0x3b: {  	v0, _, _ =	vpop (xrf0)  }
0x3c: {  	(v2sf) =	vpush v0, $0xF;
	_ =	sdelay $0xe  }
0x3d: {  	s3 =	spop (v2sf)  }
0x3e: {  	s0 =	sxor.u32 $0x80000000, s3  }
0x3f: {  	p0 =	slt.s32 s0, $0x1  }
.Ltmp2:
0x40: {  	_ = 	snop;
	(pc) =	sbr.rel @p0 .LBB2_7-.Ltmp2, $1  }
0x41: {  	_ =	sdelay $0x3  }
0x42: {  	s8 =	rddreg [dreg:$0xf]  }
0x43: {  	[tilespmem:s5], [sflag:$0x1] =	stream.linear.gather [hbm4b:s8+s5], $0x200, $0x38;
	[tilespmem:$0x1C810] =	vst v63  }
0x44: {  	s11 =	rddreg [dreg:$0x10]  }
0x45: {  	[tilespmem:s18], [sflag:$0x2] =	stream.linear.gather [hbm4b:s11+s5], $0x200, $0x38;
	[tilespmem:$0x1C810] =	vst v63  }
0x46: {  	p0 =	slt.s32 s3, $0xFFFFFFFF;
	s8 =	sadd.s32 $0x80000001, s3;
	s11 =	simm.s32 $0x1  }
0x47: {  	s12 =	sshra.s32 s8, $0x1F;
	s11 =	simm.s32 @!p0 $0x0  }
0x48: {  	s11 =	sadd.s32 s11, s12;
	s12 =	sand.u32 $0x1, s8  }
0x49: {  	p6 =	sne.s32 s11, $0x1;
	p1 =	seq.s32 s12, $0x1  }
0x4a: {  	s12 =	sshrl.u32 s8, $0x1F;
	p0 =	por !p6, !p1  }
0x4b: {  	s11 =	simm.s32 $0x1;
	s8 =	sadd.s32 s12, s8;
	p0 =	por !p0, !p0  }
0x4c: {  	s8 =	sshra.s32 s8, $0x1;
	s11 =	simm.s32 @!p0 $0x0  }
0x4d: {  	s11 =	ssub.s32 s8, s11  }
0x4e: {  	p0 =	slt.s32 s11, $0x1  }
.Ltmp3:
0x4f: {  	_ = 	snop;
	(pc) =	sbr.rel @p0 .LBB2_6-.Ltmp3, $1  }
0x50: {  	_ =	sdelay $0x3  }
0x51: {  	s3 =	sadd.s32 $0x7FFFFFFF, s3;
	_ =	swait.ge [sflag:s19], $0x200  }
0x52: {  	s17 =	simm.s32 $0x1;
	p0 =	sgt.s32 s3, $0x1;
	s8 =	smov.u32 s3  }
0x53: {  	[sflag:s19] =	ssyncset.done $0x0;
	s8 =	smov.u32 @p0 s17  }
0x54: {  	[sflag:s19] =	ssyncadd.s32 $0xFFFFFE00;
	s8 =	sshll.u32 s8, $0x9  }
0x55: {  	_ =	swait.ge [sflag:s20], $0x200;
	s8 =	sadd.s32 s7, s8  }
0x56: {  	[sflag:s20] =	ssyncset.done $0x0;
	s8 =	sshrl.u32 s8, $0x3  }
0x57: {  	s12 =	rddreg [dreg:$0x5];
	[sflag:s20] =	ssyncadd.s32 $0xFFFFFE00;
	s10 =	sadd.s32 s2, s8  }
0x58: {  	[tilespmem:s12], [sflag:$0x3] =	stream.linear.gather [hbm4b:s10+s5], $0x200, $0x38;
	[tilespmem:$0x1C810] =	vst v63  }
0x59: {  	s13 =	rddreg [dreg:$0x6];
	s8 =	sadd.s32 s6, s8  }
0x5a: {  	[tilespmem:s13], [sflag:$0x4] =	stream.linear.gather [hbm4b:s8+s5], $0x200, $0x38;
	[tilespmem:$0x1C810] =	vst v63  }
0x5b: {  	_ = 	snop  }
0x5c: {  	[tilespmem:s22], [sflag:$0x5] =	stream.indirect.gather [hbm4b:s1+s21], $0x80, s5, s21, $0xb8;
	[tilespmem:$0x1C810] =	vst v63  }
0x5d: {  	_ = 	snop  }
0x5e: {  	[tilespmem:s23], [sflag:$0x6] =	stream.indirect.gather [hbm4b:s1+s21], $0x80, s21, s21, $0xb8;
	[tilespmem:$0x1C810] =	vst v63  }
0x5f: {  	_ =	swait.ge [sflag:s24], $0x4000  }
0x60: {  	[sflag:s24] =	ssyncset.done $0x0  }
0x61: {  	[sflag:s24] =	ssyncadd.s32 $0xFFFFC000  }
0x62: {  	[spmem:s4] =	stream.indirect.scatter.add.f32 [tilespmem:s22], [sflag:$0x7], $0x80, s18, s21, $0xb8;
	[tilespmem:$0x1C810] =	vst v63  }
0x63: {  	_ =	swait.ge [sflag:s25], $0x4000  }
0x64: {  	[sflag:s25] =	ssyncset.done $0x0  }
0x65: {  	s10 =	rddreg [dreg:$0x7];
	[sflag:s25] =	ssyncadd.s32 $0xFFFFC000  }
0x66: {  	[spmem:s4] =	stream.indirect.scatter.add.f32 [tilespmem:s23], [sflag:$0x8], $0x80, s10, s21, $0xb8;
	[tilespmem:$0x1C810] =	vst v63  }
0x67: {  	_ =	swait.ge [sflag:s26], $0x4000  }
0x68: {  	[sflag:s26] =	ssyncset.done $0x0  }
0x69: {  	s12 =	rddreg [dreg:$0x8];
	[sflag:s26] =	ssyncadd.s32 $0xFFFFC000  }
0x6a: {  	[tilespmem:s22], [sflag:$0x5] =	stream.indirect.gather [hbm4b:s1+s21], $0x80, s12, s21, $0xb8;
	[tilespmem:$0x1C810] =	vst v63  }
0x6b: {  	_ =	swait.ge [sflag:s28], $0x4000  }
0x6c: {  	[sflag:s28] =	ssyncset.done $0x0  }
0x6d: {  	s13 =	rddreg [dreg:$0x9];
	[sflag:s28] =	ssyncadd.s32 $0xFFFFC000  }
0x6e: {  	[tilespmem:s23], [sflag:$0x6] =	stream.indirect.gather [hbm4b:s1+s21], $0x80, s13, s21, $0xb8;
	[tilespmem:$0x1C810] =	vst v63  }
0x6f: {  	_ =	swait.ge [sflag:s24], $0x4000  }
0x70: {  	[sflag:s24] =	ssyncset.done $0x0  }
0x71: {  	s14 =	rddreg [dreg:$0xa];
	[sflag:s24] =	ssyncadd.s32 $0xFFFFC000  }
0x72: {  	[spmem:s4] =	stream.indirect.scatter.add.f32 [tilespmem:s22], [sflag:$0x7], $0x80, s14, s21, $0xb8;
	[tilespmem:$0x1C810] =	vst v63  }
0x73: {  	_ =	swait.ge [sflag:s25], $0x4000  }
0x74: {  	[sflag:s25] =	ssyncset.done $0x0  }
0x75: {  	s15 =	rddreg [dreg:$0xb];
	[sflag:s25] =	ssyncadd.s32 $0xFFFFC000  }
0x76: {  	[spmem:s4] =	stream.indirect.scatter.add.f32 [tilespmem:s23], [sflag:$0x8], $0x80, s15, s21, $0xb8;
	[tilespmem:$0x1C810] =	vst v63  }
0x77: {  	_ =	swait.ge [sflag:s26], $0x4000  }
0x78: {  	[sflag:s26] =	ssyncset.done $0x0  }
0x79: {  	[sflag:s26] =	ssyncadd.s32 $0xFFFFC000  }
0x7a: {  	_ =	swait.ge [sflag:s28], $0x4000  }
0x7b: {  	[sflag:s28] =	ssyncset.done $0x0  }
0x7c: {  	p0 =	sgt.s32 s3, $0x2;
	[sflag:s28] =	ssyncadd.s32 $0xFFFFC000  }
0x7d: {  	s8 =	simm.s32 $0x2;
	s10 =	smov.u32 s3;
	_ =	swait.ge [sflag:s29], $0x200  }
0x7e: {  	s10 =	smov.u32 @p0 s8;
	[sflag:s29] =	ssyncset.done $0x0  }
0x7f: {  	s8 =	sshll.u32 s10, $0x9;
	[sflag:s29] =	ssyncadd.s32 $0xFFFFFE00  }
0x80: {  	s8 =	sadd.s32 s7, s8;
	_ =	swait.ge [sflag:s30], $0x200  }
0x81: {  	s8 =	sshrl.u32 s8, $0x3;
	[sflag:s30] =	ssyncset.done $0x0  }
0x82: {  	s16 =	sadd.s32 s2, s8;
	[sflag:s30] =	ssyncadd.s32 $0xFFFFFE00  }
0x83: {  	[tilespmem:s5], [sflag:$0x1] =	stream.linear.gather [hbm4b:s16+s5], $0x200, $0x38;
	[tilespmem:$0x1C810] =	vst v63  }
0x84: {  	p1 =	sle.s32 s0, $0x1;
	s8 =	sadd.s32 s6, s8  }
0x85: {  	[tilespmem:s18], [sflag:$0x2] =	stream.linear.gather [hbm4b:s8+s5], $0x200, $0x38;
	[tilespmem:$0x1C810] =	vst v63  }
0x86: {  	s10 =	simm.s32 @!p1 $0x200;
	s13 =	simm.s32 @!p1 $0x800;
	s8 =	simm.s32 @!p1 $0x80  }
0x87: {  	[tilespmem:s13], [sflag:$0x5] =	stream.indirect.gather @!p1 [hbm4b:s1+s8], $0x80, s10, s8, $0xb8;
	[tilespmem:$0x1C810] =	vst v63  }
0x88: {  	s9 =	simm.s32 @!p1 $0x5;
	s14 =	simm.s32 @!p1 $0x4800;
	s10 =	simm.s32 @!p1 $0x280  }
0x89: {  	[tilespmem:s14], [sflag:$0x6] =	stream.indirect.gather @!p1 [hbm4b:s1+s8], $0x80, s10, s8, $0xb8;
	[tilespmem:$0x1C810] =	vst v63  }
0x8a: {  	_ =	swait.ge @!p1 [sflag:s9], $0x4000  }
0x8b: {  	[sflag:s9] =	ssyncset.done @!p1 $0x0  }
0x8c: {  	s15 =	simm.s32 @!p1 $0x6;
	s10 =	simm.s32 @!p1 $0x600;
	[sflag:s9] =	ssyncadd.s32 @!p1 $0xFFFFC000  }
0x8d: {  	[spmem:s4] =	stream.indirect.scatter.add.f32 @!p1 [tilespmem:s13], [sflag:$0x7], $0x80, s10, s8, $0xb8;
	[tilespmem:$0x1C810] =	vst v63  }
0x8e: {  	_ =	swait.ge @!p1 [sflag:s15], $0x4000  }
0x8f: {  	[sflag:s15] =	ssyncset.done @!p1 $0x0  }
0x90: {  	s16 =	simm.s32 @!p1 $0x7;
	s10 =	simm.s32 @!p1 $0x680;
	[sflag:s15] =	ssyncadd.s32 @!p1 $0xFFFFC000  }
0x91: {  	[spmem:s4] =	stream.indirect.scatter.add.f32 @!p1 [tilespmem:s14], [sflag:$0x8], $0x80, s10, s8, $0xb8;
	[tilespmem:$0x1C810] =	vst v63  }
0x92: {  	_ =	swait.ge @!p1 [sflag:s16], $0x4000  }
0x93: {  	[sflag:s16] =	ssyncset.done @!p1 $0x0  }
0x94: {  	s12 =	simm.s32 @!p1 $0x8;
	s10 =	simm.s32 @!p1 $0x300;
	[sflag:s16] =	ssyncadd.s32 @!p1 $0xFFFFC000  }
0x95: {  	[tilespmem:s13], [sflag:$0x5] =	stream.indirect.gather @!p1 [hbm4b:s1+s8], $0x80, s10, s8, $0xb8;
	[tilespmem:$0x1C810] =	vst v63  }
0x96: {  	_ =	swait.ge @!p1 [sflag:s12], $0x4000  }
0x97: {  	[sflag:s12] =	ssyncset.done @!p1 $0x0  }
0x98: {  	s10 =	simm.s32 @!p1 $0x380;
	[sflag:s12] =	ssyncadd.s32 @!p1 $0xFFFFC000  }
0x99: {  	[tilespmem:s14], [sflag:$0x6] =	stream.indirect.gather @!p1 [hbm4b:s1+s8], $0x80, s10, s8, $0xb8;
	[tilespmem:$0x1C810] =	vst v63  }
0x9a: {  	_ =	swait.ge @!p1 [sflag:s9], $0x4000  }
0x9b: {  	[sflag:s9] =	ssyncset.done @!p1 $0x0  }
0x9c: {  	[sflag:s9] =	ssyncadd.s32 @!p1 $0xFFFFC000;
	s9 =	simm.s32 @!p1 $0x700  }
0x9d: {  	[spmem:s4] =	stream.indirect.scatter.add.f32 @!p1 [tilespmem:s13], [sflag:$0x7], $0x80, s9, s8, $0xb8;
	[tilespmem:$0x1C810] =	vst v63  }
0x9e: {  	_ =	swait.ge @!p1 [sflag:s15], $0x4000  }
0x9f: {  	s11 =	sadd.s32 $0xFFFFFFFF, s11;
	[sflag:s15] =	ssyncset.done @!p1 $0x0  }
0xa0: {  	p0 =	sne.s32 s11, $0x0;
	s9 =	simm.s32 @!p1 $0x780;
	[sflag:s15] =	ssyncadd.s32 @!p1 $0xFFFFC000  }
0xa1: {  	[spmem:s4] =	stream.indirect.scatter.add.f32 @!p1 [tilespmem:s14], [sflag:$0x8], $0x80, s9, s8, $0xb8;
	[tilespmem:$0x1C810] =	vst v63  }
.Ltmp4:
0xa2: {  	_ =	swait.ge @!p1 [sflag:s16], $0x4000;
	(pc) =	sbr.rel @!p0 .LBB2_5-.Ltmp4, $4  }
0xa3: {  	[sflag:s16] =	ssyncset.done @!p1 $0x0  }
0xa4: {  	[sflag:s16] =	ssyncadd.s32 @!p1 $0xFFFFC000  }
0xa5: {  	_ =	swait.ge @!p1 [sflag:s12], $0x4000  }
0xa6: {  	[sflag:s12] =	ssyncset.done @!p1 $0x0  }
.LBB2_4:
0xa7: {  	[sflag:s12] =	ssyncadd.s32 @!p1 $0xFFFFC000;
	s17 =	sadd.s32 $0x2, s17  }
0xa8: {  	s8 =	smov.u32 s3;
	_ =	swait.ge [sflag:s19], $0x200;
	p1 =	slt.s32 s17, s3  }
0xa9: {  	[sflag:s19] =	ssyncset.done $0x0;
	s8 =	smov.u32 @p1 s17  }
0xaa: {  	[sflag:s19] =	ssyncadd.s32 $0xFFFFFE00;
	s8 =	sshll.u32 s8, $0x9  }
0xab: {  	_ =	swait.ge [sflag:s20], $0x200;
	s8 =	sadd.s32 s7, s8  }
0xac: {  	[sflag:s20] =	ssyncset.done $0x0;
	s8 =	sshrl.u32 s8, $0x3  }
0xad: {  	s9 =	rddreg [dreg:$0x5];
	[sflag:s20] =	ssyncadd.s32 $0xFFFFFE00;
	s10 =	sadd.s32 s2, s8  }
0xae: {  	[tilespmem:s9], [sflag:$0x3] =	stream.linear.gather [hbm4b:s10+s5], $0x200, $0x38;
	[tilespmem:$0x1C810] =	vst v63  }
0xaf: {  	s16 =	rddreg [dreg:$0x6];
	s8 =	sadd.s32 s6, s8  }
0xb0: {  	[tilespmem:s16], [sflag:$0x4] =	stream.linear.gather [hbm4b:s8+s5], $0x200, $0x38;
	[tilespmem:$0x1C810] =	vst v63  }
0xb1: {  	_ = 	snop  }
0xb2: {  	[tilespmem:s22], [sflag:$0x5] =	stream.indirect.gather [hbm4b:s1+s21], $0x80, s5, s21, $0xb8;
	[tilespmem:$0x1C810] =	vst v63  }
0xb3: {  	_ = 	snop  }
0xb4: {  	[tilespmem:s23], [sflag:$0x6] =	stream.indirect.gather [hbm4b:s1+s21], $0x80, s21, s21, $0xb8;
	[tilespmem:$0x1C810] =	vst v63  }
0xb5: {  	_ =	swait.ge [sflag:s24], $0x4000  }
0xb6: {  	[sflag:s24] =	ssyncset.done $0x0  }
0xb7: {  	[sflag:s24] =	ssyncadd.s32 $0xFFFFC000  }
0xb8: {  	[spmem:s4] =	stream.indirect.scatter.add.f32 [tilespmem:s22], [sflag:$0x7], $0x80, s18, s21, $0xb8;
	[tilespmem:$0x1C810] =	vst v63  }
0xb9: {  	_ =	swait.ge [sflag:s25], $0x4000  }
0xba: {  	[sflag:s25] =	ssyncset.done $0x0  }
0xbb: {  	s10 =	rddreg [dreg:$0x7];
	[sflag:s25] =	ssyncadd.s32 $0xFFFFC000  }
0xbc: {  	[spmem:s4] =	stream.indirect.scatter.add.f32 [tilespmem:s23], [sflag:$0x8], $0x80, s10, s21, $0xb8;
	[tilespmem:$0x1C810] =	vst v63  }
0xbd: {  	_ =	swait.ge [sflag:s26], $0x4000  }
0xbe: {  	[sflag:s26] =	ssyncset.done $0x0  }
0xbf: {  	s12 =	rddreg [dreg:$0x8];
	[sflag:s26] =	ssyncadd.s32 $0xFFFFC000  }
0xc0: {  	[tilespmem:s22], [sflag:$0x5] =	stream.indirect.gather [hbm4b:s1+s21], $0x80, s12, s21, $0xb8;
	[tilespmem:$0x1C810] =	vst v63  }
0xc1: {  	_ =	swait.ge [sflag:s28], $0x4000  }
0xc2: {  	[sflag:s28] =	ssyncset.done $0x0  }
0xc3: {  	s13 =	rddreg [dreg:$0x9];
	[sflag:s28] =	ssyncadd.s32 $0xFFFFC000  }
0xc4: {  	[tilespmem:s23], [sflag:$0x6] =	stream.indirect.gather [hbm4b:s1+s21], $0x80, s13, s21, $0xb8;
	[tilespmem:$0x1C810] =	vst v63  }
0xc5: {  	_ =	swait.ge [sflag:s24], $0x4000  }
0xc6: {  	[sflag:s24] =	ssyncset.done $0x0  }
0xc7: {  	s14 =	rddreg [dreg:$0xa];
	[sflag:s24] =	ssyncadd.s32 $0xFFFFC000  }
0xc8: {  	[spmem:s4] =	stream.indirect.scatter.add.f32 [tilespmem:s22], [sflag:$0x7], $0x80, s14, s21, $0xb8;
	[tilespmem:$0x1C810] =	vst v63  }
0xc9: {  	_ =	swait.ge [sflag:s25], $0x4000  }
0xca: {  	[sflag:s25] =	ssyncset.done $0x0  }
0xcb: {  	s15 =	rddreg [dreg:$0xb];
	[sflag:s25] =	ssyncadd.s32 $0xFFFFC000  }
0xcc: {  	[spmem:s4] =	stream.indirect.scatter.add.f32 [tilespmem:s23], [sflag:$0x8], $0x80, s15, s21, $0xb8;
	[tilespmem:$0x1C810] =	vst v63  }
0xcd: {  	_ =	swait.ge [sflag:s26], $0x4000  }
0xce: {  	[sflag:s26] =	ssyncset.done $0x0  }
0xcf: {  	[sflag:s26] =	ssyncadd.s32 $0xFFFFC000  }
0xd0: {  	_ =	swait.ge [sflag:s28], $0x4000  }
0xd1: {  	[sflag:s28] =	ssyncset.done $0x0  }
0xd2: {  	s8 =	sadd.s32 $0x1, s17;
	[sflag:s28] =	ssyncadd.s32 $0xFFFFC000  }
0xd3: {  	s9 =	smov.u32 s3;
	p1 =	slt.s32 s8, s3;
	_ =	swait.ge [sflag:s29], $0x200  }
0xd4: {  	s9 =	smov.u32 @p1 s8;
	[sflag:s29] =	ssyncset.done $0x0  }
0xd5: {  	s8 =	sshll.u32 s9, $0x9;
	[sflag:s29] =	ssyncadd.s32 $0xFFFFFE00  }
0xd6: {  	s8 =	sadd.s32 s7, s8;
	_ =	swait.ge [sflag:s30], $0x200  }
0xd7: {  	s8 =	sshrl.u32 s8, $0x3;
	[sflag:s30] =	ssyncset.done $0x0  }
0xd8: {  	s16 =	sadd.s32 s2, s8;
	[sflag:s30] =	ssyncadd.s32 $0xFFFFFE00  }
0xd9: {  	[tilespmem:s5], [sflag:$0x1] =	stream.linear.gather [hbm4b:s16+s5], $0x200, $0x38;
	[tilespmem:$0x1C810] =	vst v63  }
0xda: {  	p1 =	sge.s32 s17, s0;
	s8 =	sadd.s32 s6, s8  }
0xdb: {  	[tilespmem:s18], [sflag:$0x2] =	stream.linear.gather [hbm4b:s8+s5], $0x200, $0x38;
	[tilespmem:$0x1C810] =	vst v63  }
0xdc: {  	s9 =	simm.s32 @!p1 $0x200;
	s10 =	simm.s32 @!p1 $0x800;
	s8 =	simm.s32 @!p1 $0x80  }
0xdd: {  	[tilespmem:s10], [sflag:$0x5] =	stream.indirect.gather @!p1 [hbm4b:s1+s8], $0x80, s9, s8, $0xb8;
	[tilespmem:$0x1C810] =	vst v63  }
0xde: {  	s13 =	simm.s32 @!p1 $0x4800;
	s14 =	simm.s32 @!p1 $0x5;
	s9 =	simm.s32 @!p1 $0x280  }
0xdf: {  	[tilespmem:s13], [sflag:$0x6] =	stream.indirect.gather @!p1 [hbm4b:s1+s8], $0x80, s9, s8, $0xb8;
	[tilespmem:$0x1C810] =	vst v63  }
0xe0: {  	_ =	swait.ge @!p1 [sflag:s14], $0x4000  }
0xe1: {  	[sflag:s14] =	ssyncset.done @!p1 $0x0  }
0xe2: {  	s15 =	simm.s32 @!p1 $0x6;
	s9 =	simm.s32 @!p1 $0x600;
	[sflag:s14] =	ssyncadd.s32 @!p1 $0xFFFFC000  }
0xe3: {  	[spmem:s4] =	stream.indirect.scatter.add.f32 @!p1 [tilespmem:s10], [sflag:$0x7], $0x80, s9, s8, $0xb8;
	[tilespmem:$0x1C810] =	vst v63  }
0xe4: {  	_ =	swait.ge @!p1 [sflag:s15], $0x4000  }
0xe5: {  	[sflag:s15] =	ssyncset.done @!p1 $0x0  }
0xe6: {  	s16 =	simm.s32 @!p1 $0x7;
	s9 =	simm.s32 @!p1 $0x680;
	[sflag:s15] =	ssyncadd.s32 @!p1 $0xFFFFC000  }
0xe7: {  	[spmem:s4] =	stream.indirect.scatter.add.f32 @!p1 [tilespmem:s13], [sflag:$0x8], $0x80, s9, s8, $0xb8;
	[tilespmem:$0x1C810] =	vst v63  }
0xe8: {  	_ =	swait.ge @!p1 [sflag:s16], $0x4000  }
0xe9: {  	[sflag:s16] =	ssyncset.done @!p1 $0x0  }
0xea: {  	s12 =	simm.s32 @!p1 $0x8;
	s9 =	simm.s32 @!p1 $0x300;
	[sflag:s16] =	ssyncadd.s32 @!p1 $0xFFFFC000  }
0xeb: {  	[tilespmem:s10], [sflag:$0x5] =	stream.indirect.gather @!p1 [hbm4b:s1+s8], $0x80, s9, s8, $0xb8;
	[tilespmem:$0x1C810] =	vst v63  }
0xec: {  	_ =	swait.ge @!p1 [sflag:s12], $0x4000  }
0xed: {  	[sflag:s12] =	ssyncset.done @!p1 $0x0  }
0xee: {  	s9 =	simm.s32 @!p1 $0x380;
	[sflag:s12] =	ssyncadd.s32 @!p1 $0xFFFFC000  }
0xef: {  	[tilespmem:s13], [sflag:$0x6] =	stream.indirect.gather @!p1 [hbm4b:s1+s8], $0x80, s9, s8, $0xb8;
	[tilespmem:$0x1C810] =	vst v63  }
0xf0: {  	_ =	swait.ge @!p1 [sflag:s14], $0x4000  }
0xf1: {  	[sflag:s14] =	ssyncset.done @!p1 $0x0  }
0xf2: {  	s9 =	simm.s32 @!p1 $0x700;
	[sflag:s14] =	ssyncadd.s32 @!p1 $0xFFFFC000  }
0xf3: {  	[spmem:s4] =	stream.indirect.scatter.add.f32 @!p1 [tilespmem:s10], [sflag:$0x7], $0x80, s9, s8, $0xb8;
	[tilespmem:$0x1C810] =	vst v63  }
0xf4: {  	_ =	swait.ge @!p1 [sflag:s15], $0x4000  }
0xf5: {  	s11 =	sadd.s32 $0xFFFFFFFF, s11;
	[sflag:s15] =	ssyncset.done @!p1 $0x0  }
0xf6: {  	p0 =	sne.s32 s11, $0x0;
	s9 =	simm.s32 @!p1 $0x780;
	[sflag:s15] =	ssyncadd.s32 @!p1 $0xFFFFC000  }
0xf7: {  	[spmem:s4] =	stream.indirect.scatter.add.f32 @!p1 [tilespmem:s13], [sflag:$0x8], $0x80, s9, s8, $0xb8;
	[tilespmem:$0x1C810] =	vst v63  }
.Ltmp5:
0xf8: {  	_ =	swait.ge @!p1 [sflag:s16], $0x4000;
	(pc) =	sbr.rel @p0 .LBB2_4-.Ltmp5, $4  }
0xf9: {  	[sflag:s16] =	ssyncset.done @!p1 $0x0  }
0xfa: {  	[sflag:s16] =	ssyncadd.s32 @!p1 $0xFFFFC000  }
0xfb: {  	_ =	swait.ge @!p1 [sflag:s12], $0x4000  }
0xfc: {  	[sflag:s12] =	ssyncset.done @!p1 $0x0  }
.Ltmp6:
0xfd: {  	_ = 	snop;
	(pc) =	sbr.rel .LBB2_5-.Ltmp6, $1  }
0xfe: {  	_ =	sdelay $0x3  }
.LBB2_8:
0xff: {  	_ =	sfence.sel $0x180000  }
0x100: {  	[bflag:$0x0] =	sbarrier.arrive $0xFFFF  }
0x101: {  	_ =	strace $0x9000004A  }
0x102: {  	s0 =	stileid.u32;
	[bflag:$0x2] =	sbarrier.arrive $0xFFFF  }
0x103: {  	p0 =	sne.s32 s0, $0x0;
	s0 =	rddreg [dreg:$0x4]  }
0x104: {  	s0 =	sadd.s32 @!p0 $0x100000, s0  }
0x105: {  	[sflag:s0] =	ssyncadd.tile.s32 @!p0 $0x1;
	_ =	shalt  }
.Lfunc_end2:
_tile_overlayer_lowered:
.L_overlay_start_2:
0x106: {  	(tag) =	ssettag $0x2  }
0x107: {  	s0 =	rddreg [dreg:$0x0];
	s2 =	stileid.u32  }
0x108: {  	s1 =	rddreg [dreg:$0x1];
	p0 =	sne.s32 s2, $0x0  }
0x109: {  	s3 =	rddreg [dreg:$0x2];
	[bflag:$0x3] =	sbarrier.arrive $0xFFFF;
	s2 =	simm.s32 @!p0 $0x1C09  }
0x10a: {  	[timem:s3], [sflag:s2] =	dma.local @!p0 [hbm:s0], s1  }
0x10b: {  	s0 =	simm.s32 @!p0 $0x9  }
0x10c: {  	_ =	swait.ge @!p0 [sflag:s0], s1  }
0x10d: {  	s1 =	ssub.s32 @!p0 $0x0, s1;
	[sflag:s0] =	ssyncset.done @!p0 $0x0  }
0x10e: {  	[sflag:s0] =	ssyncadd.s32 @!p0 s1  }
0x10f: {  	[bflag:$0x3] =	sbarrier.arrive $0xFFFF  }
0x110: {  	_ =	shalt  }

</sc_bundles>
